<compile_context>
chip_gen: v7x
topology: tpu7x:2x2x1
jax: 0.10.2.dev20260603
libtpu: 0.0.44.dev20260713+nightly
codegen_flags: <defaults>
</compile_context>

<pallas_src>
import functools

import jax
import jax.numpy as jnp
from jax import lax
from jax.experimental import pallas as pl
from jax.experimental.pallas import tpu as pltpu
from jax.experimental.pallas import tpu_sc as plsc

N_NODES = 10000
N_EDGES = 320000
LANES = 16
NT = 16
EPT = N_EDGES // NT
Q = 5
QS = EPT // Q
NPAD = N_NODES


def _sc_spmv_chains(x_pad, src3, dst3, w3):
    mesh = plsc.VectorSubcoreMesh(core_axis_name="c", subcore_axis_name="s")

    @functools.partial(
        pl.kernel,
        mesh=mesh,
        compiler_params=pltpu.CompilerParams(needs_layout_passes=False),
        out_type=jax.ShapeDtypeStruct((3 * NPAD,), jnp.float32),
        scratch_types=(
            [pltpu.VMEM((QS,), jnp.int32)] * Q
            + [pltpu.VMEM((QS,), jnp.int32)] * Q
            + [pltpu.VMEM((QS,), jnp.float32)] * Q
            + [pltpu.VMEM((QS,), jnp.float32)] * Q
            + [
                pltpu.VMEM((NPAD,), jnp.float32),
                pltpu.VMEM_SHARED((NPAD,), jnp.float32),
                pltpu.VMEM_SHARED((NPAD,), jnp.float32),
                pltpu.VMEM_SHARED((NPAD,), jnp.float32),
                pltpu.SemaphoreType.DMA,
                pltpu.SemaphoreType.DMA,
            ]
        ),
    )
    def spmv_kernel(x_hbm, src_hbm, dst_hbm, w_hbm, out_hbm, *scratch):
        src_v = scratch[0:Q]
        dst_v = scratch[Q:2 * Q]
        w_v = scratch[2 * Q:3 * Q]
        msg_v = scratch[3 * Q:4 * Q]
        v_v, acc_a, acc_b, acc_c, sem_st, sem_sc = scratch[4 * Q:]
        cid = lax.axis_index("c")
        sid = lax.axis_index("s")

        base = sid * EPT
        stage = [pltpu.async_copy(x_hbm, v_v, sem_st)]
        for q in range(Q):
            qsl = pl.ds(base + q * QS, QS)
            stage.append(pltpu.async_copy(src_hbm.at[qsl], src_v[q], sem_st))
            stage.append(pltpu.async_copy(dst_hbm.at[qsl], dst_v[q], sem_st))
            stage.append(pltpu.async_copy(w_hbm.at[qsl], w_v[q], sem_st))

        @pl.when(sid < 3)
        def _():
            def zero_body(i, _):
                msg_v[0][pl.ds(i * LANES, LANES)] = jnp.zeros(
                    (LANES,), jnp.float32)
                return 0
            lax.fori_loop(0, QS // LANES, zero_body, 0, unroll=4)

        def zero_acc(acc):
            pltpu.sync_copy(msg_v[0], acc.at[pl.ds(0, QS)])
            pltpu.sync_copy(msg_v[0], acc.at[pl.ds(QS, QS)])
            pltpu.sync_copy(msg_v[0].at[pl.ds(0, NPAD - 2 * QS)],
                            acc.at[pl.ds(2 * QS, NPAD - 2 * QS)])

        @pl.when(sid == 0)
        def _():
            zero_acc(acc_a)

        @pl.when(sid == 1)
        def _():
            zero_acc(acc_b)

        @pl.when(sid == 2)
        def _():
            zero_acc(acc_c)

        for d in stage:
            d.wait()

        def spmv_pass(acc):
            descs = []
            for q in range(Q):
                sq, wq, mq = src_v[q], w_v[q], msg_v[q]

                @plsc.parallel_loop(0, QS, step=LANES, unroll=4)
                def body(i):
                    sl = pl.ds(i, LANES)
                    vals = plsc.load_gather(v_v, [sq[sl]])
                    mq[sl] = vals * wq[sl]
                descs.append(pltpu.async_copy(
                    mq, acc.at[dst_v[q]], sem_sc, add=True))
            for d in descs:
                d.wait()

        plsc.subcore_barrier()

        @pl.when(cid == 0)
        def _():
            spmv_pass(acc_a)

        @pl.when(cid == 1)
        def _():
            descs = [pltpu.async_copy(w_v[q], acc_a.at[dst_v[q]],
                                      sem_sc, add=True) for q in range(Q)]
            for d in descs:
                d.wait()

        plsc.subcore_barrier()

        pltpu.sync_copy(acc_a, v_v)
        spmv_pass(acc_b)

        plsc.subcore_barrier()

        @pl.when(cid == 0)
        def _():
            pltpu.sync_copy(acc_b, v_v)
            spmv_pass(acc_c)

        plsc.subcore_barrier()

        @pl.when(jnp.logical_and(cid == 0, sid == 0))
        def _():
            pltpu.sync_copy(acc_c, v_v)
            pltpu.sync_copy(v_v, out_hbm.at[pl.ds(0, NPAD)])

        @pl.when(jnp.logical_and(cid == 1, sid == 0))
        def _():
            pltpu.sync_copy(acc_a, v_v)
            pltpu.sync_copy(v_v, out_hbm.at[pl.ds(NPAD, NPAD)])
            pltpu.sync_copy(acc_b, v_v)
            pltpu.sync_copy(v_v, out_hbm.at[pl.ds(2 * NPAD, NPAD)])

    return spmv_kernel(x_pad, src3, dst3, w3)


def _tc_expand(sums2d, W1, b1, W2, b2, W3, b3):

    def expand_kernel(sums_ref, w1_ref, b1_ref, w2_ref, b2_ref, w3_ref, b3_ref,
                      out_ref):
        sums2d = sums_ref[...]
        c1 = jnp.dot(jnp.dot(w1_ref[...], w2_ref[...],
                             preferred_element_type=jnp.float32), w3_ref[...],
                     preferred_element_type=jnp.float32)
        c2 = jnp.dot(jnp.dot(b1_ref[...], w2_ref[...],
                             preferred_element_type=jnp.float32), w3_ref[...],
                     preferred_element_type=jnp.float32)
        c3 = jnp.dot(b2_ref[...], w3_ref[...],
                     preferred_element_type=jnp.float32)
        coeff = jnp.concatenate([c1, c3, c2], axis=0)
        h = jax.lax.dot_general(
            sums2d, coeff, (((0,), (0,)), ((), ())),
            preferred_element_type=jnp.float32)
        h = h + b3_ref[...]
        out_ref[...] = 1.0 / (1.0 + jnp.exp(-h))

    return pl.pallas_call(
        expand_kernel,
        out_shape=jax.ShapeDtypeStruct((N_NODES, 128), jnp.float32),
    )(sums2d, W1, b1, W2, b2, W3, b3)


def kernel(x, edge_index, edge_weights, W1, b1, W2, b2, W3, b3):
    src = edge_index[0].astype(jnp.int32)
    dst = edge_index[1].astype(jnp.int32)
    w = edge_weights.astype(jnp.float32)
    x_flat = x[:, 0]

    sums = _sc_spmv_chains(x_flat, src, dst, w)
    sums2d = sums.reshape(3, NPAD)

    return _tc_expand(sums2d, W1, b1.reshape(1, -1), W2, b2.reshape(1, -1),
                      W3, b3.reshape(1, -1))

# --- scband reference (transcript-rebuilt; emitter-appended) ---
"""Pipeline reference for scband-combined-node-features-7919919694206 (READ-ONLY COPY).

The authoritative reference and input builder live on the scoring server;
editing this copy changes nothing except your own understanding.
"""

import jax, jax.numpy as jnp
import numpy as np

N_NODES = 10000
N_EDGES = 320000
NF = 128
D1 = int(np.power(2, 1) * NF / 8)  # 32
D2 = int(np.power(2, 2) * NF / 8)  # 64
D3 = NF                             # 128


def setup_inputs(seed: int = 0) -> dict:
    key = jax.random.key(seed)
    ks = jax.random.split(key, 10)
    x = jax.random.normal(ks[0], (N_NODES, 1), dtype=jnp.float32)
    edge_index = jax.random.randint(ks[1], (2, N_EDGES), 0, N_NODES, dtype=jnp.int64)
    edge_weights = jax.random.uniform(ks[2], (N_EDGES,), dtype=jnp.float32)
    # GCNConv weights (glorot) and biases (zeros init in PyG; use small random for generality)
    W1 = jax.random.normal(ks[3], (1, D1), dtype=jnp.float32) * (1.0 / np.sqrt(1 + D1))
    b1 = jnp.zeros((D1,), dtype=jnp.float32)
    W2 = jax.random.normal(ks[4], (D1, D2), dtype=jnp.float32) * (1.0 / np.sqrt(D1 + D2))
    b2 = jnp.zeros((D2,), dtype=jnp.float32)
    W3 = jax.random.normal(ks[5], (D2, D3), dtype=jnp.float32) * (1.0 / np.sqrt(D2 + D3))
    b3 = jnp.zeros((D3,), dtype=jnp.float32)
    return {"x": x, "edge_index": edge_index, "edge_weights": edge_weights,
            "W1": W1, "b1": b1, "W2": W2, "b2": b2, "W3": W3, "b3": b3}


def _gcn_conv(x, edge_index, edge_weights, W, b):
    # GCNConv with add_self_loops=False, normalize=False:
    # h = x @ W; out[dst] += edge_weight * h[src]; out += b
    h = x @ W
    src = edge_index[0]
    dst = edge_index[1]
    msgs = jnp.take(h, src, axis=0) * edge_weights[:, None]
    out = jnp.zeros((x.shape[0], W.shape[1]), dtype=h.dtype).at[dst].add(msgs)
    return out + b


def reference(x, edge_index, edge_weights, W1, b1, W2, b2, W3, b3):
    h = _gcn_conv(x, edge_index, edge_weights, W1, b1)
    h = _gcn_conv(h, edge_index, edge_weights, W2, b2)
    h = _gcn_conv(h, edge_index, edge_weights, W3, b3)
    return jax.nn.sigmoid(h)

if __name__ == "__main__":
    import jax
    _d = setup_inputs()
    print(jax.jit(kernel)(*tuple(_d.values())))

</pallas_src>

<mosaic_0001>
#map = affine_map<(d0, d1) -> (0)>
module attributes {stable_mosaic.version = 14 : i64} {
  func.func @spmv_kernel(%arg0: i32, %arg1: i32, %arg2: memref<10000xf32, #tpu.memory_space<hbm>>, %arg3: memref<320000xi32, #tpu.memory_space<hbm>>, %arg4: memref<320000xi32, #tpu.memory_space<hbm>>, %arg5: memref<320000xf32, #tpu.memory_space<hbm>>, %arg6: memref<30000xf32, #tpu.memory_space<hbm>>, %arg7: memref<4000xi32, #tpu.memory_space<vmem>>, %arg8: memref<4000xi32, #tpu.memory_space<vmem>>, %arg9: memref<4000xi32, #tpu.memory_space<vmem>>, %arg10: memref<4000xi32, #tpu.memory_space<vmem>>, %arg11: memref<4000xi32, #tpu.memory_space<vmem>>, %arg12: memref<4000xi32, #tpu.memory_space<vmem>>, %arg13: memref<4000xi32, #tpu.memory_space<vmem>>, %arg14: memref<4000xi32, #tpu.memory_space<vmem>>, %arg15: memref<4000xi32, #tpu.memory_space<vmem>>, %arg16: memref<4000xi32, #tpu.memory_space<vmem>>, %arg17: memref<4000xf32, #tpu.memory_space<vmem>>, %arg18: memref<4000xf32, #tpu.memory_space<vmem>>, %arg19: memref<4000xf32, #tpu.memory_space<vmem>>, %arg20: memref<4000xf32, #tpu.memory_space<vmem>>, %arg21: memref<4000xf32, #tpu.memory_space<vmem>>, %arg22: memref<4000xf32, #tpu.memory_space<vmem>>, %arg23: memref<4000xf32, #tpu.memory_space<vmem>>, %arg24: memref<4000xf32, #tpu.memory_space<vmem>>, %arg25: memref<4000xf32, #tpu.memory_space<vmem>>, %arg26: memref<4000xf32, #tpu.memory_space<vmem>>, %arg27: memref<10000xf32, #tpu.memory_space<vmem>>, %arg28: memref<10000xf32, #tpu.memory_space<vmem_shared>>, %arg29: memref<10000xf32, #tpu.memory_space<vmem_shared>>, %arg30: memref<10000xf32, #tpu.memory_space<vmem_shared>>, %arg31: memref<!tpu.dma_semaphore, #tpu.memory_space<semaphore_mem>>, %arg32: memref<!tpu.dma_semaphore, #tpu.memory_space<semaphore_mem>>) attributes {dimension_semantics = [#tpu.dimension_semantics<core_parallel>, #tpu.dimension_semantics<subcore_parallel>], iteration_bounds = array<i64: 2, 16>, scalar_prefetch = 0 : i64, scratch_operands = 26 : i64, tpu.core_type = #tpu.core_type<sc_vector_subcore>, window_params = [{transform_indices = #map}, {transform_indices = #map}, {transform_indices = #map}, {transform_indices = #map}, {transform_indices = #map}]} {
    %mul3A = arith.constant 20000 : i32
    %mul3A_0 = arith.muli %arg1, %mul3A : i32
    tpu.enqueue_dma source(%arg2 : memref<10000xf32, #tpu.memory_space<hbm>>) target(%arg27 : memref<10000xf32, #tpu.memory_space<vmem>>) target_semaphore(%arg31 : memref<!tpu.dma_semaphore, #tpu.memory_space<semaphore_mem>>)
    %add3A = arith.constant 0 : i32
    %add3A_1 = arith.addi %mul3A_0, %add3A : i32
    %dma_start3A = tpu.memref_slice %arg3[%add3A_1] : memref<320000xi32, #tpu.memory_space<hbm>> -> memref<4000xi32, #tpu.memory_space<hbm>>
    %dma_start3A_2 = tpu.memref_slice %arg3[%add3A_1] : memref<320000xi32, #tpu.memory_space<hbm>> -> memref<4000xi32, #tpu.memory_space<hbm>>
    tpu.enqueue_dma source(%dma_start3A_2 : memref<4000xi32, #tpu.memory_space<hbm>>) target(%arg7 : memref<4000xi32, #tpu.memory_space<vmem>>) target_semaphore(%arg31 : memref<!tpu.dma_semaphore, #tpu.memory_space<semaphore_mem>>)
    %dma_start3A_3 = tpu.memref_slice %arg4[%add3A_1] : memref<320000xi32, #tpu.memory_space<hbm>> -> memref<4000xi32, #tpu.memory_space<hbm>>
    %dma_start3A_4 = tpu.memref_slice %arg4[%add3A_1] : memref<320000xi32, #tpu.memory_space<hbm>> -> memref<4000xi32, #tpu.memory_space<hbm>>
    tpu.enqueue_dma source(%dma_start3A_4 : memref<4000xi32, #tpu.memory_space<hbm>>) target(%arg12 : memref<4000xi32, #tpu.memory_space<vmem>>) target_semaphore(%arg31 : memref<!tpu.dma_semaphore, #tpu.memory_space<semaphore_mem>>)
    %dma_start3A_5 = tpu.memref_slice %arg5[%add3A_1] : memref<320000xf32, #tpu.memory_space<hbm>> -> memref<4000xf32, #tpu.memory_space<hbm>>
    %dma_start3A_6 = tpu.memref_slice %arg5[%add3A_1] : memref<320000xf32, #tpu.memory_space<hbm>> -> memref<4000xf32, #tpu.memory_space<hbm>>
    tpu.enqueue_dma source(%dma_start3A_6 : memref<4000xf32, #tpu.memory_space<hbm>>) target(%arg17 : memref<4000xf32, #tpu.memory_space<vmem>>) target_semaphore(%arg31 : memref<!tpu.dma_semaphore, #tpu.memory_space<semaphore_mem>>)
    %add3A_7 = arith.constant 4000 : i32
    %add3A_8 = arith.addi %mul3A_0, %add3A_7 : i32
    %dma_start3A_9 = tpu.memref_slice %arg3[%add3A_8] : memref<320000xi32, #tpu.memory_space<hbm>> -> memref<4000xi32, #tpu.memory_space<hbm>>
    %dma_start3A_10 = tpu.memref_slice %arg3[%add3A_8] : memref<320000xi32, #tpu.memory_space<hbm>> -> memref<4000xi32, #tpu.memory_space<hbm>>
    tpu.enqueue_dma source(%dma_start3A_10 : memref<4000xi32, #tpu.memory_space<hbm>>) target(%arg8 : memref<4000xi32, #tpu.memory_space<vmem>>) target_semaphore(%arg31 : memref<!tpu.dma_semaphore, #tpu.memory_space<semaphore_mem>>)
    %dma_start3A_11 = tpu.memref_slice %arg4[%add3A_8] : memref<320000xi32, #tpu.memory_space<hbm>> -> memref<4000xi32, #tpu.memory_space<hbm>>
    %dma_start3A_12 = tpu.memref_slice %arg4[%add3A_8] : memref<320000xi32, #tpu.memory_space<hbm>> -> memref<4000xi32, #tpu.memory_space<hbm>>
    tpu.enqueue_dma source(%dma_start3A_12 : memref<4000xi32, #tpu.memory_space<hbm>>) target(%arg13 : memref<4000xi32, #tpu.memory_space<vmem>>) target_semaphore(%arg31 : memref<!tpu.dma_semaphore, #tpu.memory_space<semaphore_mem>>)
    %dma_start3A_13 = tpu.memref_slice %arg5[%add3A_8] : memref<320000xf32, #tpu.memory_space<hbm>> -> memref<4000xf32, #tpu.memory_space<hbm>>
    %dma_start3A_14 = tpu.memref_slice %arg5[%add3A_8] : memref<320000xf32, #tpu.memory_space<hbm>> -> memref<4000xf32, #tpu.memory_space<hbm>>
    tpu.enqueue_dma source(%dma_start3A_14 : memref<4000xf32, #tpu.memory_space<hbm>>) target(%arg18 : memref<4000xf32, #tpu.memory_space<vmem>>) target_semaphore(%arg31 : memref<!tpu.dma_semaphore, #tpu.memory_space<semaphore_mem>>)
    %add3A_15 = arith.constant 8000 : i32
    %add3A_16 = arith.addi %mul3A_0, %add3A_15 : i32
    %dma_start3A_17 = tpu.memref_slice %arg3[%add3A_16] : memref<320000xi32, #tpu.memory_space<hbm>> -> memref<4000xi32, #tpu.memory_space<hbm>>
    %dma_start3A_18 = tpu.memref_slice %arg3[%add3A_16] : memref<320000xi32, #tpu.memory_space<hbm>> -> memref<4000xi32, #tpu.memory_space<hbm>>
    tpu.enqueue_dma source(%dma_start3A_18 : memref<4000xi32, #tpu.memory_space<hbm>>) target(%arg9 : memref<4000xi32, #tpu.memory_space<vmem>>) target_semaphore(%arg31 : memref<!tpu.dma_semaphore, #tpu.memory_space<semaphore_mem>>)
    %dma_start3A_19 = tpu.memref_slice %arg4[%add3A_16] : memref<320000xi32, #tpu.memory_space<hbm>> -> memref<4000xi32, #tpu.memory_space<hbm>>
    %dma_start3A_20 = tpu.memref_slice %arg4[%add3A_16] : memref<320000xi32, #tpu.memory_space<hbm>> -> memref<4000xi32, #tpu.memory_space<hbm>>
    tpu.enqueue_dma source(%dma_start3A_20 : memref<4000xi32, #tpu.memory_space<hbm>>) target(%arg14 : memref<4000xi32, #tpu.memory_space<vmem>>) target_semaphore(%arg31 : memref<!tpu.dma_semaphore, #tpu.memory_space<semaphore_mem>>)
    %dma_start3A_21 = tpu.memref_slice %arg5[%add3A_16] : memref<320000xf32, #tpu.memory_space<hbm>> -> memref<4000xf32, #tpu.memory_space<hbm>>
    %dma_start3A_22 = tpu.memref_slice %arg5[%add3A_16] : memref<320000xf32, #tpu.memory_space<hbm>> -> memref<4000xf32, #tpu.memory_space<hbm>>
    tpu.enqueue_dma source(%dma_start3A_22 : memref<4000xf32, #tpu.memory_space<hbm>>) target(%arg19 : memref<4000xf32, #tpu.memory_space<vmem>>) target_semaphore(%arg31 : memref<!tpu.dma_semaphore, #tpu.memory_space<semaphore_mem>>)
    %add3A_23 = arith.constant 12000 : i32
    %add3A_24 = arith.addi %mul3A_0, %add3A_23 : i32
    %dma_start3A_25 = tpu.memref_slice %arg3[%add3A_24] : memref<320000xi32, #tpu.memory_space<hbm>> -> memref<4000xi32, #tpu.memory_space<hbm>>
    %dma_start3A_26 = tpu.memref_slice %arg3[%add3A_24] : memref<320000xi32, #tpu.memory_space<hbm>> -> memref<4000xi32, #tpu.memory_space<hbm>>
    tpu.enqueue_dma source(%dma_start3A_26 : memref<4000xi32, #tpu.memory_space<hbm>>) target(%arg10 : memref<4000xi32, #tpu.memory_space<vmem>>) target_semaphore(%arg31 : memref<!tpu.dma_semaphore, #tpu.memory_space<semaphore_mem>>)
    %dma_start3A_27 = tpu.memref_slice %arg4[%add3A_24] : memref<320000xi32, #tpu.memory_space<hbm>> -> memref<4000xi32, #tpu.memory_space<hbm>>
    %dma_start3A_28 = tpu.memref_slice %arg4[%add3A_24] : memref<320000xi32, #tpu.memory_space<hbm>> -> memref<4000xi32, #tpu.memory_space<hbm>>
    tpu.enqueue_dma source(%dma_start3A_28 : memref<4000xi32, #tpu.memory_space<hbm>>) target(%arg15 : memref<4000xi32, #tpu.memory_space<vmem>>) target_semaphore(%arg31 : memref<!tpu.dma_semaphore, #tpu.memory_space<semaphore_mem>>)
    %dma_start3A_29 = tpu.memref_slice %arg5[%add3A_24] : memref<320000xf32, #tpu.memory_space<hbm>> -> memref<4000xf32, #tpu.memory_space<hbm>>
    %dma_start3A_30 = tpu.memref_slice %arg5[%add3A_24] : memref<320000xf32, #tpu.memory_space<hbm>> -> memref<4000xf32, #tpu.memory_space<hbm>>
    tpu.enqueue_dma source(%dma_start3A_30 : memref<4000xf32, #tpu.memory_space<hbm>>) target(%arg20 : memref<4000xf32, #tpu.memory_space<vmem>>) target_semaphore(%arg31 : memref<!tpu.dma_semaphore, #tpu.memory_space<semaphore_mem>>)
    %add3A_31 = arith.constant 16000 : i32
    %add3A_32 = arith.addi %mul3A_0, %add3A_31 : i32
    %dma_start3A_33 = tpu.memref_slice %arg3[%add3A_32] : memref<320000xi32, #tpu.memory_space<hbm>> -> memref<4000xi32, #tpu.memory_space<hbm>>
    %dma_start3A_34 = tpu.memref_slice %arg3[%add3A_32] : memref<320000xi32, #tpu.memory_space<hbm>> -> memref<4000xi32, #tpu.memory_space<hbm>>
    tpu.enqueue_dma source(%dma_start3A_34 : memref<4000xi32, #tpu.memory_space<hbm>>) target(%arg11 : memref<4000xi32, #tpu.memory_space<vmem>>) target_semaphore(%arg31 : memref<!tpu.dma_semaphore, #tpu.memory_space<semaphore_mem>>)
    %dma_start3A_35 = tpu.memref_slice %arg4[%add3A_32] : memref<320000xi32, #tpu.memory_space<hbm>> -> memref<4000xi32, #tpu.memory_space<hbm>>
    %dma_start3A_36 = tpu.memref_slice %arg4[%add3A_32] : memref<320000xi32, #tpu.memory_space<hbm>> -> memref<4000xi32, #tpu.memory_space<hbm>>
    tpu.enqueue_dma source(%dma_start3A_36 : memref<4000xi32, #tpu.memory_space<hbm>>) target(%arg16 : memref<4000xi32, #tpu.memory_space<vmem>>) target_semaphore(%arg31 : memref<!tpu.dma_semaphore, #tpu.memory_space<semaphore_mem>>)
    %dma_start3A_37 = tpu.memref_slice %arg5[%add3A_32] : memref<320000xf32, #tpu.memory_space<hbm>> -> memref<4000xf32, #tpu.memory_space<hbm>>
    %dma_start3A_38 = tpu.memref_slice %arg5[%add3A_32] : memref<320000xf32, #tpu.memory_space<hbm>> -> memref<4000xf32, #tpu.memory_space<hbm>>
    tpu.enqueue_dma source(%dma_start3A_38 : memref<4000xf32, #tpu.memory_space<hbm>>) target(%arg21 : memref<4000xf32, #tpu.memory_space<vmem>>) target_semaphore(%arg31 : memref<!tpu.dma_semaphore, #tpu.memory_space<semaphore_mem>>)
    %lt3A = arith.constant 3 : i32
    %lt3A_39 = arith.cmpi slt, %arg1, %lt3A : i32
    %convert_element_type3A = arith.extui %lt3A_39 : i1 to i32
    %cond3A = arith.constant 0 : i32
    %cond3A_40 = arith.cmpi ne, %convert_element_type3A, %cond3A : i32
    scf.if %cond3A_40 {
      %scan3A = arith.constant 0 : i32
      %scan3A_151 = arith.constant 0 : i32
      %scan3A_152 = arith.constant 248 : i32
      %scan3A_153 = arith.addi %scan3A_151, %scan3A_152 : i32
      %scan3A_154 = arith.constant 4 : i32
      %scan3A_155 = scf.for %scan3A_173 = %scan3A_151 to %scan3A_153 step %scan3A_154 iter_args(%scan3A_174 = %scan3A) -> (i32)  : i32 {
        %broadcast_in_dim3A_175 = arith.constant 0.000000e+00 : f32
        %broadcast_in_dim3A_176 = vector.broadcast %broadcast_in_dim3A_175 : f32 to vector<16xf32>
        %mul3A_177 = arith.constant 16 : i32
        %mul3A_178 = arith.muli %scan3A_173, %mul3A_177 : i32
        %swap3A_179 = arith.index_cast %mul3A_178 : i32 to index
        %swap3A_180 = tpu.vector_load %arg22[%swap3A_179] {strides = array<i32>} : memref<4000xf32, #tpu.memory_space<vmem>>, vector<16xf32>,
        tpu.vector_store %arg22[%swap3A_179], %broadcast_in_dim3A_176 {strides = array<i32>} : memref<4000xf32, #tpu.memory_space<vmem>>, vector<16xf32>,
        %scan3A_181 = arith.constant 0 : i32
        %scan3A_182 = arith.constant 1 : i32
        %scan3A_183 = arith.addi %scan3A_173, %scan3A_182 : i32
        %broadcast_in_dim3A_184 = arith.constant 0.000000e+00 : f32
        %broadcast_in_dim3A_185 = vector.broadcast %broadcast_in_dim3A_184 : f32 to vector<16xf32>
        %mul3A_186 = arith.constant 16 : i32
        %mul3A_187 = arith.muli %scan3A_183, %mul3A_186 : i32
        %swap3A_188 = arith.index_cast %mul3A_187 : i32 to index
        %swap3A_189 = tpu.vector_load %arg22[%swap3A_188] {strides = array<i32>} : memref<4000xf32, #tpu.memory_space<vmem>>, vector<16xf32>,
        tpu.vector_store %arg22[%swap3A_188], %broadcast_in_dim3A_185 {strides = array<i32>} : memref<4000xf32, #tpu.memory_space<vmem>>, vector<16xf32>,
        %scan3A_190 = arith.constant 0 : i32
        %scan3A_191 = arith.constant 2 : i32
        %scan3A_192 = arith.addi %scan3A_173, %scan3A_191 : i32
        %broadcast_in_dim3A_193 = arith.constant 0.000000e+00 : f32
        %broadcast_in_dim3A_194 = vector.broadcast %broadcast_in_dim3A_193 : f32 to vector<16xf32>
        %mul3A_195 = arith.constant 16 : i32
        %mul3A_196 = arith.muli %scan3A_192, %mul3A_195 : i32
        %swap3A_197 = arith.index_cast %mul3A_196 : i32 to index
        %swap3A_198 = tpu.vector_load %arg22[%swap3A_197] {strides = array<i32>} : memref<4000xf32, #tpu.memory_space<vmem>>, vector<16xf32>,
        tpu.vector_store %arg22[%swap3A_197], %broadcast_in_dim3A_194 {strides = array<i32>} : memref<4000xf32, #tpu.memory_space<vmem>>, vector<16xf32>,
        %scan3A_199 = arith.constant 0 : i32
        %scan3A_200 = arith.constant 3 : i32
        %scan3A_201 = arith.addi %scan3A_173, %scan3A_200 : i32
        %broadcast_in_dim3A_202 = arith.constant 0.000000e+00 : f32
        %broadcast_in_dim3A_203 = vector.broadcast %broadcast_in_dim3A_202 : f32 to vector<16xf32>
        %mul3A_204 = arith.constant 16 : i32
        %mul3A_205 = arith.muli %scan3A_201, %mul3A_204 : i32
        %swap3A_206 = arith.index_cast %mul3A_205 : i32 to index
        %swap3A_207 = tpu.vector_load %arg22[%swap3A_206] {strides = array<i32>} : memref<4000xf32, #tpu.memory_space<vmem>>, vector<16xf32>,
        tpu.vector_store %arg22[%swap3A_206], %broadcast_in_dim3A_203 {strides = array<i32>} : memref<4000xf32, #tpu.memory_space<vmem>>, vector<16xf32>,
        %scan3A_208 = arith.constant 0 : i32
        scf.yield %scan3A_208 : i32
      }
      %scan3A_156 = arith.constant 248 : i32
      %scan3A_157 = arith.addi %scan3A_151, %scan3A_156 : i32
      %broadcast_in_dim3A = arith.constant 0.000000e+00 : f32
      %broadcast_in_dim3A_158 = vector.broadcast %broadcast_in_dim3A : f32 to vector<16xf32>
      %mul3A_159 = arith.constant 16 : i32
      %mul3A_160 = arith.muli %scan3A_157, %mul3A_159 : i32
      %swap3A = arith.index_cast %mul3A_160 : i32 to index
      %swap3A_161 = tpu.vector_load %arg22[%swap3A] {strides = array<i32>} : memref<4000xf32, #tpu.memory_space<vmem>>, vector<16xf32>,
      tpu.vector_store %arg22[%swap3A], %broadcast_in_dim3A_158 {strides = array<i32>} : memref<4000xf32, #tpu.memory_space<vmem>>, vector<16xf32>,
      %scan3A_162 = arith.constant 0 : i32
      %scan3A_163 = arith.constant 249 : i32
      %scan3A_164 = arith.addi %scan3A_151, %scan3A_163 : i32
      %broadcast_in_dim3A_165 = arith.constant 0.000000e+00 : f32
      %broadcast_in_dim3A_166 = vector.broadcast %broadcast_in_dim3A_165 : f32 to vector<16xf32>
      %mul3A_167 = arith.constant 16 : i32
      %mul3A_168 = arith.muli %scan3A_164, %mul3A_167 : i32
      %swap3A_169 = arith.index_cast %mul3A_168 : i32 to index
      %swap3A_170 = tpu.vector_load %arg22[%swap3A_169] {strides = array<i32>} : memref<4000xf32, #tpu.memory_space<vmem>>, vector<16xf32>,
      tpu.vector_store %arg22[%swap3A_169], %broadcast_in_dim3A_166 {strides = array<i32>} : memref<4000xf32, #tpu.memory_space<vmem>>, vector<16xf32>,
      %scan3A_171 = arith.constant 0 : i32
      %scan3A_172 = arith.constant 250 : i32
    } else {
    }
    %eq3A = arith.constant 0 : i32
    %eq3A_41 = arith.cmpi eq, %arg1, %eq3A : i32
    %convert_element_type3A_42 = arith.extui %eq3A_41 : i1 to i32
    %cond3A_43 = arith.constant 0 : i32
    %cond3A_44 = arith.cmpi ne, %convert_element_type3A_42, %cond3A_43 : i32
    scf.if %cond3A_44 {
      "tpu.region"() ({
        %run_scoped3A = tpu.sem_alloc : memref<!tpu.dma_semaphore, #tpu.memory_space<semaphore_mem>>
        %dma_start3A_151 = arith.constant 0 : i32
        %dma_start3A_152 = tpu.memref_slice %arg28[%dma_start3A_151] : memref<10000xf32, #tpu.memory_space<vmem_shared>> -> memref<4000xf32, #tpu.memory_space<vmem_shared>>
        %dma_start3A_153 = arith.constant 0 : i32
        %dma_start3A_154 = tpu.memref_slice %arg28[%dma_start3A_153] : memref<10000xf32, #tpu.memory_space<vmem_shared>> -> memref<4000xf32, #tpu.memory_space<vmem_shared>>
        tpu.enqueue_dma source(%arg22 : memref<4000xf32, #tpu.memory_space<vmem>>) target(%dma_start3A_154 : memref<4000xf32, #tpu.memory_space<vmem_shared>>) target_semaphore(%run_scoped3A : memref<!tpu.dma_semaphore, #tpu.memory_space<semaphore_mem>>)
        %dma_wait3A_155 = arith.constant 0 : i32
        %dma_wait3A_156 = tpu.memref_slice %arg28[%dma_wait3A_155] : memref<10000xf32, #tpu.memory_space<vmem_shared>> -> memref<4000xf32, #tpu.memory_space<vmem_shared>>
        %dma_wait3A_157 = arith.constant 0 : i32
        %dma_wait3A_158 = tpu.memref_slice %arg28[%dma_wait3A_157] : memref<10000xf32, #tpu.memory_space<vmem_shared>> -> memref<4000xf32, #tpu.memory_space<vmem_shared>>
        tpu.wait_dma2 semaphore(%run_scoped3A : memref<!tpu.dma_semaphore, #tpu.memory_space<semaphore_mem>>) src(%arg22 : memref<4000xf32, #tpu.memory_space<vmem>>) dst(%dma_wait3A_158 : memref<4000xf32, #tpu.memory_space<vmem_shared>>)
        tpu.yield
      }) : () -> ()
      "tpu.region"() ({
        %run_scoped3A = tpu.sem_alloc : memref<!tpu.dma_semaphore, #tpu.memory_space<semaphore_mem>>
        %dma_start3A_151 = arith.constant 4000 : i32
        %dma_start3A_152 = tpu.memref_slice %arg28[%dma_start3A_151] : memref<10000xf32, #tpu.memory_space<vmem_shared>> -> memref<4000xf32, #tpu.memory_space<vmem_shared>>
        %dma_start3A_153 = arith.constant 4000 : i32
        %dma_start3A_154 = tpu.memref_slice %arg28[%dma_start3A_153] : memref<10000xf32, #tpu.memory_space<vmem_shared>> -> memref<4000xf32, #tpu.memory_space<vmem_shared>>
        tpu.enqueue_dma source(%arg22 : memref<4000xf32, #tpu.memory_space<vmem>>) target(%dma_start3A_154 : memref<4000xf32, #tpu.memory_space<vmem_shared>>) target_semaphore(%run_scoped3A : memref<!tpu.dma_semaphore, #tpu.memory_space<semaphore_mem>>)
        %dma_wait3A_155 = arith.constant 4000 : i32
        %dma_wait3A_156 = tpu.memref_slice %arg28[%dma_wait3A_155] : memref<10000xf32, #tpu.memory_space<vmem_shared>> -> memref<4000xf32, #tpu.memory_space<vmem_shared>>
        %dma_wait3A_157 = arith.constant 4000 : i32
        %dma_wait3A_158 = tpu.memref_slice %arg28[%dma_wait3A_157] : memref<10000xf32, #tpu.memory_space<vmem_shared>> -> memref<4000xf32, #tpu.memory_space<vmem_shared>>
        tpu.wait_dma2 semaphore(%run_scoped3A : memref<!tpu.dma_semaphore, #tpu.memory_space<semaphore_mem>>) src(%arg22 : memref<4000xf32, #tpu.memory_space<vmem>>) dst(%dma_wait3A_158 : memref<4000xf32, #tpu.memory_space<vmem_shared>>)
        tpu.yield
      }) : () -> ()
      "tpu.region"() ({
        %run_scoped3A = tpu.sem_alloc : memref<!tpu.dma_semaphore, #tpu.memory_space<semaphore_mem>>
        %dma_start3A_151 = arith.constant 0 : i32
        %dma_start3A_152 = tpu.memref_slice %arg22[%dma_start3A_151] : memref<4000xf32, #tpu.memory_space<vmem>> -> memref<2000xf32, #tpu.memory_space<vmem>>
        %dma_start3A_153 = arith.constant 8000 : i32
        %dma_start3A_154 = tpu.memref_slice %arg28[%dma_start3A_153] : memref<10000xf32, #tpu.memory_space<vmem_shared>> -> memref<2000xf32, #tpu.memory_space<vmem_shared>>
        %dma_start3A_155 = arith.constant 8000 : i32
        %dma_start3A_156 = tpu.memref_slice %arg28[%dma_start3A_155] : memref<10000xf32, #tpu.memory_space<vmem_shared>> -> memref<2000xf32, #tpu.memory_space<vmem_shared>>
        %dma_start3A_157 = arith.constant 0 : i32
        %dma_start3A_158 = tpu.memref_slice %arg22[%dma_start3A_157] : memref<4000xf32, #tpu.memory_space<vmem>> -> memref<2000xf32, #tpu.memory_space<vmem>>
        tpu.enqueue_dma source(%dma_start3A_158 : memref<2000xf32, #tpu.memory_space<vmem>>) target(%dma_start3A_156 : memref<2000xf32, #tpu.memory_space<vmem_shared>>) target_semaphore(%run_scoped3A : memref<!tpu.dma_semaphore, #tpu.memory_space<semaphore_mem>>)
        %dma_wait3A_159 = arith.constant 0 : i32
        %dma_wait3A_160 = tpu.memref_slice %arg22[%dma_wait3A_159] : memref<4000xf32, #tpu.memory_space<vmem>> -> memref<2000xf32, #tpu.memory_space<vmem>>
        %dma_wait3A_161 = arith.constant 8000 : i32
        %dma_wait3A_162 = tpu.memref_slice %arg28[%dma_wait3A_161] : memref<10000xf32, #tpu.memory_space<vmem_shared>> -> memref<2000xf32, #tpu.memory_space<vmem_shared>>
        %dma_wait3A_163 = arith.constant 8000 : i32
        %dma_wait3A_164 = tpu.memref_slice %arg28[%dma_wait3A_163] : memref<10000xf32, #tpu.memory_space<vmem_shared>> -> memref<2000xf32, #tpu.memory_space<vmem_shared>>
        %dma_wait3A_165 = arith.constant 0 : i32
        %dma_wait3A_166 = tpu.memref_slice %arg22[%dma_wait3A_165] : memref<4000xf32, #tpu.memory_space<vmem>> -> memref<2000xf32, #tpu.memory_space<vmem>>
        tpu.wait_dma2 semaphore(%run_scoped3A : memref<!tpu.dma_semaphore, #tpu.memory_space<semaphore_mem>>) src(%dma_wait3A_166 : memref<2000xf32, #tpu.memory_space<vmem>>) dst(%dma_wait3A_164 : memref<2000xf32, #tpu.memory_space<vmem_shared>>)
        tpu.yield
      }) : () -> ()
    } else {
    }
    %eq3A_45 = arith.constant 1 : i32
    %eq3A_46 = arith.cmpi eq, %arg1, %eq3A_45 : i32
    %convert_element_type3A_47 = arith.extui %eq3A_46 : i1 to i32
    %cond3A_48 = arith.constant 0 : i32
    %cond3A_49 = arith.cmpi ne, %convert_element_type3A_47, %cond3A_48 : i32
    scf.if %cond3A_49 {
      "tpu.region"() ({
        %run_scoped3A = tpu.sem_alloc : memref<!tpu.dma_semaphore, #tpu.memory_space<semaphore_mem>>
        %dma_start3A_151 = arith.constant 0 : i32
        %dma_start3A_152 = tpu.memref_slice %arg29[%dma_start3A_151] : memref<10000xf32, #tpu.memory_space<vmem_shared>> -> memref<4000xf32, #tpu.memory_space<vmem_shared>>
        %dma_start3A_153 = arith.constant 0 : i32
        %dma_start3A_154 = tpu.memref_slice %arg29[%dma_start3A_153] : memref<10000xf32, #tpu.memory_space<vmem_shared>> -> memref<4000xf32, #tpu.memory_space<vmem_shared>>
        tpu.enqueue_dma source(%arg22 : memref<4000xf32, #tpu.memory_space<vmem>>) target(%dma_start3A_154 : memref<4000xf32, #tpu.memory_space<vmem_shared>>) target_semaphore(%run_scoped3A : memref<!tpu.dma_semaphore, #tpu.memory_space<semaphore_mem>>)
        %dma_wait3A_155 = arith.constant 0 : i32
        %dma_wait3A_156 = tpu.memref_slice %arg29[%dma_wait3A_155] : memref<10000xf32, #tpu.memory_space<vmem_shared>> -> memref<4000xf32, #tpu.memory_space<vmem_shared>>
        %dma_wait3A_157 = arith.constant 0 : i32
        %dma_wait3A_158 = tpu.memref_slice %arg29[%dma_wait3A_157] : memref<10000xf32, #tpu.memory_space<vmem_shared>> -> memref<4000xf32, #tpu.memory_space<vmem_shared>>
        tpu.wait_dma2 semaphore(%run_scoped3A : memref<!tpu.dma_semaphore, #tpu.memory_space<semaphore_mem>>) src(%arg22 : memref<4000xf32, #tpu.memory_space<vmem>>) dst(%dma_wait3A_158 : memref<4000xf32, #tpu.memory_space<vmem_shared>>)
        tpu.yield
      }) : () -> ()
      "tpu.region"() ({
        %run_scoped3A = tpu.sem_alloc : memref<!tpu.dma_semaphore, #tpu.memory_space<semaphore_mem>>
        %dma_start3A_151 = arith.constant 4000 : i32
        %dma_start3A_152 = tpu.memref_slice %arg29[%dma_start3A_151] : memref<10000xf32, #tpu.memory_space<vmem_shared>> -> memref<4000xf32, #tpu.memory_space<vmem_shared>>
        %dma_start3A_153 = arith.constant 4000 : i32
        %dma_start3A_154 = tpu.memref_slice %arg29[%dma_start3A_153] : memref<10000xf32, #tpu.memory_space<vmem_shared>> -> memref<4000xf32, #tpu.memory_space<vmem_shared>>
        tpu.enqueue_dma source(%arg22 : memref<4000xf32, #tpu.memory_space<vmem>>) target(%dma_start3A_154 : memref<4000xf32, #tpu.memory_space<vmem_shared>>) target_semaphore(%run_scoped3A : memref<!tpu.dma_semaphore, #tpu.memory_space<semaphore_mem>>)
        %dma_wait3A_155 = arith.constant 4000 : i32
        %dma_wait3A_156 = tpu.memref_slice %arg29[%dma_wait3A_155] : memref<10000xf32, #tpu.memory_space<vmem_shared>> -> memref<4000xf32, #tpu.memory_space<vmem_shared>>
        %dma_wait3A_157 = arith.constant 4000 : i32
        %dma_wait3A_158 = tpu.memref_slice %arg29[%dma_wait3A_157] : memref<10000xf32, #tpu.memory_space<vmem_shared>> -> memref<4000xf32, #tpu.memory_space<vmem_shared>>
        tpu.wait_dma2 semaphore(%run_scoped3A : memref<!tpu.dma_semaphore, #tpu.memory_space<semaphore_mem>>) src(%arg22 : memref<4000xf32, #tpu.memory_space<vmem>>) dst(%dma_wait3A_158 : memref<4000xf32, #tpu.memory_space<vmem_shared>>)
        tpu.yield
      }) : () -> ()
      "tpu.region"() ({
        %run_scoped3A = tpu.sem_alloc : memref<!tpu.dma_semaphore, #tpu.memory_space<semaphore_mem>>
        %dma_start3A_151 = arith.constant 0 : i32
        %dma_start3A_152 = tpu.memref_slice %arg22[%dma_start3A_151] : memref<4000xf32, #tpu.memory_space<vmem>> -> memref<2000xf32, #tpu.memory_space<vmem>>
        %dma_start3A_153 = arith.constant 8000 : i32
        %dma_start3A_154 = tpu.memref_slice %arg29[%dma_start3A_153] : memref<10000xf32, #tpu.memory_space<vmem_shared>> -> memref<2000xf32, #tpu.memory_space<vmem_shared>>
        %dma_start3A_155 = arith.constant 8000 : i32
        %dma_start3A_156 = tpu.memref_slice %arg29[%dma_start3A_155] : memref<10000xf32, #tpu.memory_space<vmem_shared>> -> memref<2000xf32, #tpu.memory_space<vmem_shared>>
        %dma_start3A_157 = arith.constant 0 : i32
        %dma_start3A_158 = tpu.memref_slice %arg22[%dma_start3A_157] : memref<4000xf32, #tpu.memory_space<vmem>> -> memref<2000xf32, #tpu.memory_space<vmem>>
        tpu.enqueue_dma source(%dma_start3A_158 : memref<2000xf32, #tpu.memory_space<vmem>>) target(%dma_start3A_156 : memref<2000xf32, #tpu.memory_space<vmem_shared>>) target_semaphore(%run_scoped3A : memref<!tpu.dma_semaphore, #tpu.memory_space<semaphore_mem>>)
        %dma_wait3A_159 = arith.constant 0 : i32
        %dma_wait3A_160 = tpu.memref_slice %arg22[%dma_wait3A_159] : memref<4000xf32, #tpu.memory_space<vmem>> -> memref<2000xf32, #tpu.memory_space<vmem>>
        %dma_wait3A_161 = arith.constant 8000 : i32
        %dma_wait3A_162 = tpu.memref_slice %arg29[%dma_wait3A_161] : memref<10000xf32, #tpu.memory_space<vmem_shared>> -> memref<2000xf32, #tpu.memory_space<vmem_shared>>
        %dma_wait3A_163 = arith.constant 8000 : i32
        %dma_wait3A_164 = tpu.memref_slice %arg29[%dma_wait3A_163] : memref<10000xf32, #tpu.memory_space<vmem_shared>> -> memref<2000xf32, #tpu.memory_space<vmem_shared>>
        %dma_wait3A_165 = arith.constant 0 : i32
        %dma_wait3A_166 = tpu.memref_slice %arg22[%dma_wait3A_165] : memref<4000xf32, #tpu.memory_space<vmem>> -> memref<2000xf32, #tpu.memory_space<vmem>>
        tpu.wait_dma2 semaphore(%run_scoped3A : memref<!tpu.dma_semaphore, #tpu.memory_space<semaphore_mem>>) src(%dma_wait3A_166 : memref<2000xf32, #tpu.memory_space<vmem>>) dst(%dma_wait3A_164 : memref<2000xf32, #tpu.memory_space<vmem_shared>>)
        tpu.yield
      }) : () -> ()
    } else {
    }
    %eq3A_50 = arith.constant 2 : i32
    %eq3A_51 = arith.cmpi eq, %arg1, %eq3A_50 : i32
    %convert_element_type3A_52 = arith.extui %eq3A_51 : i1 to i32
    %cond3A_53 = arith.constant 0 : i32
    %cond3A_54 = arith.cmpi ne, %convert_element_type3A_52, %cond3A_53 : i32
    scf.if %cond3A_54 {
      "tpu.region"() ({
        %run_scoped3A = tpu.sem_alloc : memref<!tpu.dma_semaphore, #tpu.memory_space<semaphore_mem>>
        %dma_start3A_151 = arith.constant 0 : i32
        %dma_start3A_152 = tpu.memref_slice %arg30[%dma_start3A_151] : memref<10000xf32, #tpu.memory_space<vmem_shared>> -> memref<4000xf32, #tpu.memory_space<vmem_shared>>
        %dma_start3A_153 = arith.constant 0 : i32
        %dma_start3A_154 = tpu.memref_slice %arg30[%dma_start3A_153] : memref<10000xf32, #tpu.memory_space<vmem_shared>> -> memref<4000xf32, #tpu.memory_space<vmem_shared>>
        tpu.enqueue_dma source(%arg22 : memref<4000xf32, #tpu.memory_space<vmem>>) target(%dma_start3A_154 : memref<4000xf32, #tpu.memory_space<vmem_shared>>) target_semaphore(%run_scoped3A : memref<!tpu.dma_semaphore, #tpu.memory_space<semaphore_mem>>)
        %dma_wait3A_155 = arith.constant 0 : i32
        %dma_wait3A_156 = tpu.memref_slice %arg30[%dma_wait3A_155] : memref<10000xf32, #tpu.memory_space<vmem_shared>> -> memref<4000xf32, #tpu.memory_space<vmem_shared>>
        %dma_wait3A_157 = arith.constant 0 : i32
        %dma_wait3A_158 = tpu.memref_slice %arg30[%dma_wait3A_157] : memref<10000xf32, #tpu.memory_space<vmem_shared>> -> memref<4000xf32, #tpu.memory_space<vmem_shared>>
        tpu.wait_dma2 semaphore(%run_scoped3A : memref<!tpu.dma_semaphore, #tpu.memory_space<semaphore_mem>>) src(%arg22 : memref<4000xf32, #tpu.memory_space<vmem>>) dst(%dma_wait3A_158 : memref<4000xf32, #tpu.memory_space<vmem_shared>>)
        tpu.yield
      }) : () -> ()
      "tpu.region"() ({
        %run_scoped3A = tpu.sem_alloc : memref<!tpu.dma_semaphore, #tpu.memory_space<semaphore_mem>>
        %dma_start3A_151 = arith.constant 4000 : i32
        %dma_start3A_152 = tpu.memref_slice %arg30[%dma_start3A_151] : memref<10000xf32, #tpu.memory_space<vmem_shared>> -> memref<4000xf32, #tpu.memory_space<vmem_shared>>
        %dma_start3A_153 = arith.constant 4000 : i32
        %dma_start3A_154 = tpu.memref_slice %arg30[%dma_start3A_153] : memref<10000xf32, #tpu.memory_space<vmem_shared>> -> memref<4000xf32, #tpu.memory_space<vmem_shared>>
        tpu.enqueue_dma source(%arg22 : memref<4000xf32, #tpu.memory_space<vmem>>) target(%dma_start3A_154 : memref<4000xf32, #tpu.memory_space<vmem_shared>>) target_semaphore(%run_scoped3A : memref<!tpu.dma_semaphore, #tpu.memory_space<semaphore_mem>>)
        %dma_wait3A_155 = arith.constant 4000 : i32
        %dma_wait3A_156 = tpu.memref_slice %arg30[%dma_wait3A_155] : memref<10000xf32, #tpu.memory_space<vmem_shared>> -> memref<4000xf32, #tpu.memory_space<vmem_shared>>
        %dma_wait3A_157 = arith.constant 4000 : i32
        %dma_wait3A_158 = tpu.memref_slice %arg30[%dma_wait3A_157] : memref<10000xf32, #tpu.memory_space<vmem_shared>> -> memref<4000xf32, #tpu.memory_space<vmem_shared>>
        tpu.wait_dma2 semaphore(%run_scoped3A : memref<!tpu.dma_semaphore, #tpu.memory_space<semaphore_mem>>) src(%arg22 : memref<4000xf32, #tpu.memory_space<vmem>>) dst(%dma_wait3A_158 : memref<4000xf32, #tpu.memory_space<vmem_shared>>)
        tpu.yield
      }) : () -> ()
      "tpu.region"() ({
        %run_scoped3A = tpu.sem_alloc : memref<!tpu.dma_semaphore, #tpu.memory_space<semaphore_mem>>
        %dma_start3A_151 = arith.constant 0 : i32
        %dma_start3A_152 = tpu.memref_slice %arg22[%dma_start3A_151] : memref<4000xf32, #tpu.memory_space<vmem>> -> memref<2000xf32, #tpu.memory_space<vmem>>
        %dma_start3A_153 = arith.constant 8000 : i32
        %dma_start3A_154 = tpu.memref_slice %arg30[%dma_start3A_153] : memref<10000xf32, #tpu.memory_space<vmem_shared>> -> memref<2000xf32, #tpu.memory_space<vmem_shared>>
        %dma_start3A_155 = arith.constant 8000 : i32
        %dma_start3A_156 = tpu.memref_slice %arg30[%dma_start3A_155] : memref<10000xf32, #tpu.memory_space<vmem_shared>> -> memref<2000xf32, #tpu.memory_space<vmem_shared>>
        %dma_start3A_157 = arith.constant 0 : i32
        %dma_start3A_158 = tpu.memref_slice %arg22[%dma_start3A_157] : memref<4000xf32, #tpu.memory_space<vmem>> -> memref<2000xf32, #tpu.memory_space<vmem>>
        tpu.enqueue_dma source(%dma_start3A_158 : memref<2000xf32, #tpu.memory_space<vmem>>) target(%dma_start3A_156 : memref<2000xf32, #tpu.memory_space<vmem_shared>>) target_semaphore(%run_scoped3A : memref<!tpu.dma_semaphore, #tpu.memory_space<semaphore_mem>>)
        %dma_wait3A_159 = arith.constant 0 : i32
        %dma_wait3A_160 = tpu.memref_slice %arg22[%dma_wait3A_159] : memref<4000xf32, #tpu.memory_space<vmem>> -> memref<2000xf32, #tpu.memory_space<vmem>>
        %dma_wait3A_161 = arith.constant 8000 : i32
        %dma_wait3A_162 = tpu.memref_slice %arg30[%dma_wait3A_161] : memref<10000xf32, #tpu.memory_space<vmem_shared>> -> memref<2000xf32, #tpu.memory_space<vmem_shared>>
        %dma_wait3A_163 = arith.constant 8000 : i32
        %dma_wait3A_164 = tpu.memref_slice %arg30[%dma_wait3A_163] : memref<10000xf32, #tpu.memory_space<vmem_shared>> -> memref<2000xf32, #tpu.memory_space<vmem_shared>>
        %dma_wait3A_165 = arith.constant 0 : i32
        %dma_wait3A_166 = tpu.memref_slice %arg22[%dma_wait3A_165] : memref<4000xf32, #tpu.memory_space<vmem>> -> memref<2000xf32, #tpu.memory_space<vmem>>
        tpu.wait_dma2 semaphore(%run_scoped3A : memref<!tpu.dma_semaphore, #tpu.memory_space<semaphore_mem>>) src(%dma_wait3A_166 : memref<2000xf32, #tpu.memory_space<vmem>>) dst(%dma_wait3A_164 : memref<2000xf32, #tpu.memory_space<vmem_shared>>)
        tpu.yield
      }) : () -> ()
    } else {
    }
    tpu.wait_dma2 semaphore(%arg31 : memref<!tpu.dma_semaphore, #tpu.memory_space<semaphore_mem>>) src(%arg2 : memref<10000xf32, #tpu.memory_space<hbm>>) dst(%arg27 : memref<10000xf32, #tpu.memory_space<vmem>>)
    %dma_wait3A = tpu.memref_slice %arg3[%add3A_1] : memref<320000xi32, #tpu.memory_space<hbm>> -> memref<4000xi32, #tpu.memory_space<hbm>>
    %dma_wait3A_55 = tpu.memref_slice %arg3[%add3A_1] : memref<320000xi32, #tpu.memory_space<hbm>> -> memref<4000xi32, #tpu.memory_space<hbm>>
    tpu.wait_dma2 semaphore(%arg31 : memref<!tpu.dma_semaphore, #tpu.memory_space<semaphore_mem>>) src(%dma_wait3A_55 : memref<4000xi32, #tpu.memory_space<hbm>>) dst(%arg7 : memref<4000xi32, #tpu.memory_space<vmem>>)
    %dma_wait3A_56 = tpu.memref_slice %arg4[%add3A_1] : memref<320000xi32, #tpu.memory_space<hbm>> -> memref<4000xi32, #tpu.memory_space<hbm>>
    %dma_wait3A_57 = tpu.memref_slice %arg4[%add3A_1] : memref<320000xi32, #tpu.memory_space<hbm>> -> memref<4000xi32, #tpu.memory_space<hbm>>
    tpu.wait_dma2 semaphore(%arg31 : memref<!tpu.dma_semaphore, #tpu.memory_space<semaphore_mem>>) src(%dma_wait3A_57 : memref<4000xi32, #tpu.memory_space<hbm>>) dst(%arg12 : memref<4000xi32, #tpu.memory_space<vmem>>)
    %dma_wait3A_58 = tpu.memref_slice %arg5[%add3A_1] : memref<320000xf32, #tpu.memory_space<hbm>> -> memref<4000xf32, #tpu.memory_space<hbm>>
    %dma_wait3A_59 = tpu.memref_slice %arg5[%add3A_1] : memref<320000xf32, #tpu.memory_space<hbm>> -> memref<4000xf32, #tpu.memory_space<hbm>>
    tpu.wait_dma2 semaphore(%arg31 : memref<!tpu.dma_semaphore, #tpu.memory_space<semaphore_mem>>) src(%dma_wait3A_59 : memref<4000xf32, #tpu.memory_space<hbm>>) dst(%arg17 : memref<4000xf32, #tpu.memory_space<vmem>>)
    %dma_wait3A_60 = tpu.memref_slice %arg3[%add3A_8] : memref<320000xi32, #tpu.memory_space<hbm>> -> memref<4000xi32, #tpu.memory_space<hbm>>
    %dma_wait3A_61 = tpu.memref_slice %arg3[%add3A_8] : memref<320000xi32, #tpu.memory_space<hbm>> -> memref<4000xi32, #tpu.memory_space<hbm>>
    tpu.wait_dma2 semaphore(%arg31 : memref<!tpu.dma_semaphore, #tpu.memory_space<semaphore_mem>>) src(%dma_wait3A_61 : memref<4000xi32, #tpu.memory_space<hbm>>) dst(%arg8 : memref<4000xi32, #tpu.memory_space<vmem>>)
    %dma_wait3A_62 = tpu.memref_slice %arg4[%add3A_8] : memref<320000xi32, #tpu.memory_space<hbm>> -> memref<4000xi32, #tpu.memory_space<hbm>>
    %dma_wait3A_63 = tpu.memref_slice %arg4[%add3A_8] : memref<320000xi32, #tpu.memory_space<hbm>> -> memref<4000xi32, #tpu.memory_space<hbm>>
    tpu.wait_dma2 semaphore(%arg31 : memref<!tpu.dma_semaphore, #tpu.memory_space<semaphore_mem>>) src(%dma_wait3A_63 : memref<4000xi32, #tpu.memory_space<hbm>>) dst(%arg13 : memref<4000xi32, #tpu.memory_space<vmem>>)
    %dma_wait3A_64 = tpu.memref_slice %arg5[%add3A_8] : memref<320000xf32, #tpu.memory_space<hbm>> -> memref<4000xf32, #tpu.memory_space<hbm>>
    %dma_wait3A_65 = tpu.memref_slice %arg5[%add3A_8] : memref<320000xf32, #tpu.memory_space<hbm>> -> memref<4000xf32, #tpu.memory_space<hbm>>
    tpu.wait_dma2 semaphore(%arg31 : memref<!tpu.dma_semaphore, #tpu.memory_space<semaphore_mem>>) src(%dma_wait3A_65 : memref<4000xf32, #tpu.memory_space<hbm>>) dst(%arg18 : memref<4000xf32, #tpu.memory_space<vmem>>)
    %dma_wait3A_66 = tpu.memref_slice %arg3[%add3A_16] : memref<320000xi32, #tpu.memory_space<hbm>> -> memref<4000xi32, #tpu.memory_space<hbm>>
    %dma_wait3A_67 = tpu.memref_slice %arg3[%add3A_16] : memref<320000xi32, #tpu.memory_space<hbm>> -> memref<4000xi32, #tpu.memory_space<hbm>>
    tpu.wait_dma2 semaphore(%arg31 : memref<!tpu.dma_semaphore, #tpu.memory_space<semaphore_mem>>) src(%dma_wait3A_67 : memref<4000xi32, #tpu.memory_space<hbm>>) dst(%arg9 : memref<4000xi32, #tpu.memory_space<vmem>>)
    %dma_wait3A_68 = tpu.memref_slice %arg4[%add3A_16] : memref<320000xi32, #tpu.memory_space<hbm>> -> memref<4000xi32, #tpu.memory_space<hbm>>
    %dma_wait3A_69 = tpu.memref_slice %arg4[%add3A_16] : memref<320000xi32, #tpu.memory_space<hbm>> -> memref<4000xi32, #tpu.memory_space<hbm>>
    tpu.wait_dma2 semaphore(%arg31 : memref<!tpu.dma_semaphore, #tpu.memory_space<semaphore_mem>>) src(%dma_wait3A_69 : memref<4000xi32, #tpu.memory_space<hbm>>) dst(%arg14 : memref<4000xi32, #tpu.memory_space<vmem>>)
    %dma_wait3A_70 = tpu.memref_slice %arg5[%add3A_16] : memref<320000xf32, #tpu.memory_space<hbm>> -> memref<4000xf32, #tpu.memory_space<hbm>>
    %dma_wait3A_71 = tpu.memref_slice %arg5[%add3A_16] : memref<320000xf32, #tpu.memory_space<hbm>> -> memref<4000xf32, #tpu.memory_space<hbm>>
    tpu.wait_dma2 semaphore(%arg31 : memref<!tpu.dma_semaphore, #tpu.memory_space<semaphore_mem>>) src(%dma_wait3A_71 : memref<4000xf32, #tpu.memory_space<hbm>>) dst(%arg19 : memref<4000xf32, #tpu.memory_space<vmem>>)
    %dma_wait3A_72 = tpu.memref_slice %arg3[%add3A_24] : memref<320000xi32, #tpu.memory_space<hbm>> -> memref<4000xi32, #tpu.memory_space<hbm>>
    %dma_wait3A_73 = tpu.memref_slice %arg3[%add3A_24] : memref<320000xi32, #tpu.memory_space<hbm>> -> memref<4000xi32, #tpu.memory_space<hbm>>
    tpu.wait_dma2 semaphore(%arg31 : memref<!tpu.dma_semaphore, #tpu.memory_space<semaphore_mem>>) src(%dma_wait3A_73 : memref<4000xi32, #tpu.memory_space<hbm>>) dst(%arg10 : memref<4000xi32, #tpu.memory_space<vmem>>)
    %dma_wait3A_74 = tpu.memref_slice %arg4[%add3A_24] : memref<320000xi32, #tpu.memory_space<hbm>> -> memref<4000xi32, #tpu.memory_space<hbm>>
    %dma_wait3A_75 = tpu.memref_slice %arg4[%add3A_24] : memref<320000xi32, #tpu.memory_space<hbm>> -> memref<4000xi32, #tpu.memory_space<hbm>>
    tpu.wait_dma2 semaphore(%arg31 : memref<!tpu.dma_semaphore, #tpu.memory_space<semaphore_mem>>) src(%dma_wait3A_75 : memref<4000xi32, #tpu.memory_space<hbm>>) dst(%arg15 : memref<4000xi32, #tpu.memory_space<vmem>>)
    %dma_wait3A_76 = tpu.memref_slice %arg5[%add3A_24] : memref<320000xf32, #tpu.memory_space<hbm>> -> memref<4000xf32, #tpu.memory_space<hbm>>
    %dma_wait3A_77 = tpu.memref_slice %arg5[%add3A_24] : memref<320000xf32, #tpu.memory_space<hbm>> -> memref<4000xf32, #tpu.memory_space<hbm>>
    tpu.wait_dma2 semaphore(%arg31 : memref<!tpu.dma_semaphore, #tpu.memory_space<semaphore_mem>>) src(%dma_wait3A_77 : memref<4000xf32, #tpu.memory_space<hbm>>) dst(%arg20 : memref<4000xf32, #tpu.memory_space<vmem>>)
    %dma_wait3A_78 = tpu.memref_slice %arg3[%add3A_32] : memref<320000xi32, #tpu.memory_space<hbm>> -> memref<4000xi32, #tpu.memory_space<hbm>>
    %dma_wait3A_79 = tpu.memref_slice %arg3[%add3A_32] : memref<320000xi32, #tpu.memory_space<hbm>> -> memref<4000xi32, #tpu.memory_space<hbm>>
    tpu.wait_dma2 semaphore(%arg31 : memref<!tpu.dma_semaphore, #tpu.memory_space<semaphore_mem>>) src(%dma_wait3A_79 : memref<4000xi32, #tpu.memory_space<hbm>>) dst(%arg11 : memref<4000xi32, #tpu.memory_space<vmem>>)
    %dma_wait3A_80 = tpu.memref_slice %arg4[%add3A_32] : memref<320000xi32, #tpu.memory_space<hbm>> -> memref<4000xi32, #tpu.memory_space<hbm>>
    %dma_wait3A_81 = tpu.memref_slice %arg4[%add3A_32] : memref<320000xi32, #tpu.memory_space<hbm>> -> memref<4000xi32, #tpu.memory_space<hbm>>
    tpu.wait_dma2 semaphore(%arg31 : memref<!tpu.dma_semaphore, #tpu.memory_space<semaphore_mem>>) src(%dma_wait3A_81 : memref<4000xi32, #tpu.memory_space<hbm>>) dst(%arg16 : memref<4000xi32, #tpu.memory_space<vmem>>)
    %dma_wait3A_82 = tpu.memref_slice %arg5[%add3A_32] : memref<320000xf32, #tpu.memory_space<hbm>> -> memref<4000xf32, #tpu.memory_space<hbm>>
    %dma_wait3A_83 = tpu.memref_slice %arg5[%add3A_32] : memref<320000xf32, #tpu.memory_space<hbm>> -> memref<4000xf32, #tpu.memory_space<hbm>>
    tpu.wait_dma2 semaphore(%arg31 : memref<!tpu.dma_semaphore, #tpu.memory_space<semaphore_mem>>) src(%dma_wait3A_83 : memref<4000xf32, #tpu.memory_space<hbm>>) dst(%arg21 : memref<4000xf32, #tpu.memory_space<vmem>>)
    %barrier3A = arith.constant 0 : index
    tpu.barrier barrier_id(%barrier3A)
    %eq3A_84 = arith.constant 0 : i32
    %eq3A_85 = arith.cmpi eq, %arg0, %eq3A_84 : i32
    %convert_element_type3A_86 = arith.extui %eq3A_85 : i1 to i32
    %cond3A_87 = arith.constant 0 : i32
    %cond3A_88 = arith.cmpi ne, %convert_element_type3A_86, %cond3A_87 : i32
    scf.if %cond3A_88 {
      %parallel_loop3A_151 = arith.constant 0 : i32
      %parallel_loop3A_152 = arith.constant 4000 : i32
      %parallel_loop3A_153 = arith.constant 16 : i32
      scf.for %parallel_loop3A_186 = %parallel_loop3A_151 to %parallel_loop3A_152 step %parallel_loop3A_153  : i32 {
        %parallel_loop3A_187 = arith.index_cast %parallel_loop3A_186 : i32 to index
        %parallel_loop3A_188 = tpu.vector_load %arg7[%parallel_loop3A_187] {strides = array<i32>} : memref<4000xi32, #tpu.memory_space<vmem>>, vector<16xi32>,
        %parallel_loop3A_189 = tpu.vector_load_idx %arg27[%parallel_loop3A_188] : memref<10000xf32, #tpu.memory_space<vmem>>[vector<16xi32>], vector<16xf32>,
        %parallel_loop3A_190 = arith.index_cast %parallel_loop3A_186 : i32 to index
        %parallel_loop3A_191 = tpu.vector_load %arg17[%parallel_loop3A_190] {strides = array<i32>} : memref<4000xf32, #tpu.memory_space<vmem>>, vector<16xf32>,
        %parallel_loop3A_192 = arith.mulf %parallel_loop3A_189, %parallel_loop3A_191 : vector<16xf32>
        %parallel_loop3A_193 = arith.index_cast %parallel_loop3A_186 : i32 to index
        %parallel_loop3A_194 = tpu.vector_load %arg22[%parallel_loop3A_193] {strides = array<i32>} : memref<4000xf32, #tpu.memory_space<vmem>>, vector<16xf32>,
        tpu.vector_store %arg22[%parallel_loop3A_193], %parallel_loop3A_192 {strides = array<i32>} : memref<4000xf32, #tpu.memory_space<vmem>>, vector<16xf32>,
      } {sc.loop_unroll_factor = 4 : i64, sc.parallel_access}
      %dma_start3A_154 = arith.constant 0 : i32
      %dma_start3A_155 = tpu.memref_slice %arg28[%dma_start3A_154] : memref<10000xf32, #tpu.memory_space<vmem_shared>> -> memref<10000xf32, #tpu.memory_space<vmem_shared>>
      tpu.enqueue_indirect_dma source(%arg22 : memref<4000xf32, #tpu.memory_space<vmem>>) target(%dma_start3A_155 : memref<10000xf32, #tpu.memory_space<vmem_shared>>) offsets(%arg12 : memref<4000xi32, #tpu.memory_space<vmem>>) semaphore(%arg32 : memref<!tpu.dma_semaphore, #tpu.memory_space<semaphore_mem>>) {add = true}
      %parallel_loop3A_156 = arith.constant 0 : i32
      %parallel_loop3A_157 = arith.constant 4000 : i32
      %parallel_loop3A_158 = arith.constant 16 : i32
      scf.for %parallel_loop3A_186 = %parallel_loop3A_156 to %parallel_loop3A_157 step %parallel_loop3A_158  : i32 {
        %parallel_loop3A_187 = arith.index_cast %parallel_loop3A_186 : i32 to index
        %parallel_loop3A_188 = tpu.vector_load %arg8[%parallel_loop3A_187] {strides = array<i32>} : memref<4000xi32, #tpu.memory_space<vmem>>, vector<16xi32>,
        %parallel_loop3A_189 = tpu.vector_load_idx %arg27[%parallel_loop3A_188] : memref<10000xf32, #tpu.memory_space<vmem>>[vector<16xi32>], vector<16xf32>,
        %parallel_loop3A_190 = arith.index_cast %parallel_loop3A_186 : i32 to index
        %parallel_loop3A_191 = tpu.vector_load %arg18[%parallel_loop3A_190] {strides = array<i32>} : memref<4000xf32, #tpu.memory_space<vmem>>, vector<16xf32>,
        %parallel_loop3A_192 = arith.mulf %parallel_loop3A_189, %parallel_loop3A_191 : vector<16xf32>
        %parallel_loop3A_193 = arith.index_cast %parallel_loop3A_186 : i32 to index
        %parallel_loop3A_194 = tpu.vector_load %arg23[%parallel_loop3A_193] {strides = array<i32>} : memref<4000xf32, #tpu.memory_space<vmem>>, vector<16xf32>,
        tpu.vector_store %arg23[%parallel_loop3A_193], %parallel_loop3A_192 {strides = array<i32>} : memref<4000xf32, #tpu.memory_space<vmem>>, vector<16xf32>,
      } {sc.loop_unroll_factor = 4 : i64, sc.parallel_access}
      %dma_start3A_159 = arith.constant 0 : i32
      %dma_start3A_160 = tpu.memref_slice %arg28[%dma_start3A_159] : memref<10000xf32, #tpu.memory_space<vmem_shared>> -> memref<10000xf32, #tpu.memory_space<vmem_shared>>
      tpu.enqueue_indirect_dma source(%arg23 : memref<4000xf32, #tpu.memory_space<vmem>>) target(%dma_start3A_160 : memref<10000xf32, #tpu.memory_space<vmem_shared>>) offsets(%arg13 : memref<4000xi32, #tpu.memory_space<vmem>>) semaphore(%arg32 : memref<!tpu.dma_semaphore, #tpu.memory_space<semaphore_mem>>) {add = true}
      %parallel_loop3A_161 = arith.constant 0 : i32
      %parallel_loop3A_162 = arith.constant 4000 : i32
      %parallel_loop3A_163 = arith.constant 16 : i32
      scf.for %parallel_loop3A_186 = %parallel_loop3A_161 to %parallel_loop3A_162 step %parallel_loop3A_163  : i32 {
        %parallel_loop3A_187 = arith.index_cast %parallel_loop3A_186 : i32 to index
        %parallel_loop3A_188 = tpu.vector_load %arg9[%parallel_loop3A_187] {strides = array<i32>} : memref<4000xi32, #tpu.memory_space<vmem>>, vector<16xi32>,
        %parallel_loop3A_189 = tpu.vector_load_idx %arg27[%parallel_loop3A_188] : memref<10000xf32, #tpu.memory_space<vmem>>[vector<16xi32>], vector<16xf32>,
        %parallel_loop3A_190 = arith.index_cast %parallel_loop3A_186 : i32 to index
        %parallel_loop3A_191 = tpu.vector_load %arg19[%parallel_loop3A_190] {strides = array<i32>} : memref<4000xf32, #tpu.memory_space<vmem>>, vector<16xf32>,
        %parallel_loop3A_192 = arith.mulf %parallel_loop3A_189, %parallel_loop3A_191 : vector<16xf32>
        %parallel_loop3A_193 = arith.index_cast %parallel_loop3A_186 : i32 to index
        %parallel_loop3A_194 = tpu.vector_load %arg24[%parallel_loop3A_193] {strides = array<i32>} : memref<4000xf32, #tpu.memory_space<vmem>>, vector<16xf32>,
        tpu.vector_store %arg24[%parallel_loop3A_193], %parallel_loop3A_192 {strides = array<i32>} : memref<4000xf32, #tpu.memory_space<vmem>>, vector<16xf32>,
      } {sc.loop_unroll_factor = 4 : i64, sc.parallel_access}
      %dma_start3A_164 = arith.constant 0 : i32
      %dma_start3A_165 = tpu.memref_slice %arg28[%dma_start3A_164] : memref<10000xf32, #tpu.memory_space<vmem_shared>> -> memref<10000xf32, #tpu.memory_space<vmem_shared>>
      tpu.enqueue_indirect_dma source(%arg24 : memref<4000xf32, #tpu.memory_space<vmem>>) target(%dma_start3A_165 : memref<10000xf32, #tpu.memory_space<vmem_shared>>) offsets(%arg14 : memref<4000xi32, #tpu.memory_space<vmem>>) semaphore(%arg32 : memref<!tpu.dma_semaphore, #tpu.memory_space<semaphore_mem>>) {add = true}
      %parallel_loop3A_166 = arith.constant 0 : i32
      %parallel_loop3A_167 = arith.constant 4000 : i32
      %parallel_loop3A_168 = arith.constant 16 : i32
      scf.for %parallel_loop3A_186 = %parallel_loop3A_166 to %parallel_loop3A_167 step %parallel_loop3A_168  : i32 {
        %parallel_loop3A_187 = arith.index_cast %parallel_loop3A_186 : i32 to index
        %parallel_loop3A_188 = tpu.vector_load %arg10[%parallel_loop3A_187] {strides = array<i32>} : memref<4000xi32, #tpu.memory_space<vmem>>, vector<16xi32>,
        %parallel_loop3A_189 = tpu.vector_load_idx %arg27[%parallel_loop3A_188] : memref<10000xf32, #tpu.memory_space<vmem>>[vector<16xi32>], vector<16xf32>,
        %parallel_loop3A_190 = arith.index_cast %parallel_loop3A_186 : i32 to index
        %parallel_loop3A_191 = tpu.vector_load %arg20[%parallel_loop3A_190] {strides = array<i32>} : memref<4000xf32, #tpu.memory_space<vmem>>, vector<16xf32>,
        %parallel_loop3A_192 = arith.mulf %parallel_loop3A_189, %parallel_loop3A_191 : vector<16xf32>
        %parallel_loop3A_193 = arith.index_cast %parallel_loop3A_186 : i32 to index
        %parallel_loop3A_194 = tpu.vector_load %arg25[%parallel_loop3A_193] {strides = array<i32>} : memref<4000xf32, #tpu.memory_space<vmem>>, vector<16xf32>,
        tpu.vector_store %arg25[%parallel_loop3A_193], %parallel_loop3A_192 {strides = array<i32>} : memref<4000xf32, #tpu.memory_space<vmem>>, vector<16xf32>,
      } {sc.loop_unroll_factor = 4 : i64, sc.parallel_access}
      %dma_start3A_169 = arith.constant 0 : i32
      %dma_start3A_170 = tpu.memref_slice %arg28[%dma_start3A_169] : memref<10000xf32, #tpu.memory_space<vmem_shared>> -> memref<10000xf32, #tpu.memory_space<vmem_shared>>
      tpu.enqueue_indirect_dma source(%arg25 : memref<4000xf32, #tpu.memory_space<vmem>>) target(%dma_start3A_170 : memref<10000xf32, #tpu.memory_space<vmem_shared>>) offsets(%arg15 : memref<4000xi32, #tpu.memory_space<vmem>>) semaphore(%arg32 : memref<!tpu.dma_semaphore, #tpu.memory_space<semaphore_mem>>) {add = true}
      %parallel_loop3A_171 = arith.constant 0 : i32
      %parallel_loop3A_172 = arith.constant 4000 : i32
      %parallel_loop3A_173 = arith.constant 16 : i32
      scf.for %parallel_loop3A_186 = %parallel_loop3A_171 to %parallel_loop3A_172 step %parallel_loop3A_173  : i32 {
        %parallel_loop3A_187 = arith.index_cast %parallel_loop3A_186 : i32 to index
        %parallel_loop3A_188 = tpu.vector_load %arg11[%parallel_loop3A_187] {strides = array<i32>} : memref<4000xi32, #tpu.memory_space<vmem>>, vector<16xi32>,
        %parallel_loop3A_189 = tpu.vector_load_idx %arg27[%parallel_loop3A_188] : memref<10000xf32, #tpu.memory_space<vmem>>[vector<16xi32>], vector<16xf32>,
        %parallel_loop3A_190 = arith.index_cast %parallel_loop3A_186 : i32 to index
        %parallel_loop3A_191 = tpu.vector_load %arg21[%parallel_loop3A_190] {strides = array<i32>} : memref<4000xf32, #tpu.memory_space<vmem>>, vector<16xf32>,
        %parallel_loop3A_192 = arith.mulf %parallel_loop3A_189, %parallel_loop3A_191 : vector<16xf32>
        %parallel_loop3A_193 = arith.index_cast %parallel_loop3A_186 : i32 to index
        %parallel_loop3A_194 = tpu.vector_load %arg26[%parallel_loop3A_193] {strides = array<i32>} : memref<4000xf32, #tpu.memory_space<vmem>>, vector<16xf32>,
        tpu.vector_store %arg26[%parallel_loop3A_193], %parallel_loop3A_192 {strides = array<i32>} : memref<4000xf32, #tpu.memory_space<vmem>>, vector<16xf32>,
      } {sc.loop_unroll_factor = 4 : i64, sc.parallel_access}
      %dma_start3A_174 = arith.constant 0 : i32
      %dma_start3A_175 = tpu.memref_slice %arg28[%dma_start3A_174] : memref<10000xf32, #tpu.memory_space<vmem_shared>> -> memref<10000xf32, #tpu.memory_space<vmem_shared>>
      tpu.enqueue_indirect_dma source(%arg26 : memref<4000xf32, #tpu.memory_space<vmem>>) target(%dma_start3A_175 : memref<10000xf32, #tpu.memory_space<vmem_shared>>) offsets(%arg16 : memref<4000xi32, #tpu.memory_space<vmem>>) semaphore(%arg32 : memref<!tpu.dma_semaphore, #tpu.memory_space<semaphore_mem>>) {add = true}
      %dma_wait3A_176 = arith.constant 0 : i32
      %dma_wait3A_177 = tpu.memref_slice %arg28[%dma_wait3A_176] : memref<10000xf32, #tpu.memory_space<vmem_shared>> -> memref<10000xf32, #tpu.memory_space<vmem_shared>>
      tpu.wait_indirect_dma semaphore(%arg32 : memref<!tpu.dma_semaphore, #tpu.memory_space<semaphore_mem>>) src(%arg22 : memref<4000xf32, #tpu.memory_space<vmem>>) dst(%dma_wait3A_177 : memref<10000xf32, #tpu.memory_space<vmem_shared>>)
      %dma_wait3A_178 = arith.constant 0 : i32
      %dma_wait3A_179 = tpu.memref_slice %arg28[%dma_wait3A_178] : memref<10000xf32, #tpu.memory_space<vmem_shared>> -> memref<10000xf32, #tpu.memory_space<vmem_shared>>
      tpu.wait_indirect_dma semaphore(%arg32 : memref<!tpu.dma_semaphore, #tpu.memory_space<semaphore_mem>>) src(%arg23 : memref<4000xf32, #tpu.memory_space<vmem>>) dst(%dma_wait3A_179 : memref<10000xf32, #tpu.memory_space<vmem_shared>>)
      %dma_wait3A_180 = arith.constant 0 : i32
      %dma_wait3A_181 = tpu.memref_slice %arg28[%dma_wait3A_180] : memref<10000xf32, #tpu.memory_space<vmem_shared>> -> memref<10000xf32, #tpu.memory_space<vmem_shared>>
      tpu.wait_indirect_dma semaphore(%arg32 : memref<!tpu.dma_semaphore, #tpu.memory_space<semaphore_mem>>) src(%arg24 : memref<4000xf32, #tpu.memory_space<vmem>>) dst(%dma_wait3A_181 : memref<10000xf32, #tpu.memory_space<vmem_shared>>)
      %dma_wait3A_182 = arith.constant 0 : i32
      %dma_wait3A_183 = tpu.memref_slice %arg28[%dma_wait3A_182] : memref<10000xf32, #tpu.memory_space<vmem_shared>> -> memref<10000xf32, #tpu.memory_space<vmem_shared>>
      tpu.wait_indirect_dma semaphore(%arg32 : memref<!tpu.dma_semaphore, #tpu.memory_space<semaphore_mem>>) src(%arg25 : memref<4000xf32, #tpu.memory_space<vmem>>) dst(%dma_wait3A_183 : memref<10000xf32, #tpu.memory_space<vmem_shared>>)
      %dma_wait3A_184 = arith.constant 0 : i32
      %dma_wait3A_185 = tpu.memref_slice %arg28[%dma_wait3A_184] : memref<10000xf32, #tpu.memory_space<vmem_shared>> -> memref<10000xf32, #tpu.memory_space<vmem_shared>>
      tpu.wait_indirect_dma semaphore(%arg32 : memref<!tpu.dma_semaphore, #tpu.memory_space<semaphore_mem>>) src(%arg26 : memref<4000xf32, #tpu.memory_space<vmem>>) dst(%dma_wait3A_185 : memref<10000xf32, #tpu.memory_space<vmem_shared>>)
    } else {
    }
    %eq3A_89 = arith.constant 1 : i32
    %eq3A_90 = arith.cmpi eq, %arg0, %eq3A_89 : i32
    %convert_element_type3A_91 = arith.extui %eq3A_90 : i1 to i32
    %cond3A_92 = arith.constant 0 : i32
    %cond3A_93 = arith.cmpi ne, %convert_element_type3A_91, %cond3A_92 : i32
    scf.if %cond3A_93 {
      %dma_start3A_151 = arith.constant 0 : i32
      %dma_start3A_152 = tpu.memref_slice %arg28[%dma_start3A_151] : memref<10000xf32, #tpu.memory_space<vmem_shared>> -> memref<10000xf32, #tpu.memory_space<vmem_shared>>
      tpu.enqueue_indirect_dma source(%arg17 : memref<4000xf32, #tpu.memory_space<vmem>>) target(%dma_start3A_152 : memref<10000xf32, #tpu.memory_space<vmem_shared>>) offsets(%arg12 : memref<4000xi32, #tpu.memory_space<vmem>>) semaphore(%arg32 : memref<!tpu.dma_semaphore, #tpu.memory_space<semaphore_mem>>) {add = true}
      %dma_start3A_153 = arith.constant 0 : i32
      %dma_start3A_154 = tpu.memref_slice %arg28[%dma_start3A_153] : memref<10000xf32, #tpu.memory_space<vmem_shared>> -> memref<10000xf32, #tpu.memory_space<vmem_shared>>
      tpu.enqueue_indirect_dma source(%arg18 : memref<4000xf32, #tpu.memory_space<vmem>>) target(%dma_start3A_154 : memref<10000xf32, #tpu.memory_space<vmem_shared>>) offsets(%arg13 : memref<4000xi32, #tpu.memory_space<vmem>>) semaphore(%arg32 : memref<!tpu.dma_semaphore, #tpu.memory_space<semaphore_mem>>) {add = true}
      %dma_start3A_155 = arith.constant 0 : i32
      %dma_start3A_156 = tpu.memref_slice %arg28[%dma_start3A_155] : memref<10000xf32, #tpu.memory_space<vmem_shared>> -> memref<10000xf32, #tpu.memory_space<vmem_shared>>
      tpu.enqueue_indirect_dma source(%arg19 : memref<4000xf32, #tpu.memory_space<vmem>>) target(%dma_start3A_156 : memref<10000xf32, #tpu.memory_space<vmem_shared>>) offsets(%arg14 : memref<4000xi32, #tpu.memory_space<vmem>>) semaphore(%arg32 : memref<!tpu.dma_semaphore, #tpu.memory_space<semaphore_mem>>) {add = true}
      %dma_start3A_157 = arith.constant 0 : i32
      %dma_start3A_158 = tpu.memref_slice %arg28[%dma_start3A_157] : memref<10000xf32, #tpu.memory_space<vmem_shared>> -> memref<10000xf32, #tpu.memory_space<vmem_shared>>
      tpu.enqueue_indirect_dma source(%arg20 : memref<4000xf32, #tpu.memory_space<vmem>>) target(%dma_start3A_158 : memref<10000xf32, #tpu.memory_space<vmem_shared>>) offsets(%arg15 : memref<4000xi32, #tpu.memory_space<vmem>>) semaphore(%arg32 : memref<!tpu.dma_semaphore, #tpu.memory_space<semaphore_mem>>) {add = true}
      %dma_start3A_159 = arith.constant 0 : i32
      %dma_start3A_160 = tpu.memref_slice %arg28[%dma_start3A_159] : memref<10000xf32, #tpu.memory_space<vmem_shared>> -> memref<10000xf32, #tpu.memory_space<vmem_shared>>
      tpu.enqueue_indirect_dma source(%arg21 : memref<4000xf32, #tpu.memory_space<vmem>>) target(%dma_start3A_160 : memref<10000xf32, #tpu.memory_space<vmem_shared>>) offsets(%arg16 : memref<4000xi32, #tpu.memory_space<vmem>>) semaphore(%arg32 : memref<!tpu.dma_semaphore, #tpu.memory_space<semaphore_mem>>) {add = true}
      %dma_wait3A_161 = arith.constant 0 : i32
      %dma_wait3A_162 = tpu.memref_slice %arg28[%dma_wait3A_161] : memref<10000xf32, #tpu.memory_space<vmem_shared>> -> memref<10000xf32, #tpu.memory_space<vmem_shared>>
      tpu.wait_indirect_dma semaphore(%arg32 : memref<!tpu.dma_semaphore, #tpu.memory_space<semaphore_mem>>) src(%arg17 : memref<4000xf32, #tpu.memory_space<vmem>>) dst(%dma_wait3A_162 : memref<10000xf32, #tpu.memory_space<vmem_shared>>)
      %dma_wait3A_163 = arith.constant 0 : i32
      %dma_wait3A_164 = tpu.memref_slice %arg28[%dma_wait3A_163] : memref<10000xf32, #tpu.memory_space<vmem_shared>> -> memref<10000xf32, #tpu.memory_space<vmem_shared>>
      tpu.wait_indirect_dma semaphore(%arg32 : memref<!tpu.dma_semaphore, #tpu.memory_space<semaphore_mem>>) src(%arg18 : memref<4000xf32, #tpu.memory_space<vmem>>) dst(%dma_wait3A_164 : memref<10000xf32, #tpu.memory_space<vmem_shared>>)
      %dma_wait3A_165 = arith.constant 0 : i32
      %dma_wait3A_166 = tpu.memref_slice %arg28[%dma_wait3A_165] : memref<10000xf32, #tpu.memory_space<vmem_shared>> -> memref<10000xf32, #tpu.memory_space<vmem_shared>>
      tpu.wait_indirect_dma semaphore(%arg32 : memref<!tpu.dma_semaphore, #tpu.memory_space<semaphore_mem>>) src(%arg19 : memref<4000xf32, #tpu.memory_space<vmem>>) dst(%dma_wait3A_166 : memref<10000xf32, #tpu.memory_space<vmem_shared>>)
      %dma_wait3A_167 = arith.constant 0 : i32
      %dma_wait3A_168 = tpu.memref_slice %arg28[%dma_wait3A_167] : memref<10000xf32, #tpu.memory_space<vmem_shared>> -> memref<10000xf32, #tpu.memory_space<vmem_shared>>
      tpu.wait_indirect_dma semaphore(%arg32 : memref<!tpu.dma_semaphore, #tpu.memory_space<semaphore_mem>>) src(%arg20 : memref<4000xf32, #tpu.memory_space<vmem>>) dst(%dma_wait3A_168 : memref<10000xf32, #tpu.memory_space<vmem_shared>>)
      %dma_wait3A_169 = arith.constant 0 : i32
      %dma_wait3A_170 = tpu.memref_slice %arg28[%dma_wait3A_169] : memref<10000xf32, #tpu.memory_space<vmem_shared>> -> memref<10000xf32, #tpu.memory_space<vmem_shared>>
      tpu.wait_indirect_dma semaphore(%arg32 : memref<!tpu.dma_semaphore, #tpu.memory_space<semaphore_mem>>) src(%arg21 : memref<4000xf32, #tpu.memory_space<vmem>>) dst(%dma_wait3A_170 : memref<10000xf32, #tpu.memory_space<vmem_shared>>)
    } else {
    }
    %barrier3A_94 = arith.constant 0 : index
    tpu.barrier barrier_id(%barrier3A_94)
    "tpu.region"() ({
      %run_scoped3A = tpu.sem_alloc : memref<!tpu.dma_semaphore, #tpu.memory_space<semaphore_mem>>
      tpu.enqueue_dma source(%arg28 : memref<10000xf32, #tpu.memory_space<vmem_shared>>) target(%arg27 : memref<10000xf32, #tpu.memory_space<vmem>>) target_semaphore(%run_scoped3A : memref<!tpu.dma_semaphore, #tpu.memory_space<semaphore_mem>>)
      tpu.wait_dma2 semaphore(%run_scoped3A : memref<!tpu.dma_semaphore, #tpu.memory_space<semaphore_mem>>) src(%arg28 : memref<10000xf32, #tpu.memory_space<vmem_shared>>) dst(%arg27 : memref<10000xf32, #tpu.memory_space<vmem>>)
      tpu.yield
    }) : () -> ()
    %parallel_loop3A = arith.constant 0 : i32
    %parallel_loop3A_95 = arith.constant 4000 : i32
    %parallel_loop3A_96 = arith.constant 16 : i32
    scf.for %parallel_loop3A_151 = %parallel_loop3A to %parallel_loop3A_95 step %parallel_loop3A_96  : i32 {
      %parallel_loop3A_152 = arith.index_cast %parallel_loop3A_151 : i32 to index
      %parallel_loop3A_153 = tpu.vector_load %arg7[%parallel_loop3A_152] {strides = array<i32>} : memref<4000xi32, #tpu.memory_space<vmem>>, vector<16xi32>,
      %parallel_loop3A_154 = tpu.vector_load_idx %arg27[%parallel_loop3A_153] : memref<10000xf32, #tpu.memory_space<vmem>>[vector<16xi32>], vector<16xf32>,
      %parallel_loop3A_155 = arith.index_cast %parallel_loop3A_151 : i32 to index
      %parallel_loop3A_156 = tpu.vector_load %arg17[%parallel_loop3A_155] {strides = array<i32>} : memref<4000xf32, #tpu.memory_space<vmem>>, vector<16xf32>,
      %parallel_loop3A_157 = arith.mulf %parallel_loop3A_154, %parallel_loop3A_156 : vector<16xf32>
      %parallel_loop3A_158 = arith.index_cast %parallel_loop3A_151 : i32 to index
      %parallel_loop3A_159 = tpu.vector_load %arg22[%parallel_loop3A_158] {strides = array<i32>} : memref<4000xf32, #tpu.memory_space<vmem>>, vector<16xf32>,
      tpu.vector_store %arg22[%parallel_loop3A_158], %parallel_loop3A_157 {strides = array<i32>} : memref<4000xf32, #tpu.memory_space<vmem>>, vector<16xf32>,
    } {sc.loop_unroll_factor = 4 : i64, sc.parallel_access}
    %dma_start3A_97 = arith.constant 0 : i32
    %dma_start3A_98 = tpu.memref_slice %arg29[%dma_start3A_97] : memref<10000xf32, #tpu.memory_space<vmem_shared>> -> memref<10000xf32, #tpu.memory_space<vmem_shared>>
    tpu.enqueue_indirect_dma source(%arg22 : memref<4000xf32, #tpu.memory_space<vmem>>) target(%dma_start3A_98 : memref<10000xf32, #tpu.memory_space<vmem_shared>>) offsets(%arg12 : memref<4000xi32, #tpu.memory_space<vmem>>) semaphore(%arg32 : memref<!tpu.dma_semaphore, #tpu.memory_space<semaphore_mem>>) {add = true}
    %parallel_loop3A_99 = arith.constant 0 : i32
    %parallel_loop3A_100 = arith.constant 4000 : i32
    %parallel_loop3A_101 = arith.constant 16 : i32
    scf.for %parallel_loop3A_151 = %parallel_loop3A_99 to %parallel_loop3A_100 step %parallel_loop3A_101  : i32 {
      %parallel_loop3A_152 = arith.index_cast %parallel_loop3A_151 : i32 to index
      %parallel_loop3A_153 = tpu.vector_load %arg8[%parallel_loop3A_152] {strides = array<i32>} : memref<4000xi32, #tpu.memory_space<vmem>>, vector<16xi32>,
      %parallel_loop3A_154 = tpu.vector_load_idx %arg27[%parallel_loop3A_153] : memref<10000xf32, #tpu.memory_space<vmem>>[vector<16xi32>], vector<16xf32>,
      %parallel_loop3A_155 = arith.index_cast %parallel_loop3A_151 : i32 to index
      %parallel_loop3A_156 = tpu.vector_load %arg18[%parallel_loop3A_155] {strides = array<i32>} : memref<4000xf32, #tpu.memory_space<vmem>>, vector<16xf32>,
      %parallel_loop3A_157 = arith.mulf %parallel_loop3A_154, %parallel_loop3A_156 : vector<16xf32>
      %parallel_loop3A_158 = arith.index_cast %parallel_loop3A_151 : i32 to index
      %parallel_loop3A_159 = tpu.vector_load %arg23[%parallel_loop3A_158] {strides = array<i32>} : memref<4000xf32, #tpu.memory_space<vmem>>, vector<16xf32>,
      tpu.vector_store %arg23[%parallel_loop3A_158], %parallel_loop3A_157 {strides = array<i32>} : memref<4000xf32, #tpu.memory_space<vmem>>, vector<16xf32>,
    } {sc.loop_unroll_factor = 4 : i64, sc.parallel_access}
    %dma_start3A_102 = arith.constant 0 : i32
    %dma_start3A_103 = tpu.memref_slice %arg29[%dma_start3A_102] : memref<10000xf32, #tpu.memory_space<vmem_shared>> -> memref<10000xf32, #tpu.memory_space<vmem_shared>>
    tpu.enqueue_indirect_dma source(%arg23 : memref<4000xf32, #tpu.memory_space<vmem>>) target(%dma_start3A_103 : memref<10000xf32, #tpu.memory_space<vmem_shared>>) offsets(%arg13 : memref<4000xi32, #tpu.memory_space<vmem>>) semaphore(%arg32 : memref<!tpu.dma_semaphore, #tpu.memory_space<semaphore_mem>>) {add = true}
    %parallel_loop3A_104 = arith.constant 0 : i32
    %parallel_loop3A_105 = arith.constant 4000 : i32
    %parallel_loop3A_106 = arith.constant 16 : i32
    scf.for %parallel_loop3A_151 = %parallel_loop3A_104 to %parallel_loop3A_105 step %parallel_loop3A_106  : i32 {
      %parallel_loop3A_152 = arith.index_cast %parallel_loop3A_151 : i32 to index
      %parallel_loop3A_153 = tpu.vector_load %arg9[%parallel_loop3A_152] {strides = array<i32>} : memref<4000xi32, #tpu.memory_space<vmem>>, vector<16xi32>,
      %parallel_loop3A_154 = tpu.vector_load_idx %arg27[%parallel_loop3A_153] : memref<10000xf32, #tpu.memory_space<vmem>>[vector<16xi32>], vector<16xf32>,
      %parallel_loop3A_155 = arith.index_cast %parallel_loop3A_151 : i32 to index
      %parallel_loop3A_156 = tpu.vector_load %arg19[%parallel_loop3A_155] {strides = array<i32>} : memref<4000xf32, #tpu.memory_space<vmem>>, vector<16xf32>,
      %parallel_loop3A_157 = arith.mulf %parallel_loop3A_154, %parallel_loop3A_156 : vector<16xf32>
      %parallel_loop3A_158 = arith.index_cast %parallel_loop3A_151 : i32 to index
      %parallel_loop3A_159 = tpu.vector_load %arg24[%parallel_loop3A_158] {strides = array<i32>} : memref<4000xf32, #tpu.memory_space<vmem>>, vector<16xf32>,
      tpu.vector_store %arg24[%parallel_loop3A_158], %parallel_loop3A_157 {strides = array<i32>} : memref<4000xf32, #tpu.memory_space<vmem>>, vector<16xf32>,
    } {sc.loop_unroll_factor = 4 : i64, sc.parallel_access}
    %dma_start3A_107 = arith.constant 0 : i32
    %dma_start3A_108 = tpu.memref_slice %arg29[%dma_start3A_107] : memref<10000xf32, #tpu.memory_space<vmem_shared>> -> memref<10000xf32, #tpu.memory_space<vmem_shared>>
    tpu.enqueue_indirect_dma source(%arg24 : memref<4000xf32, #tpu.memory_space<vmem>>) target(%dma_start3A_108 : memref<10000xf32, #tpu.memory_space<vmem_shared>>) offsets(%arg14 : memref<4000xi32, #tpu.memory_space<vmem>>) semaphore(%arg32 : memref<!tpu.dma_semaphore, #tpu.memory_space<semaphore_mem>>) {add = true}
    %parallel_loop3A_109 = arith.constant 0 : i32
    %parallel_loop3A_110 = arith.constant 4000 : i32
    %parallel_loop3A_111 = arith.constant 16 : i32
    scf.for %parallel_loop3A_151 = %parallel_loop3A_109 to %parallel_loop3A_110 step %parallel_loop3A_111  : i32 {
      %parallel_loop3A_152 = arith.index_cast %parallel_loop3A_151 : i32 to index
      %parallel_loop3A_153 = tpu.vector_load %arg10[%parallel_loop3A_152] {strides = array<i32>} : memref<4000xi32, #tpu.memory_space<vmem>>, vector<16xi32>,
      %parallel_loop3A_154 = tpu.vector_load_idx %arg27[%parallel_loop3A_153] : memref<10000xf32, #tpu.memory_space<vmem>>[vector<16xi32>], vector<16xf32>,
      %parallel_loop3A_155 = arith.index_cast %parallel_loop3A_151 : i32 to index
      %parallel_loop3A_156 = tpu.vector_load %arg20[%parallel_loop3A_155] {strides = array<i32>} : memref<4000xf32, #tpu.memory_space<vmem>>, vector<16xf32>,
      %parallel_loop3A_157 = arith.mulf %parallel_loop3A_154, %parallel_loop3A_156 : vector<16xf32>
      %parallel_loop3A_158 = arith.index_cast %parallel_loop3A_151 : i32 to index
      %parallel_loop3A_159 = tpu.vector_load %arg25[%parallel_loop3A_158] {strides = array<i32>} : memref<4000xf32, #tpu.memory_space<vmem>>, vector<16xf32>,
      tpu.vector_store %arg25[%parallel_loop3A_158], %parallel_loop3A_157 {strides = array<i32>} : memref<4000xf32, #tpu.memory_space<vmem>>, vector<16xf32>,
    } {sc.loop_unroll_factor = 4 : i64, sc.parallel_access}
    %dma_start3A_112 = arith.constant 0 : i32
    %dma_start3A_113 = tpu.memref_slice %arg29[%dma_start3A_112] : memref<10000xf32, #tpu.memory_space<vmem_shared>> -> memref<10000xf32, #tpu.memory_space<vmem_shared>>
    tpu.enqueue_indirect_dma source(%arg25 : memref<4000xf32, #tpu.memory_space<vmem>>) target(%dma_start3A_113 : memref<10000xf32, #tpu.memory_space<vmem_shared>>) offsets(%arg15 : memref<4000xi32, #tpu.memory_space<vmem>>) semaphore(%arg32 : memref<!tpu.dma_semaphore, #tpu.memory_space<semaphore_mem>>) {add = true}
    %parallel_loop3A_114 = arith.constant 0 : i32
    %parallel_loop3A_115 = arith.constant 4000 : i32
    %parallel_loop3A_116 = arith.constant 16 : i32
    scf.for %parallel_loop3A_151 = %parallel_loop3A_114 to %parallel_loop3A_115 step %parallel_loop3A_116  : i32 {
      %parallel_loop3A_152 = arith.index_cast %parallel_loop3A_151 : i32 to index
      %parallel_loop3A_153 = tpu.vector_load %arg11[%parallel_loop3A_152] {strides = array<i32>} : memref<4000xi32, #tpu.memory_space<vmem>>, vector<16xi32>,
      %parallel_loop3A_154 = tpu.vector_load_idx %arg27[%parallel_loop3A_153] : memref<10000xf32, #tpu.memory_space<vmem>>[vector<16xi32>], vector<16xf32>,
      %parallel_loop3A_155 = arith.index_cast %parallel_loop3A_151 : i32 to index
      %parallel_loop3A_156 = tpu.vector_load %arg21[%parallel_loop3A_155] {strides = array<i32>} : memref<4000xf32, #tpu.memory_space<vmem>>, vector<16xf32>,
      %parallel_loop3A_157 = arith.mulf %parallel_loop3A_154, %parallel_loop3A_156 : vector<16xf32>
      %parallel_loop3A_158 = arith.index_cast %parallel_loop3A_151 : i32 to index
      %parallel_loop3A_159 = tpu.vector_load %arg26[%parallel_loop3A_158] {strides = array<i32>} : memref<4000xf32, #tpu.memory_space<vmem>>, vector<16xf32>,
      tpu.vector_store %arg26[%parallel_loop3A_158], %parallel_loop3A_157 {strides = array<i32>} : memref<4000xf32, #tpu.memory_space<vmem>>, vector<16xf32>,
    } {sc.loop_unroll_factor = 4 : i64, sc.parallel_access}
    %dma_start3A_117 = arith.constant 0 : i32
    %dma_start3A_118 = tpu.memref_slice %arg29[%dma_start3A_117] : memref<10000xf32, #tpu.memory_space<vmem_shared>> -> memref<10000xf32, #tpu.memory_space<vmem_shared>>
    tpu.enqueue_indirect_dma source(%arg26 : memref<4000xf32, #tpu.memory_space<vmem>>) target(%dma_start3A_118 : memref<10000xf32, #tpu.memory_space<vmem_shared>>) offsets(%arg16 : memref<4000xi32, #tpu.memory_space<vmem>>) semaphore(%arg32 : memref<!tpu.dma_semaphore, #tpu.memory_space<semaphore_mem>>) {add = true}
    %dma_wait3A_119 = arith.constant 0 : i32
    %dma_wait3A_120 = tpu.memref_slice %arg29[%dma_wait3A_119] : memref<10000xf32, #tpu.memory_space<vmem_shared>> -> memref<10000xf32, #tpu.memory_space<vmem_shared>>
    tpu.wait_indirect_dma semaphore(%arg32 : memref<!tpu.dma_semaphore, #tpu.memory_space<semaphore_mem>>) src(%arg22 : memref<4000xf32, #tpu.memory_space<vmem>>) dst(%dma_wait3A_120 : memref<10000xf32, #tpu.memory_space<vmem_shared>>)
    %dma_wait3A_121 = arith.constant 0 : i32
    %dma_wait3A_122 = tpu.memref_slice %arg29[%dma_wait3A_121] : memref<10000xf32, #tpu.memory_space<vmem_shared>> -> memref<10000xf32, #tpu.memory_space<vmem_shared>>
    tpu.wait_indirect_dma semaphore(%arg32 : memref<!tpu.dma_semaphore, #tpu.memory_space<semaphore_mem>>) src(%arg23 : memref<4000xf32, #tpu.memory_space<vmem>>) dst(%dma_wait3A_122 : memref<10000xf32, #tpu.memory_space<vmem_shared>>)
    %dma_wait3A_123 = arith.constant 0 : i32
    %dma_wait3A_124 = tpu.memref_slice %arg29[%dma_wait3A_123] : memref<10000xf32, #tpu.memory_space<vmem_shared>> -> memref<10000xf32, #tpu.memory_space<vmem_shared>>
    tpu.wait_indirect_dma semaphore(%arg32 : memref<!tpu.dma_semaphore, #tpu.memory_space<semaphore_mem>>) src(%arg24 : memref<4000xf32, #tpu.memory_space<vmem>>) dst(%dma_wait3A_124 : memref<10000xf32, #tpu.memory_space<vmem_shared>>)
    %dma_wait3A_125 = arith.constant 0 : i32
    %dma_wait3A_126 = tpu.memref_slice %arg29[%dma_wait3A_125] : memref<10000xf32, #tpu.memory_space<vmem_shared>> -> memref<10000xf32, #tpu.memory_space<vmem_shared>>
    tpu.wait_indirect_dma semaphore(%arg32 : memref<!tpu.dma_semaphore, #tpu.memory_space<semaphore_mem>>) src(%arg25 : memref<4000xf32, #tpu.memory_space<vmem>>) dst(%dma_wait3A_126 : memref<10000xf32, #tpu.memory_space<vmem_shared>>)
    %dma_wait3A_127 = arith.constant 0 : i32
    %dma_wait3A_128 = tpu.memref_slice %arg29[%dma_wait3A_127] : memref<10000xf32, #tpu.memory_space<vmem_shared>> -> memref<10000xf32, #tpu.memory_space<vmem_shared>>
    tpu.wait_indirect_dma semaphore(%arg32 : memref<!tpu.dma_semaphore, #tpu.memory_space<semaphore_mem>>) src(%arg26 : memref<4000xf32, #tpu.memory_space<vmem>>) dst(%dma_wait3A_128 : memref<10000xf32, #tpu.memory_space<vmem_shared>>)
    %barrier3A_129 = arith.constant 0 : index
    tpu.barrier barrier_id(%barrier3A_129)
    %eq3A_130 = arith.constant 0 : i32
    %eq3A_131 = arith.cmpi eq, %arg0, %eq3A_130 : i32
    %convert_element_type3A_132 = arith.extui %eq3A_131 : i1 to i32
    %cond3A_133 = arith.constant 0 : i32
    %cond3A_134 = arith.cmpi ne, %convert_element_type3A_132, %cond3A_133 : i32
    scf.if %cond3A_134 {
      "tpu.region"() ({
        %run_scoped3A = tpu.sem_alloc : memref<!tpu.dma_semaphore, #tpu.memory_space<semaphore_mem>>
        tpu.enqueue_dma source(%arg29 : memref<10000xf32, #tpu.memory_space<vmem_shared>>) target(%arg27 : memref<10000xf32, #tpu.memory_space<vmem>>) target_semaphore(%run_scoped3A : memref<!tpu.dma_semaphore, #tpu.memory_space<semaphore_mem>>)
        tpu.wait_dma2 semaphore(%run_scoped3A : memref<!tpu.dma_semaphore, #tpu.memory_space<semaphore_mem>>) src(%arg29 : memref<10000xf32, #tpu.memory_space<vmem_shared>>) dst(%arg27 : memref<10000xf32, #tpu.memory_space<vmem>>)
        tpu.yield
      }) : () -> ()
      %parallel_loop3A_151 = arith.constant 0 : i32
      %parallel_loop3A_152 = arith.constant 4000 : i32
      %parallel_loop3A_153 = arith.constant 16 : i32
      scf.for %parallel_loop3A_186 = %parallel_loop3A_151 to %parallel_loop3A_152 step %parallel_loop3A_153  : i32 {
        %parallel_loop3A_187 = arith.index_cast %parallel_loop3A_186 : i32 to index
        %parallel_loop3A_188 = tpu.vector_load %arg7[%parallel_loop3A_187] {strides = array<i32>} : memref<4000xi32, #tpu.memory_space<vmem>>, vector<16xi32>,
        %parallel_loop3A_189 = tpu.vector_load_idx %arg27[%parallel_loop3A_188] : memref<10000xf32, #tpu.memory_space<vmem>>[vector<16xi32>], vector<16xf32>,
        %parallel_loop3A_190 = arith.index_cast %parallel_loop3A_186 : i32 to index
        %parallel_loop3A_191 = tpu.vector_load %arg17[%parallel_loop3A_190] {strides = array<i32>} : memref<4000xf32, #tpu.memory_space<vmem>>, vector<16xf32>,
        %parallel_loop3A_192 = arith.mulf %parallel_loop3A_189, %parallel_loop3A_191 : vector<16xf32>
        %parallel_loop3A_193 = arith.index_cast %parallel_loop3A_186 : i32 to index
        %parallel_loop3A_194 = tpu.vector_load %arg22[%parallel_loop3A_193] {strides = array<i32>} : memref<4000xf32, #tpu.memory_space<vmem>>, vector<16xf32>,
        tpu.vector_store %arg22[%parallel_loop3A_193], %parallel_loop3A_192 {strides = array<i32>} : memref<4000xf32, #tpu.memory_space<vmem>>, vector<16xf32>,
      } {sc.loop_unroll_factor = 4 : i64, sc.parallel_access}
      %dma_start3A_154 = arith.constant 0 : i32
      %dma_start3A_155 = tpu.memref_slice %arg30[%dma_start3A_154] : memref<10000xf32, #tpu.memory_space<vmem_shared>> -> memref<10000xf32, #tpu.memory_space<vmem_shared>>
      tpu.enqueue_indirect_dma source(%arg22 : memref<4000xf32, #tpu.memory_space<vmem>>) target(%dma_start3A_155 : memref<10000xf32, #tpu.memory_space<vmem_shared>>) offsets(%arg12 : memref<4000xi32, #tpu.memory_space<vmem>>) semaphore(%arg32 : memref<!tpu.dma_semaphore, #tpu.memory_space<semaphore_mem>>) {add = true}
      %parallel_loop3A_156 = arith.constant 0 : i32
      %parallel_loop3A_157 = arith.constant 4000 : i32
      %parallel_loop3A_158 = arith.constant 16 : i32
      scf.for %parallel_loop3A_186 = %parallel_loop3A_156 to %parallel_loop3A_157 step %parallel_loop3A_158  : i32 {
        %parallel_loop3A_187 = arith.index_cast %parallel_loop3A_186 : i32 to index
        %parallel_loop3A_188 = tpu.vector_load %arg8[%parallel_loop3A_187] {strides = array<i32>} : memref<4000xi32, #tpu.memory_space<vmem>>, vector<16xi32>,
        %parallel_loop3A_189 = tpu.vector_load_idx %arg27[%parallel_loop3A_188] : memref<10000xf32, #tpu.memory_space<vmem>>[vector<16xi32>], vector<16xf32>,
        %parallel_loop3A_190 = arith.index_cast %parallel_loop3A_186 : i32 to index
        %parallel_loop3A_191 = tpu.vector_load %arg18[%parallel_loop3A_190] {strides = array<i32>} : memref<4000xf32, #tpu.memory_space<vmem>>, vector<16xf32>,
        %parallel_loop3A_192 = arith.mulf %parallel_loop3A_189, %parallel_loop3A_191 : vector<16xf32>
        %parallel_loop3A_193 = arith.index_cast %parallel_loop3A_186 : i32 to index
        %parallel_loop3A_194 = tpu.vector_load %arg23[%parallel_loop3A_193] {strides = array<i32>} : memref<4000xf32, #tpu.memory_space<vmem>>, vector<16xf32>,
        tpu.vector_store %arg23[%parallel_loop3A_193], %parallel_loop3A_192 {strides = array<i32>} : memref<4000xf32, #tpu.memory_space<vmem>>, vector<16xf32>,
      } {sc.loop_unroll_factor = 4 : i64, sc.parallel_access}
      %dma_start3A_159 = arith.constant 0 : i32
      %dma_start3A_160 = tpu.memref_slice %arg30[%dma_start3A_159] : memref<10000xf32, #tpu.memory_space<vmem_shared>> -> memref<10000xf32, #tpu.memory_space<vmem_shared>>
      tpu.enqueue_indirect_dma source(%arg23 : memref<4000xf32, #tpu.memory_space<vmem>>) target(%dma_start3A_160 : memref<10000xf32, #tpu.memory_space<vmem_shared>>) offsets(%arg13 : memref<4000xi32, #tpu.memory_space<vmem>>) semaphore(%arg32 : memref<!tpu.dma_semaphore, #tpu.memory_space<semaphore_mem>>) {add = true}
      %parallel_loop3A_161 = arith.constant 0 : i32
      %parallel_loop3A_162 = arith.constant 4000 : i32
      %parallel_loop3A_163 = arith.constant 16 : i32
      scf.for %parallel_loop3A_186 = %parallel_loop3A_161 to %parallel_loop3A_162 step %parallel_loop3A_163  : i32 {
        %parallel_loop3A_187 = arith.index_cast %parallel_loop3A_186 : i32 to index
        %parallel_loop3A_188 = tpu.vector_load %arg9[%parallel_loop3A_187] {strides = array<i32>} : memref<4000xi32, #tpu.memory_space<vmem>>, vector<16xi32>,
        %parallel_loop3A_189 = tpu.vector_load_idx %arg27[%parallel_loop3A_188] : memref<10000xf32, #tpu.memory_space<vmem>>[vector<16xi32>], vector<16xf32>,
        %parallel_loop3A_190 = arith.index_cast %parallel_loop3A_186 : i32 to index
        %parallel_loop3A_191 = tpu.vector_load %arg19[%parallel_loop3A_190] {strides = array<i32>} : memref<4000xf32, #tpu.memory_space<vmem>>, vector<16xf32>,
        %parallel_loop3A_192 = arith.mulf %parallel_loop3A_189, %parallel_loop3A_191 : vector<16xf32>
        %parallel_loop3A_193 = arith.index_cast %parallel_loop3A_186 : i32 to index
        %parallel_loop3A_194 = tpu.vector_load %arg24[%parallel_loop3A_193] {strides = array<i32>} : memref<4000xf32, #tpu.memory_space<vmem>>, vector<16xf32>,
        tpu.vector_store %arg24[%parallel_loop3A_193], %parallel_loop3A_192 {strides = array<i32>} : memref<4000xf32, #tpu.memory_space<vmem>>, vector<16xf32>,
      } {sc.loop_unroll_factor = 4 : i64, sc.parallel_access}
      %dma_start3A_164 = arith.constant 0 : i32
      %dma_start3A_165 = tpu.memref_slice %arg30[%dma_start3A_164] : memref<10000xf32, #tpu.memory_space<vmem_shared>> -> memref<10000xf32, #tpu.memory_space<vmem_shared>>
      tpu.enqueue_indirect_dma source(%arg24 : memref<4000xf32, #tpu.memory_space<vmem>>) target(%dma_start3A_165 : memref<10000xf32, #tpu.memory_space<vmem_shared>>) offsets(%arg14 : memref<4000xi32, #tpu.memory_space<vmem>>) semaphore(%arg32 : memref<!tpu.dma_semaphore, #tpu.memory_space<semaphore_mem>>) {add = true}
      %parallel_loop3A_166 = arith.constant 0 : i32
      %parallel_loop3A_167 = arith.constant 4000 : i32
      %parallel_loop3A_168 = arith.constant 16 : i32
      scf.for %parallel_loop3A_186 = %parallel_loop3A_166 to %parallel_loop3A_167 step %parallel_loop3A_168  : i32 {
        %parallel_loop3A_187 = arith.index_cast %parallel_loop3A_186 : i32 to index
        %parallel_loop3A_188 = tpu.vector_load %arg10[%parallel_loop3A_187] {strides = array<i32>} : memref<4000xi32, #tpu.memory_space<vmem>>, vector<16xi32>,
        %parallel_loop3A_189 = tpu.vector_load_idx %arg27[%parallel_loop3A_188] : memref<10000xf32, #tpu.memory_space<vmem>>[vector<16xi32>], vector<16xf32>,
        %parallel_loop3A_190 = arith.index_cast %parallel_loop3A_186 : i32 to index
        %parallel_loop3A_191 = tpu.vector_load %arg20[%parallel_loop3A_190] {strides = array<i32>} : memref<4000xf32, #tpu.memory_space<vmem>>, vector<16xf32>,
        %parallel_loop3A_192 = arith.mulf %parallel_loop3A_189, %parallel_loop3A_191 : vector<16xf32>
        %parallel_loop3A_193 = arith.index_cast %parallel_loop3A_186 : i32 to index
        %parallel_loop3A_194 = tpu.vector_load %arg25[%parallel_loop3A_193] {strides = array<i32>} : memref<4000xf32, #tpu.memory_space<vmem>>, vector<16xf32>,
        tpu.vector_store %arg25[%parallel_loop3A_193], %parallel_loop3A_192 {strides = array<i32>} : memref<4000xf32, #tpu.memory_space<vmem>>, vector<16xf32>,
      } {sc.loop_unroll_factor = 4 : i64, sc.parallel_access}
      %dma_start3A_169 = arith.constant 0 : i32
      %dma_start3A_170 = tpu.memref_slice %arg30[%dma_start3A_169] : memref<10000xf32, #tpu.memory_space<vmem_shared>> -> memref<10000xf32, #tpu.memory_space<vmem_shared>>
      tpu.enqueue_indirect_dma source(%arg25 : memref<4000xf32, #tpu.memory_space<vmem>>) target(%dma_start3A_170 : memref<10000xf32, #tpu.memory_space<vmem_shared>>) offsets(%arg15 : memref<4000xi32, #tpu.memory_space<vmem>>) semaphore(%arg32 : memref<!tpu.dma_semaphore, #tpu.memory_space<semaphore_mem>>) {add = true}
      %parallel_loop3A_171 = arith.constant 0 : i32
      %parallel_loop3A_172 = arith.constant 4000 : i32
      %parallel_loop3A_173 = arith.constant 16 : i32
      scf.for %parallel_loop3A_186 = %parallel_loop3A_171 to %parallel_loop3A_172 step %parallel_loop3A_173  : i32 {
        %parallel_loop3A_187 = arith.index_cast %parallel_loop3A_186 : i32 to index
        %parallel_loop3A_188 = tpu.vector_load %arg11[%parallel_loop3A_187] {strides = array<i32>} : memref<4000xi32, #tpu.memory_space<vmem>>, vector<16xi32>,
        %parallel_loop3A_189 = tpu.vector_load_idx %arg27[%parallel_loop3A_188] : memref<10000xf32, #tpu.memory_space<vmem>>[vector<16xi32>], vector<16xf32>,
        %parallel_loop3A_190 = arith.index_cast %parallel_loop3A_186 : i32 to index
        %parallel_loop3A_191 = tpu.vector_load %arg21[%parallel_loop3A_190] {strides = array<i32>} : memref<4000xf32, #tpu.memory_space<vmem>>, vector<16xf32>,
        %parallel_loop3A_192 = arith.mulf %parallel_loop3A_189, %parallel_loop3A_191 : vector<16xf32>
        %parallel_loop3A_193 = arith.index_cast %parallel_loop3A_186 : i32 to index
        %parallel_loop3A_194 = tpu.vector_load %arg26[%parallel_loop3A_193] {strides = array<i32>} : memref<4000xf32, #tpu.memory_space<vmem>>, vector<16xf32>,
        tpu.vector_store %arg26[%parallel_loop3A_193], %parallel_loop3A_192 {strides = array<i32>} : memref<4000xf32, #tpu.memory_space<vmem>>, vector<16xf32>,
      } {sc.loop_unroll_factor = 4 : i64, sc.parallel_access}
      %dma_start3A_174 = arith.constant 0 : i32
      %dma_start3A_175 = tpu.memref_slice %arg30[%dma_start3A_174] : memref<10000xf32, #tpu.memory_space<vmem_shared>> -> memref<10000xf32, #tpu.memory_space<vmem_shared>>
      tpu.enqueue_indirect_dma source(%arg26 : memref<4000xf32, #tpu.memory_space<vmem>>) target(%dma_start3A_175 : memref<10000xf32, #tpu.memory_space<vmem_shared>>) offsets(%arg16 : memref<4000xi32, #tpu.memory_space<vmem>>) semaphore(%arg32 : memref<!tpu.dma_semaphore, #tpu.memory_space<semaphore_mem>>) {add = true}
      %dma_wait3A_176 = arith.constant 0 : i32
      %dma_wait3A_177 = tpu.memref_slice %arg30[%dma_wait3A_176] : memref<10000xf32, #tpu.memory_space<vmem_shared>> -> memref<10000xf32, #tpu.memory_space<vmem_shared>>
      tpu.wait_indirect_dma semaphore(%arg32 : memref<!tpu.dma_semaphore, #tpu.memory_space<semaphore_mem>>) src(%arg22 : memref<4000xf32, #tpu.memory_space<vmem>>) dst(%dma_wait3A_177 : memref<10000xf32, #tpu.memory_space<vmem_shared>>)
      %dma_wait3A_178 = arith.constant 0 : i32
      %dma_wait3A_179 = tpu.memref_slice %arg30[%dma_wait3A_178] : memref<10000xf32, #tpu.memory_space<vmem_shared>> -> memref<10000xf32, #tpu.memory_space<vmem_shared>>
      tpu.wait_indirect_dma semaphore(%arg32 : memref<!tpu.dma_semaphore, #tpu.memory_space<semaphore_mem>>) src(%arg23 : memref<4000xf32, #tpu.memory_space<vmem>>) dst(%dma_wait3A_179 : memref<10000xf32, #tpu.memory_space<vmem_shared>>)
      %dma_wait3A_180 = arith.constant 0 : i32
      %dma_wait3A_181 = tpu.memref_slice %arg30[%dma_wait3A_180] : memref<10000xf32, #tpu.memory_space<vmem_shared>> -> memref<10000xf32, #tpu.memory_space<vmem_shared>>
      tpu.wait_indirect_dma semaphore(%arg32 : memref<!tpu.dma_semaphore, #tpu.memory_space<semaphore_mem>>) src(%arg24 : memref<4000xf32, #tpu.memory_space<vmem>>) dst(%dma_wait3A_181 : memref<10000xf32, #tpu.memory_space<vmem_shared>>)
      %dma_wait3A_182 = arith.constant 0 : i32
      %dma_wait3A_183 = tpu.memref_slice %arg30[%dma_wait3A_182] : memref<10000xf32, #tpu.memory_space<vmem_shared>> -> memref<10000xf32, #tpu.memory_space<vmem_shared>>
      tpu.wait_indirect_dma semaphore(%arg32 : memref<!tpu.dma_semaphore, #tpu.memory_space<semaphore_mem>>) src(%arg25 : memref<4000xf32, #tpu.memory_space<vmem>>) dst(%dma_wait3A_183 : memref<10000xf32, #tpu.memory_space<vmem_shared>>)
      %dma_wait3A_184 = arith.constant 0 : i32
      %dma_wait3A_185 = tpu.memref_slice %arg30[%dma_wait3A_184] : memref<10000xf32, #tpu.memory_space<vmem_shared>> -> memref<10000xf32, #tpu.memory_space<vmem_shared>>
      tpu.wait_indirect_dma semaphore(%arg32 : memref<!tpu.dma_semaphore, #tpu.memory_space<semaphore_mem>>) src(%arg26 : memref<4000xf32, #tpu.memory_space<vmem>>) dst(%dma_wait3A_185 : memref<10000xf32, #tpu.memory_space<vmem_shared>>)
    } else {
    }
    %barrier3A_135 = arith.constant 0 : index
    tpu.barrier barrier_id(%barrier3A_135)
    %eq3A_136 = arith.constant 0 : i32
    %eq3A_137 = arith.cmpi eq, %arg0, %eq3A_136 : i32
    %eq3A_138 = arith.constant 0 : i32
    %eq3A_139 = arith.cmpi eq, %arg1, %eq3A_138 : i32
    %and3A = arith.andi %eq3A_137, %eq3A_139 : i1
    %convert_element_type3A_140 = arith.extui %and3A : i1 to i32
    %cond3A_141 = arith.constant 0 : i32
    %cond3A_142 = arith.cmpi ne, %convert_element_type3A_140, %cond3A_141 : i32
    scf.if %cond3A_142 {
      "tpu.region"() ({
        %run_scoped3A = tpu.sem_alloc : memref<!tpu.dma_semaphore, #tpu.memory_space<semaphore_mem>>
        tpu.enqueue_dma source(%arg30 : memref<10000xf32, #tpu.memory_space<vmem_shared>>) target(%arg27 : memref<10000xf32, #tpu.memory_space<vmem>>) target_semaphore(%run_scoped3A : memref<!tpu.dma_semaphore, #tpu.memory_space<semaphore_mem>>)
        tpu.wait_dma2 semaphore(%run_scoped3A : memref<!tpu.dma_semaphore, #tpu.memory_space<semaphore_mem>>) src(%arg30 : memref<10000xf32, #tpu.memory_space<vmem_shared>>) dst(%arg27 : memref<10000xf32, #tpu.memory_space<vmem>>)
        tpu.yield
      }) : () -> ()
      "tpu.region"() ({
        %run_scoped3A = tpu.sem_alloc : memref<!tpu.dma_semaphore, #tpu.memory_space<semaphore_mem>>
        %dma_start3A_151 = arith.constant 0 : i32
        %dma_start3A_152 = tpu.memref_slice %arg6[%dma_start3A_151] : memref<30000xf32, #tpu.memory_space<hbm>> -> memref<10000xf32, #tpu.memory_space<hbm>>
        %dma_start3A_153 = arith.constant 0 : i32
        %dma_start3A_154 = tpu.memref_slice %arg6[%dma_start3A_153] : memref<30000xf32, #tpu.memory_space<hbm>> -> memref<10000xf32, #tpu.memory_space<hbm>>
        tpu.enqueue_dma source(%arg27 : memref<10000xf32, #tpu.memory_space<vmem>>) target(%dma_start3A_154 : memref<10000xf32, #tpu.memory_space<hbm>>) target_semaphore(%run_scoped3A : memref<!tpu.dma_semaphore, #tpu.memory_space<semaphore_mem>>)
        %dma_wait3A_155 = arith.constant 0 : i32
        %dma_wait3A_156 = tpu.memref_slice %arg6[%dma_wait3A_155] : memref<30000xf32, #tpu.memory_space<hbm>> -> memref<10000xf32, #tpu.memory_space<hbm>>
        %dma_wait3A_157 = arith.constant 0 : i32
        %dma_wait3A_158 = tpu.memref_slice %arg6[%dma_wait3A_157] : memref<30000xf32, #tpu.memory_space<hbm>> -> memref<10000xf32, #tpu.memory_space<hbm>>
        tpu.wait_dma2 semaphore(%run_scoped3A : memref<!tpu.dma_semaphore, #tpu.memory_space<semaphore_mem>>) src(%arg27 : memref<10000xf32, #tpu.memory_space<vmem>>) dst(%dma_wait3A_158 : memref<10000xf32, #tpu.memory_space<hbm>>)
        tpu.yield
      }) : () -> ()
    } else {
    }
    %eq3A_143 = arith.constant 1 : i32
    %eq3A_144 = arith.cmpi eq, %arg0, %eq3A_143 : i32
    %eq3A_145 = arith.constant 0 : i32
    %eq3A_146 = arith.cmpi eq, %arg1, %eq3A_145 : i32
    %and3A_147 = arith.andi %eq3A_144, %eq3A_146 : i1
    %convert_element_type3A_148 = arith.extui %and3A_147 : i1 to i32
    %cond3A_149 = arith.constant 0 : i32
    %cond3A_150 = arith.cmpi ne, %convert_element_type3A_148, %cond3A_149 : i32
    scf.if %cond3A_150 {
      "tpu.region"() ({
        %run_scoped3A = tpu.sem_alloc : memref<!tpu.dma_semaphore, #tpu.memory_space<semaphore_mem>>
        tpu.enqueue_dma source(%arg28 : memref<10000xf32, #tpu.memory_space<vmem_shared>>) target(%arg27 : memref<10000xf32, #tpu.memory_space<vmem>>) target_semaphore(%run_scoped3A : memref<!tpu.dma_semaphore, #tpu.memory_space<semaphore_mem>>)
        tpu.wait_dma2 semaphore(%run_scoped3A : memref<!tpu.dma_semaphore, #tpu.memory_space<semaphore_mem>>) src(%arg28 : memref<10000xf32, #tpu.memory_space<vmem_shared>>) dst(%arg27 : memref<10000xf32, #tpu.memory_space<vmem>>)
        tpu.yield
      }) : () -> ()
      "tpu.region"() ({
        %run_scoped3A = tpu.sem_alloc : memref<!tpu.dma_semaphore, #tpu.memory_space<semaphore_mem>>
        %dma_start3A_151 = arith.constant 10000 : i32
        %dma_start3A_152 = tpu.memref_slice %arg6[%dma_start3A_151] : memref<30000xf32, #tpu.memory_space<hbm>> -> memref<10000xf32, #tpu.memory_space<hbm>>
        %dma_start3A_153 = arith.constant 10000 : i32
        %dma_start3A_154 = tpu.memref_slice %arg6[%dma_start3A_153] : memref<30000xf32, #tpu.memory_space<hbm>> -> memref<10000xf32, #tpu.memory_space<hbm>>
        tpu.enqueue_dma source(%arg27 : memref<10000xf32, #tpu.memory_space<vmem>>) target(%dma_start3A_154 : memref<10000xf32, #tpu.memory_space<hbm>>) target_semaphore(%run_scoped3A : memref<!tpu.dma_semaphore, #tpu.memory_space<semaphore_mem>>)
        %dma_wait3A_155 = arith.constant 10000 : i32
        %dma_wait3A_156 = tpu.memref_slice %arg6[%dma_wait3A_155] : memref<30000xf32, #tpu.memory_space<hbm>> -> memref<10000xf32, #tpu.memory_space<hbm>>
        %dma_wait3A_157 = arith.constant 10000 : i32
        %dma_wait3A_158 = tpu.memref_slice %arg6[%dma_wait3A_157] : memref<30000xf32, #tpu.memory_space<hbm>> -> memref<10000xf32, #tpu.memory_space<hbm>>
        tpu.wait_dma2 semaphore(%run_scoped3A : memref<!tpu.dma_semaphore, #tpu.memory_space<semaphore_mem>>) src(%arg27 : memref<10000xf32, #tpu.memory_space<vmem>>) dst(%dma_wait3A_158 : memref<10000xf32, #tpu.memory_space<hbm>>)
        tpu.yield
      }) : () -> ()
      "tpu.region"() ({
        %run_scoped3A = tpu.sem_alloc : memref<!tpu.dma_semaphore, #tpu.memory_space<semaphore_mem>>
        tpu.enqueue_dma source(%arg29 : memref<10000xf32, #tpu.memory_space<vmem_shared>>) target(%arg27 : memref<10000xf32, #tpu.memory_space<vmem>>) target_semaphore(%run_scoped3A : memref<!tpu.dma_semaphore, #tpu.memory_space<semaphore_mem>>)
        tpu.wait_dma2 semaphore(%run_scoped3A : memref<!tpu.dma_semaphore, #tpu.memory_space<semaphore_mem>>) src(%arg29 : memref<10000xf32, #tpu.memory_space<vmem_shared>>) dst(%arg27 : memref<10000xf32, #tpu.memory_space<vmem>>)
        tpu.yield
      }) : () -> ()
      "tpu.region"() ({
        %run_scoped3A = tpu.sem_alloc : memref<!tpu.dma_semaphore, #tpu.memory_space<semaphore_mem>>
        %dma_start3A_151 = arith.constant 20000 : i32
        %dma_start3A_152 = tpu.memref_slice %arg6[%dma_start3A_151] : memref<30000xf32, #tpu.memory_space<hbm>> -> memref<10000xf32, #tpu.memory_space<hbm>>
        %dma_start3A_153 = arith.constant 20000 : i32
        %dma_start3A_154 = tpu.memref_slice %arg6[%dma_start3A_153] : memref<30000xf32, #tpu.memory_space<hbm>> -> memref<10000xf32, #tpu.memory_space<hbm>>
        tpu.enqueue_dma source(%arg27 : memref<10000xf32, #tpu.memory_space<vmem>>) target(%dma_start3A_154 : memref<10000xf32, #tpu.memory_space<hbm>>) target_semaphore(%run_scoped3A : memref<!tpu.dma_semaphore, #tpu.memory_space<semaphore_mem>>)
        %dma_wait3A_155 = arith.constant 20000 : i32
        %dma_wait3A_156 = tpu.memref_slice %arg6[%dma_wait3A_155] : memref<30000xf32, #tpu.memory_space<hbm>> -> memref<10000xf32, #tpu.memory_space<hbm>>
        %dma_wait3A_157 = arith.constant 20000 : i32
        %dma_wait3A_158 = tpu.memref_slice %arg6[%dma_wait3A_157] : memref<30000xf32, #tpu.memory_space<hbm>> -> memref<10000xf32, #tpu.memory_space<hbm>>
        tpu.wait_dma2 semaphore(%run_scoped3A : memref<!tpu.dma_semaphore, #tpu.memory_space<semaphore_mem>>) src(%arg27 : memref<10000xf32, #tpu.memory_space<vmem>>) dst(%dma_wait3A_158 : memref<10000xf32, #tpu.memory_space<hbm>>)
        tpu.yield
      }) : () -> ()
    } else {
    }
    return
  }
}

module attributes {stable_mosaic.version = 14 : i64} {
  func.func @expand_kernel(%arg0: memref<3x10000xf32, #tpu.memory_space<vmem>>, %arg1: memref<1x32xf32, #tpu.memory_space<vmem>>, %arg2: memref<1x32xf32, #tpu.memory_space<vmem>>, %arg3: memref<32x64xf32, #tpu.memory_space<vmem>>, %arg4: memref<1x64xf32, #tpu.memory_space<vmem>>, %arg5: memref<64x128xf32, #tpu.memory_space<vmem>>, %arg6: memref<1x128xf32, #tpu.memory_space<vmem>>, %arg7: memref<10000x128xf32, #tpu.memory_space<vmem>>) attributes {dimension_semantics = [], scalar_prefetch = 0 : i64, scratch_operands = 0 : i64, tpu.core_type = #tpu.core_type<tc>} {
    %get3A = arith.constant 0 : index
    %get3A_0 = arith.constant 0 : index
    %get3A_1 = vector.load %arg0[%get3A, %get3A_0] : memref<3x10000xf32, #tpu.memory_space<vmem>>, vector<3x10000xf32>
    %get3A_2 = arith.constant 0 : index
    %get3A_3 = arith.constant 0 : index
    %get3A_4 = vector.load %arg1[%get3A_2, %get3A_3] : memref<1x32xf32, #tpu.memory_space<vmem>>, vector<1x32xf32>
    %get3A_5 = arith.constant 0 : index
    %get3A_6 = arith.constant 0 : index
    %get3A_7 = vector.load %arg3[%get3A_5, %get3A_6] : memref<32x64xf32, #tpu.memory_space<vmem>>, vector<32x64xf32>
    %dot_general3A = arith.constant dense<0.000000e+00> : vector<1x64xf32>
    %dot_general3A_8 = tpu.matmul %get3A_4, %get3A_7, %dot_general3A {dimension_numbers = #tpu.dot_dimension_numbers<[1], [0], [0], [1], [0, 0, 1, 1], [], []>, transpose_lhs_hint = false} : vector<1x32xf32>, vector<32x64xf32>, vector<1x64xf32> -> vector<1x64xf32>
    %get3A_9 = arith.constant 0 : index
    %get3A_10 = arith.constant 0 : index
    %get3A_11 = vector.load %arg5[%get3A_9, %get3A_10] : memref<64x128xf32, #tpu.memory_space<vmem>>, vector<64x128xf32>
    %dot_general3A_12 = arith.constant dense<0.000000e+00> : vector<1x128xf32>
    %dot_general3A_13 = tpu.matmul %dot_general3A_8, %get3A_11, %dot_general3A_12 {dimension_numbers = #tpu.dot_dimension_numbers<[1], [0], [0], [1], [0, 0, 1, 1], [], []>, transpose_lhs_hint = false} : vector<1x64xf32>, vector<64x128xf32>, vector<1x128xf32> -> vector<1x128xf32>
    %get3A_14 = arith.constant 0 : index
    %get3A_15 = arith.constant 0 : index
    %get3A_16 = vector.load %arg2[%get3A_14, %get3A_15] : memref<1x32xf32, #tpu.memory_space<vmem>>, vector<1x32xf32>
    %get3A_17 = arith.constant 0 : index
    %get3A_18 = arith.constant 0 : index
    %get3A_19 = vector.load %arg3[%get3A_17, %get3A_18] : memref<32x64xf32, #tpu.memory_space<vmem>>, vector<32x64xf32>
    %dot_general3A_20 = arith.constant dense<0.000000e+00> : vector<1x64xf32>
    %dot_general3A_21 = tpu.matmul %get3A_16, %get3A_19, %dot_general3A_20 {dimension_numbers = #tpu.dot_dimension_numbers<[1], [0], [0], [1], [0, 0, 1, 1], [], []>, transpose_lhs_hint = false} : vector<1x32xf32>, vector<32x64xf32>, vector<1x64xf32> -> vector<1x64xf32>
    %get3A_22 = arith.constant 0 : index
    %get3A_23 = arith.constant 0 : index
    %get3A_24 = vector.load %arg5[%get3A_22, %get3A_23] : memref<64x128xf32, #tpu.memory_space<vmem>>, vector<64x128xf32>
    %dot_general3A_25 = arith.constant dense<0.000000e+00> : vector<1x128xf32>
    %dot_general3A_26 = tpu.matmul %dot_general3A_21, %get3A_24, %dot_general3A_25 {dimension_numbers = #tpu.dot_dimension_numbers<[1], [0], [0], [1], [0, 0, 1, 1], [], []>, transpose_lhs_hint = false} : vector<1x64xf32>, vector<64x128xf32>, vector<1x128xf32> -> vector<1x128xf32>
    %get3A_27 = arith.constant 0 : index
    %get3A_28 = arith.constant 0 : index
    %get3A_29 = vector.load %arg4[%get3A_27, %get3A_28] : memref<1x64xf32, #tpu.memory_space<vmem>>, vector<1x64xf32>
    %get3A_30 = arith.constant 0 : index
    %get3A_31 = arith.constant 0 : index
    %get3A_32 = vector.load %arg5[%get3A_30, %get3A_31] : memref<64x128xf32, #tpu.memory_space<vmem>>, vector<64x128xf32>
    %dot_general3A_33 = arith.constant dense<0.000000e+00> : vector<1x128xf32>
    %dot_general3A_34 = tpu.matmul %get3A_29, %get3A_32, %dot_general3A_33 {dimension_numbers = #tpu.dot_dimension_numbers<[1], [0], [0], [1], [0, 0, 1, 1], [], []>, transpose_lhs_hint = false} : vector<1x64xf32>, vector<64x128xf32>, vector<1x128xf32> -> vector<1x128xf32>
    %concatenate3A = tpu.concatenate %dot_general3A_13, %dot_general3A_34, %dot_general3A_26 in 0 : vector<1x128xf32>, vector<1x128xf32>, vector<1x128xf32> -> vector<3x128xf32>
    %dot_general3A_35 = arith.constant dense<0.000000e+00> : vector<10000x128xf32>
    %dot_general3A_36 = tpu.matmul %get3A_1, %concatenate3A, %dot_general3A_35 {dimension_numbers = #tpu.dot_dimension_numbers<[0], [0], [1], [1], [0, 1, 1, 1], [], []>, transpose_lhs_hint = false} : vector<3x10000xf32>, vector<3x128xf32>, vector<10000x128xf32> -> vector<10000x128xf32>
    %get3A_37 = arith.constant 0 : index
    %get3A_38 = arith.constant 0 : index
    %get3A_39 = vector.load %arg6[%get3A_37, %get3A_38] : memref<1x128xf32, #tpu.memory_space<vmem>>, vector<1x128xf32>
    %add3A = vector.broadcast %get3A_39 : vector<1x128xf32> to vector<10000x128xf32>
    %add3A_40 = arith.addf %dot_general3A_36, %add3A : vector<10000x128xf32>
    %neg3A = arith.constant 0.000000e+00 : f32
    %neg3A_41 = vector.broadcast %neg3A : f32 to vector<10000x128xf32>
    %neg3A_42 = arith.subf %neg3A_41, %add3A_40 : vector<10000x128xf32>
    %exp3A = math.exp %neg3A_42 : vector<10000x128xf32>
    %add3A_43 = arith.constant 1.000000e+00 : f32
    %add3A_44 = vector.broadcast %add3A_43 : f32 to vector<10000x128xf32>
    %add3A_45 = arith.addf %add3A_44, %exp3A : vector<10000x128xf32>
    %div3A = arith.constant 1.000000e+00 : f32
    %div3A_46 = vector.broadcast %div3A : f32 to vector<10000x128xf32>
    %div3A_47 = arith.divf %div3A_46, %add3A_45 : vector<10000x128xf32>
    %swap3A = arith.constant 0 : index
    %swap3A_48 = arith.constant 0 : index
    %swap3A_49 = vector.load %arg7[%swap3A, %swap3A_48] : memref<10000x128xf32, #tpu.memory_space<vmem>>, vector<10000x128xf32>
    tpu.vector_store %arg7[%swap3A, %swap3A_48], %div3A_47 {strides = array<i32>} : memref<10000x128xf32, #tpu.memory_space<vmem>>, vector<10000x128xf32>,
    return
  }
}

</mosaic_0001>

<sc_bundles>
// kernel: kernel.4.cloned.1.call-start
scs
__scs_entry_jumppad:
0x0: {  	(pc) =	sbr.rel $0x88, $3  }
0x1: {  	(tag) =	ssettag $0x0;
	lr =	simm.s32 $0x1  }
0x2: {  	[smem:$0x3F98] =	sst lr;
	_ =	strace $0xD0000000  }
0x3: {  	_ = 	snop  }
0x4: {  	_ = 	snop  }
0x5: {  	_ = 	snop  }
0x6: {  	_ = 	snop  }
0x7: {  	_ = 	snop  }
__scs_overlays_trampoline_lowered:
0x8: {  	[smem:$0x3FA7] =	sst s0  }
0x9: {  	[smem:$0x3FA8] =	sst s1  }
0xa: {  	[smem:$0x3FA9] =	sst s2  }
0xb: {  	[smem:$0x3FAA] =	sst s3  }
0xc: {  	[smem:$0x3FAB] =	sst s4  }
0xd: {  	[smem:$0x3FAC] =	sst s5  }
0xe: {  	[smem:$0x3FAD] =	sst s6  }
0xf: {  	[smem:$0x3FAE] =	sst s7  }
0x10: {  	[smem:$0x3FAF] =	sst s8  }
0x11: {  	[smem:$0x3FB0] =	sst s9;
	s0 =	simm.s32 @!p0 $0x0  }
0x12: {  	s1 =	sld [smem:$0x3F96];
	s0 =	simm.s32 @p0 $0x1  }
0x13: {  	[smem:$0x3FB1] =	sst s0;
	s0 =	simm.s32 @!p1 $0x0  }
0x14: {  	s2 =	sld [smem:$0x3F95];
	s0 =	simm.s32 @p1 $0x1  }
0x15: {  	[smem:$0x3FB2] =	sst s0;
	s0 =	simm.s32 @!p2 $0x0  }
0x16: {  	s3 =	sld [smem:$0x3FDB];
	s0 =	simm.s32 @p2 $0x1  }
0x17: {  	s4 =	simm.s32 $0x1BF5;
	[smem:$0x3FB4] =	sst s0  }
0x18: {  	s0 =	sld [smem:$0x3F97];
	_ =	swait.ge [sflag:s4], $0x0  }
0x19: {  	s7 =	sld [smem:$0x3F98]  }
0x1a: {  	s8 =	sadd.s32 $0xFFFFE003, lr  }
0x1b: {  	s9 =	sadd.s32 $0xFFFFFEF7, lr;
	s5 =	simm.s32 $0xFFFFFFFF;
	p2 =	slt.u32 s8, $0xFFFFF086  }
0x1c: {  	p1 =	slt.u32 s9, $0xF7A;
	s5 =	simm.s32 @!p2 $0x0  }
0x1d: {  	s5 =	simm.s32 @p1 $0x1;
	p0 =	seq.s32 s7, s2  }
0x1e: {  	s7 =	smul.u32 @!p0 $0xF7A, s2;
	p2 =	seq.s32 @!p0 s5, $0x0  }
0x1f: {  	s9 =	smul.u32 $0xF7A, s1;
	s8 =	simm.s32 @!p0 $0x1BF5;
	p2 =	por !p2, p0  }
0x20: {  	[sflag:s8] =	ssyncset.s32 @!p0 $0xFFFFF086;
	s6 =	sadd.s32 @!p0 s3, s7;
	s7 =	simm.s32 @!p0 $0x108  }
0x21: {  	s3 =	sadd.s32 s3, s9;
	s6 =	sadd.s32 @!p0 $0x88, s6;
	s7 =	simm.s32 @p2 $0x1082  }
0x22: {  	[simem:s7], [sflag:s8] =	dma.local @!p0 [hbm:s6], $0xF7A  }
0x23: {  	s9 =	sor.u32 $0xD0000000, s2;
	s6 =	simm.s32 $0x108;
	_ =	swait.ge @!p0 [sflag:s8], $0x0  }
0x24: {  	s3 =	sadd.s32 $0x88, s3;
	s6 =	simm.s32 @!p1 $0x1082;
	[sflag:s4] =	ssyncset.s32 $0xFFFFF086  }
0x25: {  	[simem:s6], [sflag:s4] =	dma.local [hbm:s3], $0xF7A  }
0x26: {  	[smem:$0x3F98] =	sst s1;
	(tag) =	ssettag s2;
	_ =	strace s9  }
0x27: {  	s1 =	sld [smem:$0x3FA8]  }
0x28: {  	s2 =	sld [smem:$0x3FA9]  }
0x29: {  	s4 =	sld [smem:$0x3FAB]  }
0x2a: {  	p0 =	seq.s32 s5, $0x0;
	s5 =	sld [smem:$0x3FAC]  }
0x2b: {  	s6 =	sld [smem:$0x3FAD]  }
0x2c: {  	s7 =	sld [smem:$0x3FAE]  }
0x2d: {  	s3 =	simm.s32 $0x108;
	s8 =	sld [smem:$0x3FAF]  }
0x2e: {  	s3 =	simm.s32 @!p0 $0x1082;
	s9 =	sld [smem:$0x3FB0]  }
0x2f: {  	lr =	sadd.s32 s0, s3;
	s0 =	sld [smem:$0x3FA7]  }
0x30: {  	s3 =	sld [smem:$0x3FAA]  }
0x31: {  	[smem:$0x3FB3] =	sst s10  }
0x32: {  	s10 =	sld [smem:$0x3FB1];
	_ =	sdelay $0x3  }
0x33: {  	p0 =	seq.s32 s10, $0x1;
	s10 =	sld [smem:$0x3FB3];
	_ =	sdelay $0x3  }
0x34: {  	[smem:$0x3FB3] =	sst s10  }
0x35: {  	s10 =	sld [smem:$0x3FB2];
	_ =	sdelay $0x3  }
0x36: {  	p1 =	seq.s32 s10, $0x1;
	s10 =	sld [smem:$0x3FB3];
	_ =	sdelay $0x3  }
0x37: {  	[smem:$0x3FB3] =	sst s10  }
0x38: {  	s10 =	sld [smem:$0x3FB4]  }
0x39: {  	_ = 	snop;
	(pc) =	sbr.ind lr, $3  }
0x3a: {  	_ = 	snop  }
0x3b: {  	_ = 	snop  }
0x3c: {  	p2 =	seq.s32 s10, $0x1;
	s10 =	sld [smem:$0x3FB3]  }
0x3d: {  	_ =	shalt  }
0x3e: {  	_ =	shalt  }
0x3f: {  	_ =	shalt  }
0x40: {  	_ =	shalt  }
0x41: {  	_ =	shalt  }
0x42: {  	_ =	shalt  }
0x43: {  	_ =	shalt  }
0x44: {  	_ =	shalt  }
0x45: {  	_ =	shalt  }
0x46: {  	_ =	shalt  }
0x47: {  	_ =	shalt  }
0x48: {  	_ =	shalt  }
0x49: {  	_ =	shalt  }
0x4a: {  	_ =	shalt  }
0x4b: {  	_ =	shalt  }
0x4c: {  	_ =	shalt  }
0x4d: {  	_ =	shalt  }
0x4e: {  	_ =	shalt  }
0x4f: {  	_ =	shalt  }
0x50: {  	_ =	shalt  }
0x51: {  	_ =	shalt  }
0x52: {  	_ =	shalt  }
0x53: {  	_ =	shalt  }
0x54: {  	_ =	shalt  }
0x55: {  	_ =	shalt  }
0x56: {  	_ =	shalt  }
0x57: {  	_ =	shalt  }
0x58: {  	_ =	shalt  }
0x59: {  	_ =	shalt  }
0x5a: {  	_ =	shalt  }
0x5b: {  	_ =	shalt  }
0x5c: {  	_ =	shalt  }
0x5d: {  	_ =	shalt  }
0x5e: {  	_ =	shalt  }
0x5f: {  	_ =	shalt  }
0x60: {  	_ =	shalt  }
0x61: {  	_ =	shalt  }
0x62: {  	_ =	shalt  }
0x63: {  	_ =	shalt  }
0x64: {  	_ =	shalt  }
0x65: {  	_ =	shalt  }
0x66: {  	_ =	shalt  }
0x67: {  	_ =	shalt  }
0x68: {  	_ =	shalt  }
0x69: {  	_ =	shalt  }
0x6a: {  	_ =	shalt  }
0x6b: {  	_ =	shalt  }
0x6c: {  	_ =	shalt  }
0x6d: {  	_ =	shalt  }
0x6e: {  	_ =	shalt  }
0x6f: {  	_ =	shalt  }
0x70: {  	_ =	shalt  }
0x71: {  	_ =	shalt  }
0x72: {  	_ =	shalt  }
0x73: {  	_ =	shalt  }
0x74: {  	_ =	shalt  }
0x75: {  	_ =	shalt  }
0x76: {  	_ =	shalt  }
0x77: {  	_ =	shalt  }
0x78: {  	_ =	shalt  }
0x79: {  	_ =	shalt  }
0x7a: {  	_ =	shalt  }
0x7b: {  	_ =	shalt  }
0x7c: {  	_ =	shalt  }
0x7d: {  	_ =	shalt  }
0x7e: {  	_ =	shalt  }
0x7f: {  	_ =	shalt  }
0x80: {  	_ =	shalt  }
0x81: {  	_ =	shalt  }
0x82: {  	_ =	shalt  }
0x83: {  	_ =	shalt  }
0x84: {  	_ =	shalt  }
0x85: {  	_ =	shalt  }
0x86: {  	_ =	shalt  }
0x87: {  	_ =	shalt  }
.Lfunc_end0:
.L_simem_size_0:
called_computation_lowered:
.L_overlay_start_0:
0x88: {  	s2 =	sld [smem:$0x3FD9]  }
0x89: {  	s3 =	sld [smem:$0x3FFE];
	_ =	sdelay $0x1  }
0x8a: {  	s1 =	srdreg.scid  }
0x8b: {  	s0 =	sand.u32 $0x1, s1  }
0x8c: {  	s17 =	sshll.u32 s0, $0xA;
	s2 =	sadd.s32 s3, s2  }
0x8d: {  	s2 =	sadd.s32 s2, s17  }
0x8e: {  	[smem:$0x3FBF] =	sst s2  }
0x8f: {  	_ = 	snop  }
0x90: {  	s2 =	sld [smem:$0x3FC7]  }
0x91: {  	s18 =	sld [smem:$0x3FD0];
	(tm) =	ssettm $0x1  }
0x92: {  	s4 =	sld [smem:$0x3FFB];
	_ =	sdelay $0x3  }
0x93: {  	_ =	strace s4  }
0x94: {  	s4 =	sld [smem:$0x3FFC];
	_ =	sdelay $0x3  }
0x95: {  	_ =	strace s4  }
0x96: {  	s4 =	sld [smem:$0x3FFD];
	_ =	sdelay $0x3  }
0x97: {  	_ =	strace s4  }
0x98: {  	_ =	strace $0x8FFFFFFF  }
0x99: {  	s19 =	sld [smem:$0x3FDB];
	_ =	sdelay $0x1  }
0x9a: {  	s5 =	simm.s32 $_scs_section_size  }
0x9b: {  	s6 =	simm.s32 $_size__tile_overlayer_lowered;
	s7 =	simm.s32 $_tile_overlayer_lowered  }
0x9c: {  	s22 =	simm.s32 $0x1BFF;
	s21 =	sshll.u32 s7, $0x1;
	s4 =	sadd.s32 s5, s19  }
0x9d: {  	s8 =	simm.s32 $0x0;
	s20 =	sshll.u32 s6, $0x1;
	s6 =	sadd.s32 s21, s4  }
0x9e: {  	[timem:s8], [sflag:s22] =	dma.local [hbm:s6], s20  }
0x9f: {  	_ =	swait.ge [sflag:s22], s20  }
0xa0: {  	s5 =	ssub.s32 $0x0, s20;
	[sflag:s22] =	ssyncset.done $0x0  }
0xa1: {  	[sflag:s22] =	ssyncadd.s32 s5;
	_ =	sdelay $0x1  }
0xa2: {  	s23 =	simm.s32 $0x1B8B  }
0xa3: {  	_ =	swait.ge [sflag:s23], $0x1  }
0xa4: {  	[sflag:s23] =	ssyncset.done $0x0  }
0xa5: {  	s25 =	simm.s32 $0x1B8E;
	s24 =	sld [smem:$0x3FFE];
	[sflag:s23] =	ssyncadd.s32 $0xFFFFFFFF  }
0xa6: {  	s26 =	simm.s32 $execute0_lowered;
	[smem:$0x3FD2] =	sst s25  }
0xa7: {  	s6 =	sshll.u32 s26, $0x1;
	_ =	strace $0x80000046;
	[dreg:$0x1] =	wrdreg $0xFFFFFFFF  }
0xa8: {  	s28 =	simm.s32 $_size_execute0_lowered;
	s4 =	sadd.s32 s4, s6;
	[dreg:$0x0] =	wrdreg $0x0  }
0xa9: {  	s6 =	sshll.u32 s28, $0x1;
	[dreg:$0x2] =	wrdreg s4  }
0xaa: {  	[dreg:$0x3] =	wrdreg s6  }
0xab: {  	[dreg:$0x4] =	wrdreg $0xC0  }
0xac: {  	_ =	task [dreg:s8], $0x5FFFF  }
0xad: {  	[dreg:$0x1] =	wrdreg $0xFFFFFFFF  }
0xae: {  	[dreg:$0x0] =	wrdreg $0x60  }
0xaf: {  	[dreg:$0x2] =	wrdreg s24  }
0xb0: {  	[dreg:$0x3] =	wrdreg s18  }
0xb1: {  	[dreg:$0x4] =	wrdreg s2  }
0xb2: {  	[dreg:$0x5] =	wrdreg $0x167800  }
0xb3: {  	[dreg:$0x6] =	wrdreg $0x169F80  }
0xb4: {  	[dreg:$0x7] =	wrdreg $0x16C700  }
0xb5: {  	[dreg:$0x8] =	wrdreg $0x9  }
0xb6: {  	_ =	task.clear_ibuf [dreg:s8], $0x9FFFF;
	_ =	strace $0x90000046  }
0xb7: {  	s29 =	simm.s32 $0x9;
	_ =	strace $0x80000048  }
0xb8: {  	_ =	swait.ge [sflag:s29], $0x1  }
0xb9: {  	[sflag:s29] =	ssyncadd.s32 $0xFFFFFFFF  }
0xba: {  	_ =	strace $0x90000048  }
0xbb: {  	_ =	sfence  }
0xbc: {  	s30 =	sld [smem:$0x0];
	_ =	sdelay $0x2  }
0xbd: {  	s31 =	sshll.u32 s1, $0xD;
	s1 =	sshrl.u32 s1, $0x2  }
0xbe: {  	s3 =	sand.u32 $0x4000, s31;
	s1 =	sadd.s32 s1, s30  }
0xbf: {  	s0 =	sor.u32 s3, s0;
	s1 =	sshll.u32 s1, $0x11  }
0xc0: {  	s0 =	sor.u32 s1, s0  }
0xc1: {  	s0 =	sadd.s32 $0x8F2B, s0  }
0xc2: {  	[sflag:s0] =	ssyncadd.remote.s32 $0x1  }
0xc3: {  	_ =	sfence.sel $0xFFFF  }
0xc4: {  	[dreg:$0x0] =	wrdreg $0xFFFFFFFF;
	(pc) =	sbr.abs _section_cstart, $3  }
0xc5: {  	[dreg:$0x1] =	wrdreg $0xFFFFFFFF  }
0xc6: {  	_ =	task.clear_ibuf [dreg:s8], $0x2FFFF;
	_ =	strace $0x9FFFFFFF  }
0xc7: {  	(tm) =	ssettm $0x7FFFFFFF  }
tec
execute0_lowered:
.L_overlay_start_1:
0x0: {  	(tag) =	ssettag $0x1  }
0x1: {  	s0 =	rddreg [dreg:$0x0]  }
0x2: {  	s4 =	rddreg [dreg:$0x1]  }
0x3: {  	s5 =	rddreg [dreg:$0x2];
	s2 =	srdreg.scid  }
0x4: {  	s12 =	stileid.u32;
	s1 =	rddreg [dreg:$0x3]  }
0x5: {  	s29 =	simm.s32 $0x14000;
	s30 =	simm.s32 $0x5000;
	s31 =	simm.s32 $0x7000  }
0x6: {  	s6 =	sand.u32 $0x1, s2;
	s3 =	smul.u32 $0x4E20, s12;
	s2 =	rddreg [dreg:$0x4]  }
0x7: {  	s8 =	sadd.s32 $0x400, s0;
	p0 =	seq.s32 s12, $0x0;
	s7 =	ssub.s32 $0x2, s6  }
0x8: {  	p1 =	seq.s32 @!p0 s12, $0x2;
	p2 =	seq.s32 s6, $0x1;
	s26 =	sor.u32 s12, s6  }
0x9: {  	p3 =	sne.s32 s6, $0x0;
	s6 =	simm.s32 $0xFA0;
	s9 =	sshrl.u32 s7, $0x1  }
0xa: {  	s10 =	sshrl.u32 s3, $0x3;
	s3 =	rddreg [dreg:$0x5];
	p6 =	por !p1, p0  }
0xb: {  	p4 =	sne.s32 s26, $0x0;
	p1 =	por p1, p0;
	s26 =	sadd.s32 $0xB1C4, s0  }
0xc: {  	s7 =	ssub.s32 s7, s9;
	s15 =	sadd.s32 s8, s10;
	s16 =	sadd.s32 s4, s10  }
0xd: {  	s17 =	sadd.s32 s5, s10;
	s18 =	sadd.s32 $0x1F4, s10;
	s20 =	sadd.s32 $0x3E8, s10  }
0xe: {  	s22 =	sadd.s32 $0x5DC, s10;
	s25 =	sadd.s32 $0x7D0, s10;
	[dreg:$0x7] =	wrdreg s15  }
0xf: {  	p5 =	por @!p6 $0x0, $0x0;
	p1 =	por @!p1 $0x0, $0x0;
	[dreg:$0x8] =	wrdreg s16  }
0x10: {  	s10 =	simm.s32 $0x13000;
	[dreg:$0x9] =	wrdreg s17;
	s11 =	sadd.s32 s8, s18  }
0x11: {  	s19 =	sadd.s32 s4, s18;
	s9 =	sadd.s32 s5, s18;
	[dreg:$0xa] =	wrdreg s11  }
0x12: {  	s21 =	sadd.s32 s8, s20;
	s13 =	sadd.s32 s4, s20;
	[dreg:$0xb] =	wrdreg s19  }
0x13: {  	s23 =	sadd.s32 s8, s22;
	s24 =	sadd.s32 s4, s22;
	[dreg:$0xc] =	wrdreg s9  }
0x14: {  	s8 =	sadd.s32 s8, s25;
	s4 =	sadd.s32 s4, s25;
	[dreg:$0xd] =	wrdreg s21  }
0x15: {  	s18 =	sadd.s32 s5, s25;
	s25 =	sadd.s32 $0xACE2, s0;
	[dreg:$0xe] =	wrdreg s13  }
0x16: {  	s28 =	smax.u32 s7, $0x1;
	p1 =	por @!p6 p5, p5;
	[dreg:$0x10] =	wrdreg s23  }
0x17: {  	p5 =	por p2, p2;
	s7 =	simm.s32 $0x10000;
	[dreg:$0x11] =	wrdreg s24  }
0x18: {  	s11 =	sadd.s32 s5, s20;
	s9 =	sadd.s32 s5, s22;
	[dreg:$0x13] =	wrdreg s8  }
0x19: {  	[dreg:$0x14] =	wrdreg s4;
	s8 =	sadd.s32 $0xFA0, s3;
	s4 =	sadd.s32 $0xFA0, s2  }
0x1a: {  	s5 =	sadd.s32 $0x1F40, s2;
	s22 =	simm.s32 $0x0;
	s23 =	sadd.s32 $0xA200, s0  }
0x1b: {  	s24 =	sadd.s32 $0xA800, s0;
	s0 =	simm.s32 @!p6 $0x0;
	p5 =	por @!p0 p1, p1  }
0x1c: {  	s21 =	simm.s32 $0x8000;
	s19 =	simm.s32 $0x9000;
	[dreg:$0xf] =	wrdreg s11  }
0x1d: {  	s20 =	simm.s32 $0xF000;
	[dreg:$0x12] =	wrdreg s9;
	s9 =	sadd.s32 $0x1F40, s3  }
0x1e: {  	s8 =	smov.u32 @p6 s4;
	s4 =	sadd.s32 $0xFA0, s1;
	[smem:$0x7FF] =	sst s22  }
0x1f: {  	s0 =	simm.s32 @p6 $0x1;
	s11 =	simm.s32 $0x2;
	s9 =	smov.u32 @p6 s5  }
0x20: {  	s5 =	sadd.s32 $0x1F40, s1;
	s8 =	smov.u32 @p0 s4;
	p6 =	sgt.u32 s12, $0x2  }
.Ltmp0:
0x21: {  	[dreg:$0x15] =	wrdreg s8;
	s9 =	smov.u32 @p0 s5;
	(pc) =	sbr.rel .LBB2_1-.Ltmp0, $4  }
0x22: {  	s4 =	simm.s32 $0x3;
	s12 =	simm.s32 $0x0;
	[dreg:$0x16] =	wrdreg s9  }
0x23: {  	_ =	strace $0x80000047;
	[smem:$0x7FC] =	sst s0;
	s0 =	simm.s32 @!p5 $0x0  }
0x24: {  	s5 =	simm.s32 $0x1;
	s8 =	simm.s32 $0x11000;
	s0 =	simm.s32 @p5 $0x1  }
0x25: {  	v0 =	vimm.f32 $0.0e+00;
	s9 =	simm.s32 $0x12000;
	[smem:$0x7FD] =	sst s0;
	s0 =	simm.s32 $0x6000  }
.LBB2_69:
0x26: {  	[bflag:$0x0] =	sbarrier.arrive $0xFFFF;
	s13 =	simm.s32 @!p4 $0x14000;
	s14 =	simm.s32 @!p4 $0x3  }
0x27: {  	[tilespmem:s13], [sflag:$0x3] =	stream.linear.gather @!p4 [spmem:s3], $0x2780, $0x38;
	[tilespmem:$0x16EE8] =	vst v63  }
0x28: {  	_ =	swait.ge @!p4 [sflag:s14], $0x2780  }
0x29: {  	[sflag:s14] =	ssyncset.done @!p4 $0x0  }
0x2a: {  	s15 =	simm.s32 @!p4 $0x0;
	[sflag:s14] =	ssyncadd.s32 @!p4 $0xFFFFD880  }
0x2b: {  	[hbm4b:s24+s15] =	stream.linear.scatter @!p4 [tilespmem:s13], [sflag:$0x3], $0x2710, $0x38;
	[tilespmem:$0x16EE8] =	vst v63  }
0x2c: {  	_ =	swait.ge @!p4 [sflag:s14], $0x2710  }
0x2d: {  	[sflag:s14] =	ssyncset.done @!p4 $0x0  }
0x2e: {  	s13 =	simm.s32 @p5 $0x14000;
	[sflag:s14] =	ssyncadd.s32 @!p4 $0xFFFFD8F0;
	s14 =	simm.s32 @p5 $0x3  }
0x2f: {  	[tilespmem:s13], [sflag:$0x3] =	stream.linear.gather @p5 [spmem:s1], $0x2780, $0x38;
	[tilespmem:$0x16EE8] =	vst v63  }
0x30: {  	_ =	swait.ge @p5 [sflag:s14], $0x2780  }
0x31: {  	[sflag:s14] =	ssyncset.done @p5 $0x0  }
0x32: {  	s15 =	simm.s32 @p5 $0x0;
	[sflag:s14] =	ssyncadd.s32 @p5 $0xFFFFD880  }
0x33: {  	[hbm4b:s25+s15] =	stream.linear.scatter @p5 [tilespmem:s13], [sflag:$0x3], $0x2710, $0x38;
	[tilespmem:$0x16EE8] =	vst v63  }
0x34: {  	_ =	swait.ge @p5 [sflag:s14], $0x2710  }
0x35: {  	[sflag:s14] =	ssyncset.done @p5 $0x0  }
0x36: {  	[sflag:s14] =	ssyncadd.s32 @p5 $0xFFFFD8F0  }
0x37: {  	[tilespmem:s13], [sflag:$0x3] =	stream.linear.gather @p5 [spmem:s2], $0x2780, $0x38;
	[tilespmem:$0x16EE8] =	vst v63  }
0x38: {  	s12 =	sadd.s32 $0x1, s12;
	_ =	swait.ge @p5 [sflag:s14], $0x2780  }
0x39: {  	p1 =	sne.s32 s12, s28;
	[sflag:s14] =	ssyncset.done @p5 $0x0  }
.Ltmp1:
0x3a: {  	[sflag:s14] =	ssyncadd.s32 @p5 $0xFFFFD880;
	(pc) =	sbr.rel @!p1 .LBB2_70-.Ltmp1, $4  }
0x3b: {  	[hbm4b:s26+s15] =	stream.linear.scatter @p5 [tilespmem:s13], [sflag:$0x3], $0x2710, $0x38;
	[tilespmem:$0x16EE8] =	vst v63  }
0x3c: {  	_ =	swait.ge @p5 [sflag:s14], $0x2710  }
0x3d: {  	[sflag:s14] =	ssyncset.done @p5 $0x0  }
0x3e: {  	[sflag:s14] =	ssyncadd.s32 @p5 $0xFFFFD8F0  }
.LBB2_1:
0x3f: {  	[tilespmem:s29], [sflag:$0x1] =	stream.linear.gather [hbm4b:s23+s22], $0x2780, $0x38;
	[tilespmem:$0x16EE8] =	vst v63  }
0x40: {  	s13 =	rddreg [dreg:$0x7]  }
0x41: {  	[tilespmem:s22], [sflag:$0x1] =	stream.linear.gather [hbm4b:s13+s22], $0xFA0, $0x38;
	[tilespmem:$0x16EE8] =	vst v63  }
0x42: {  	s14 =	rddreg [dreg:$0x8]  }
0x43: {  	[tilespmem:s30], [sflag:$0x1] =	stream.linear.gather [hbm4b:s14+s22], $0xFA0, $0x38;
	[tilespmem:$0x16EE8] =	vst v63  }
0x44: {  	s15 =	rddreg [dreg:$0x9];
	s14 =	simm.s32 $0xA000  }
0x45: {  	[tilespmem:s14], [sflag:$0x1] =	stream.linear.gather [hbm4b:s15+s22], $0xFA0, $0x38;
	[tilespmem:$0x16EE8] =	vst v63  }
0x46: {  	s16 =	rddreg [dreg:$0xa];
	s17 =	simm.s32 $0x1000  }
0x47: {  	[tilespmem:s17], [sflag:$0x1] =	stream.linear.gather [hbm4b:s16+s22], $0xFA0, $0x38;
	[tilespmem:$0x16EE8] =	vst v63  }
0x48: {  	s15 =	rddreg [dreg:$0xb]  }
0x49: {  	[tilespmem:s0], [sflag:$0x1] =	stream.linear.gather [hbm4b:s15+s22], $0xFA0, $0x38;
	[tilespmem:$0x16EE8] =	vst v63  }
0x4a: {  	s16 =	rddreg [dreg:$0xc];
	s17 =	simm.s32 $0xB000  }
0x4b: {  	[tilespmem:s17], [sflag:$0x1] =	stream.linear.gather [hbm4b:s16+s22], $0xFA0, $0x38;
	[tilespmem:$0x16EE8] =	vst v63  }
0x4c: {  	s15 =	rddreg [dreg:$0xd];
	s16 =	simm.s32 $0x2000  }
0x4d: {  	[tilespmem:s16], [sflag:$0x1] =	stream.linear.gather [hbm4b:s15+s22], $0xFA0, $0x38;
	[tilespmem:$0x16EE8] =	vst v63  }
0x4e: {  	s17 =	rddreg [dreg:$0xe]  }
0x4f: {  	[tilespmem:s31], [sflag:$0x1] =	stream.linear.gather [hbm4b:s17+s22], $0xFA0, $0x38;
	[tilespmem:$0x16EE8] =	vst v63  }
0x50: {  	s14 =	rddreg [dreg:$0xf];
	s15 =	simm.s32 $0xC000  }
0x51: {  	[tilespmem:s15], [sflag:$0x1] =	stream.linear.gather [hbm4b:s14+s22], $0xFA0, $0x38;
	[tilespmem:$0x16EE8] =	vst v63  }
0x52: {  	s16 =	rddreg [dreg:$0x10];
	s17 =	simm.s32 $0x3000  }
0x53: {  	[tilespmem:s17], [sflag:$0x1] =	stream.linear.gather [hbm4b:s16+s22], $0xFA0, $0x38;
	[tilespmem:$0x16EE8] =	vst v63  }
0x54: {  	s15 =	rddreg [dreg:$0x11]  }
0x55: {  	[tilespmem:s21], [sflag:$0x1] =	stream.linear.gather [hbm4b:s15+s22], $0xFA0, $0x38;
	[tilespmem:$0x16EE8] =	vst v63  }
0x56: {  	s16 =	rddreg [dreg:$0x12];
	s17 =	simm.s32 $0xD000  }
0x57: {  	[tilespmem:s17], [sflag:$0x1] =	stream.linear.gather [hbm4b:s16+s22], $0xFA0, $0x38;
	[tilespmem:$0x16EE8] =	vst v63  }
0x58: {  	s14 =	rddreg [dreg:$0x13];
	s15 =	simm.s32 $0x4000  }
0x59: {  	[tilespmem:s15], [sflag:$0x1] =	stream.linear.gather [hbm4b:s14+s22], $0xFA0, $0x38;
	[tilespmem:$0x16EE8] =	vst v63  }
.Ltmp2:
0x5a: {  	_ = 	snop;
	(pc) =	sbr.rel @p6 .LBB2_5-.Ltmp2, $4  }
0x5b: {  	s16 =	rddreg [dreg:$0x14]  }
0x5c: {  	[tilespmem:s19], [sflag:$0x1] =	stream.linear.gather [hbm4b:s16+s22], $0xFA0, $0x38;
	[tilespmem:$0x16EE8] =	vst v63  }
0x5d: {  	p5 =	por $0x0, $0x0;
	s17 =	simm.s32 $0xE000  }
0x5e: {  	[tilespmem:s17], [sflag:$0x1] =	stream.linear.gather [hbm4b:s18+s22], $0xFA0, $0x38;
	[tilespmem:$0x16EE8] =	vst v63  }
0x5f: {  	s13 =	simm.s32 $0xF020  }
0x60: {  	[tilespmem:s13+$0xFFFFFFE0] =	vst v0  }
0x61: {  	[tilespmem:s13+$0x10] =	vst v0  }
0x62: {  	s14 =	simm.s32 $0x0;
	[tilespmem:s13+$0x0] =	vst v0  }
.LBB2_3:
0x63: {  	s14 =	sadd.s32 $0x4, s14  }
0x64: {  	[tilespmem:s13+$0xFFFFFFF0] =	vst v0;
	s13 =	sadd.s32 $0x40, s13;
	p1 =	slt.u32 s14, $0xF4  }
.Ltmp3:
0x65: {  	[tilespmem:s13+$0xFFFFFFE0] =	vst v0;
	(pc) =	sbr.rel @p1 .LBB2_3-.Ltmp3, $3  }
0x66: {  	_ =	sdelay $0x1  }
0x67: {  	[tilespmem:s13+$0x10] =	vst v0  }
0x68: {  	[tilespmem:s13+$0x0] =	vst v0  }
0x69: {  	s14 =	sld [smem:$0x7FC];
	_ =	sdelay $0x2  }
0x6a: {  	[tilespmem:s13+$0xFFFFFFF0] =	vst v0;
	s13 =	smov.u32 s3;
	p1 =	seq.s32 s14, $0x1  }
0x6b: {  	[tilespmem:$0xFF80] =	vst v0;
	s13 =	smov.u32 @p1 s2  }
0x6c: {  	[tilespmem:$0xFF90] =	vst v0;
	s13 =	smov.u32 @p0 s1  }
0x6d: {  	[spmem:s13] =	stream.linear.scatter [tilespmem:s20], [sflag:$0x3], $0xFA0, $0x38;
	[tilespmem:$0x16EE8] =	vst v63  }
0x6e: {  	_ =	swait.ge [sflag:s4], $0xFA0  }
0x6f: {  	[sflag:s4] =	ssyncset.done $0x0  }
0x70: {  	s15 =	rddreg [dreg:$0x15];
	[sflag:s4] =	ssyncadd.s32 $0xFFFFF060  }
0x71: {  	[spmem:s15] =	stream.linear.scatter [tilespmem:s20], [sflag:$0x3], $0xFA0, $0x38;
	[tilespmem:$0x16EE8] =	vst v63  }
0x72: {  	_ =	swait.ge [sflag:s4], $0xFA0  }
0x73: {  	[sflag:s4] =	ssyncset.done $0x0  }
0x74: {  	s16 =	rddreg [dreg:$0x16];
	[sflag:s4] =	ssyncadd.s32 $0xFFFFF060  }
0x75: {  	[spmem:s16] =	stream.linear.scatter [tilespmem:s20], [sflag:$0x3], $0x7D0, $0x38;
	[tilespmem:$0x16EE8] =	vst v63  }
0x76: {  	_ =	swait.ge [sflag:s4], $0x7D0  }
0x77: {  	s17 =	sld [smem:$0x7FD];
	_ =	sdelay $0x1  }
0x78: {  	[sflag:s4] =	ssyncset.done $0x0  }
0x79: {  	[sflag:s4] =	ssyncadd.s32 $0xFFFFF830;
	p5 =	seq.s32 s17, $0x1  }
.LBB2_5:
0x7a: {  	_ =	swait.ge [sflag:s5], $0x2780  }
0x7b: {  	[sflag:s5] =	ssyncset.done $0x0  }
0x7c: {  	[sflag:s5] =	ssyncadd.s32 $0xFFFFD880  }
0x7d: {  	_ =	swait.ge [sflag:s5], $0xFA0  }
0x7e: {  	[sflag:s5] =	ssyncset.done $0x0  }
0x7f: {  	[sflag:s5] =	ssyncadd.s32 $0xFFFFF060  }
0x80: {  	_ =	swait.ge [sflag:s5], $0xFA0  }
0x81: {  	[sflag:s5] =	ssyncset.done $0x0  }
0x82: {  	[sflag:s5] =	ssyncadd.s32 $0xFFFFF060  }
0x83: {  	_ =	swait.ge [sflag:s5], $0xFA0  }
0x84: {  	[sflag:s5] =	ssyncset.done $0x0  }
0x85: {  	[sflag:s5] =	ssyncadd.s32 $0xFFFFF060  }
0x86: {  	_ =	swait.ge [sflag:s5], $0xFA0  }
0x87: {  	[sflag:s5] =	ssyncset.done $0x0  }
0x88: {  	[sflag:s5] =	ssyncadd.s32 $0xFFFFF060  }
0x89: {  	_ =	swait.ge [sflag:s5], $0xFA0  }
0x8a: {  	[sflag:s5] =	ssyncset.done $0x0  }
0x8b: {  	[sflag:s5] =	ssyncadd.s32 $0xFFFFF060  }
0x8c: {  	_ =	swait.ge [sflag:s5], $0xFA0  }
0x8d: {  	[sflag:s5] =	ssyncset.done $0x0  }
0x8e: {  	[sflag:s5] =	ssyncadd.s32 $0xFFFFF060  }
0x8f: {  	_ =	swait.ge [sflag:s5], $0xFA0  }
0x90: {  	[sflag:s5] =	ssyncset.done $0x0  }
0x91: {  	[sflag:s5] =	ssyncadd.s32 $0xFFFFF060  }
0x92: {  	_ =	swait.ge [sflag:s5], $0xFA0  }
0x93: {  	[sflag:s5] =	ssyncset.done $0x0  }
0x94: {  	[sflag:s5] =	ssyncadd.s32 $0xFFFFF060  }
0x95: {  	_ =	swait.ge [sflag:s5], $0xFA0  }
0x96: {  	[sflag:s5] =	ssyncset.done $0x0  }
0x97: {  	[sflag:s5] =	ssyncadd.s32 $0xFFFFF060  }
0x98: {  	_ =	swait.ge [sflag:s5], $0xFA0  }
0x99: {  	[sflag:s5] =	ssyncset.done $0x0  }
0x9a: {  	[sflag:s5] =	ssyncadd.s32 $0xFFFFF060  }
0x9b: {  	_ =	swait.ge [sflag:s5], $0xFA0  }
0x9c: {  	[sflag:s5] =	ssyncset.done $0x0  }
0x9d: {  	[sflag:s5] =	ssyncadd.s32 $0xFFFFF060  }
0x9e: {  	_ =	swait.ge [sflag:s5], $0xFA0  }
0x9f: {  	[sflag:s5] =	ssyncset.done $0x0  }
0xa0: {  	[sflag:s5] =	ssyncadd.s32 $0xFFFFF060  }
0xa1: {  	_ =	swait.ge [sflag:s5], $0xFA0  }
0xa2: {  	[sflag:s5] =	ssyncset.done $0x0  }
0xa3: {  	[sflag:s5] =	ssyncadd.s32 $0xFFFFF060  }
0xa4: {  	_ =	swait.ge [sflag:s5], $0xFA0  }
0xa5: {  	[sflag:s5] =	ssyncset.done $0x0  }
0xa6: {  	[sflag:s5] =	ssyncadd.s32 $0xFFFFF060  }
.Ltmp4:
0xa7: {  	_ =	swait.ge [sflag:s5], $0xFA0;
	(pc) =	sbr.rel @p3 .LBB2_27-.Ltmp4, $3  }
0xa8: {  	[sflag:s5] =	ssyncset.done $0x0  }
0xa9: {  	[sflag:s5] =	ssyncadd.s32 $0xFFFFF060  }
0xaa: {  	[bflag:$0x0] =	sbarrier.arrive $0xFFFF;
	_ =	sdelay $0x1  }
0xab: {  	s13 =	simm.s32 $0x20  }
0xac: {  	v1 =	vld [tilespmem:s13+$0x10]  }
0xad: {  	v2 =	vld [tilespmem:s13+$0xFFFFFFF0]  }
0xae: {  	v3 =	vld [tilespmem:s13+$0xFFFFFFE0]  }
0xaf: {  	s17 =	simm.s32 $0xA020;
	v4 =	vld [tilespmem:s13+$0x0]  }
0xb0: {  	s14 =	simm.s32 $0x60;
	v7 =	vld [tilespmem:s17+$0x10]  }
0xb1: {  	v5 =	vld [tilespmem:s14+$0x10]  }
0xb2: {  	v10 =	vld [tilespmem:s14+$0xFFFFFFF0]  }
0xb3: {  	v11 =	vld [tilespmem:s14+$0xFFFFFFE0]  }
0xb4: {  	v12 =	vld [tilespmem:s17+$0xFFFFFFE0]  }
0xb5: {  	v13 =	vld [tilespmem:s17+$0xFFFFFFF0]  }
0xb6: {  	v6 =	vld [tilespmem:s17+$0x0]  }
0xb7: {  	v1 =	vld.idx.msk [tilespmem:v1+s29+$0x0], $0xffff  }
0xb8: {  	v9 =	vld.idx.msk [tilespmem:v2+s29+$0x0], $0xffff  }
0xb9: {  	v8 =	vld.idx.msk [tilespmem:v3+s29+$0x0], $0xffff  }
0xba: {  	v2 =	vld [tilespmem:s14+$0x0]  }
0xbb: {  	v3 =	vld.idx.msk [tilespmem:v4+s29+$0x0], $0xffff  }
0xbc: {  	v5 =	vld.idx.msk [tilespmem:v5+s29+$0x0], $0xffff;
	s14 =	simm.s32 $0xA060  }
0xbd: {  	v1 =	vmul.f32 v7, v1;
	v7 =	vld [tilespmem:s14+$0x10]  }
0xbe: {  	s13 =	simm.s32 $0xF020;
	v4 =	vld.idx.msk [tilespmem:v10+s29+$0x0], $0xffff;
	v8 =	vmul.f32 v12, v8  }
0xbf: {  	s15 =	simm.s32 $0x40;
	s16 =	simm.s32 $0xA0;
	v9 =	vmul.f32 v13, v9;
	[tilespmem:s13+$0x10] =	vst v1;
	v1 =	vld.idx.msk [tilespmem:v11+s29+$0x0], $0xffff  }
.LBB2_7:
0xc0: {  	v10 =	vld [tilespmem:s16+$0x10];
	s15 =	sadd.s32 $0x40, s15;
	[tilespmem:s13+$0xFFFFFFE0] =	vst v8;
	v3 =	vmul.f32 v6, v3  }
0xc1: {  	v8 =	vld [tilespmem:s16+$0xFFFFFFF0];
	p1 =	slt.u32 s15, $0xF40;
	[tilespmem:s13+$0xFFFFFFF0] =	vst v9  }
0xc2: {  	v9 =	vld [tilespmem:s16+$0x0];
	v5 =	vmul.f32 v7, v5;
	[tilespmem:s13+$0x0] =	vst v3  }
0xc3: {  	s13 =	sadd.s32 $0x40, s13;
	v11 =	vld [tilespmem:s16+$0xFFFFFFE0]  }
0xc4: {  	v12 =	vmov v4;
	v3 =	vld.idx.msk [tilespmem:v2+s29+$0x0], $0xffff;
	[tilespmem:s13+$0x10] =	vst v5  }
0xc5: {  	v13 =	vld [tilespmem:s14+$0xFFFFFFE0]  }
0xc6: {  	v14 =	vld [tilespmem:s14+$0xFFFFFFF0]  }
.Ltmp5:
0xc7: {  	v6 =	vld [tilespmem:s14+$0x0];
	v2 =	vmov v9;
	(pc) =	sbr.rel @p1 .LBB2_7-.Ltmp5, $4  }
0xc8: {  	s14 =	sadd.s32 $0x40, s14;
	v5 =	vld.idx.msk [tilespmem:v10+s29+$0x0], $0xffff  }
0xc9: {  	v7 =	vld [tilespmem:s14+$0x10]  }
0xca: {  	v4 =	vld.idx.msk [tilespmem:v8+s29+$0x0], $0xffff;
	v8 =	vmul.f32 v13, v1  }
0xcb: {  	s16 =	sadd.s32 $0x40, s16;
	v1 =	vld.idx.msk [tilespmem:v11+s29+$0x0], $0xffff;
	v9 =	vmul.f32 v14, v12  }
0xcc: {  	_ =	sdelay $0x3  }
0xcd: {  	v2 =	vld.idx.msk [tilespmem:v2+s29+$0x0], $0xffff  }
0xce: {  	v10 =	vld [tilespmem:s14+$0xFFFFFFE0]  }
0xcf: {  	v11 =	vld [tilespmem:s14+$0xFFFFFFF0]  }
0xd0: {  	v12 =	vld [tilespmem:s14+$0x0]  }
0xd1: {  	[tilespmem:s13+$0xFFFFFFE0] =	vst v8;
	v3 =	vmul.f32 v6, v3  }
0xd2: {  	[tilespmem:s13+$0xFFFFFFF0] =	vst v9;
	v5 =	vmul.f32 v7, v5  }
0xd3: {  	s17 =	sadd.s32 $0x40, s13;
	[tilespmem:s13+$0x0] =	vst v3;
	v1 =	vmul.f32 v10, v1  }
0xd4: {  	[tilespmem:s17+$0x10] =	vst v5;
	v3 =	vmul.f32 v11, v4  }
0xd5: {  	[tilespmem:s17+$0xFFFFFFE0] =	vst v1;
	v1 =	vmul.f32 v12, v2  }
0xd6: {  	s14 =	simm.s32 $0xF70;
	[tilespmem:s17+$0xFFFFFFF0] =	vst v3  }
0xd7: {  	s15 =	simm.s32 $0xFF80;
	s16 =	simm.s32 $0xAF80;
	s13 =	simm.s32 $0xF80;
	[tilespmem:s17+$0x0] =	vst v1  }
.LBB2_9:
0xd8: {  	v1 =	vld [tilespmem:s13+$0x0];
	_ =	sdelay $0x6  }
0xd9: {  	v2 =	vld [tilespmem:s16+$0x0]  }
0xda: {  	v1 =	vld.idx.msk [tilespmem:v1+s29+$0x0], $0xffff  }
0xdb: {  	s14 =	sadd.s32 $0x10, s14  }
0xdc: {  	p1 =	slt.u32 s14, $0xF90  }
.Ltmp6:
0xdd: {  	_ = 	snop;
	(pc) =	sbr.rel @p1 .LBB2_9-.Ltmp6, $3  }
0xde: {  	_ = 	snop  }
0xdf: {  	v1 =	vmul.f32 v2, v1;
	_ =	sdelay $0x1  }
0xe0: {  	s16 =	sadd.s32 $0x10, s16;
	s13 =	sadd.s32 $0x10, s13;
	[tilespmem:s15+$0x0] =	vst v1;
	s15 =	sadd.s32 $0x10, s15  }
0xe1: {  	[spmem:s1] =	stream.indirect.scatter.add.f32 [tilespmem:s20], [sflag:$0x2], $0x1, s30, s6, $0xb8;
	[tilespmem:$0x16EE8] =	vst v63  }
0xe2: {  	s13 =	simm.s32 $0x1020  }
0xe3: {  	v1 =	vld [tilespmem:s13+$0x10]  }
0xe4: {  	v2 =	vld [tilespmem:s13+$0xFFFFFFF0]  }
0xe5: {  	v3 =	vld [tilespmem:s13+$0xFFFFFFE0]  }
0xe6: {  	s17 =	simm.s32 $0xB020;
	v4 =	vld [tilespmem:s13+$0x0]  }
0xe7: {  	s14 =	simm.s32 $0x1060;
	v7 =	vld [tilespmem:s17+$0x10]  }
0xe8: {  	v5 =	vld [tilespmem:s14+$0x10]  }
0xe9: {  	v10 =	vld [tilespmem:s14+$0xFFFFFFF0]  }
0xea: {  	v11 =	vld [tilespmem:s14+$0xFFFFFFE0]  }
0xeb: {  	v12 =	vld [tilespmem:s17+$0xFFFFFFE0]  }
0xec: {  	v13 =	vld [tilespmem:s17+$0xFFFFFFF0]  }
0xed: {  	v6 =	vld [tilespmem:s17+$0x0]  }
0xee: {  	v1 =	vld.idx.msk [tilespmem:v1+s29+$0x0], $0xffff  }
0xef: {  	v9 =	vld.idx.msk [tilespmem:v2+s29+$0x0], $0xffff  }
0xf0: {  	v8 =	vld.idx.msk [tilespmem:v3+s29+$0x0], $0xffff  }
0xf1: {  	v2 =	vld [tilespmem:s14+$0x0]  }
0xf2: {  	v3 =	vld.idx.msk [tilespmem:v4+s29+$0x0], $0xffff  }
0xf3: {  	v5 =	vld.idx.msk [tilespmem:v5+s29+$0x0], $0xffff;
	s14 =	simm.s32 $0xB060  }
0xf4: {  	v1 =	vmul.f32 v7, v1;
	v7 =	vld [tilespmem:s14+$0x10]  }
0xf5: {  	s13 =	simm.s32 $0x10020;
	v4 =	vld.idx.msk [tilespmem:v10+s29+$0x0], $0xffff;
	v8 =	vmul.f32 v12, v8  }
0xf6: {  	s15 =	simm.s32 $0x40;
	s16 =	simm.s32 $0x10A0;
	v9 =	vmul.f32 v13, v9;
	[tilespmem:s13+$0x10] =	vst v1;
	v1 =	vld.idx.msk [tilespmem:v11+s29+$0x0], $0xffff  }
.LBB2_11:
0xf7: {  	v10 =	vld [tilespmem:s16+$0x10];
	s15 =	sadd.s32 $0x40, s15;
	[tilespmem:s13+$0xFFFFFFE0] =	vst v8;
	v3 =	vmul.f32 v6, v3  }
0xf8: {  	v8 =	vld [tilespmem:s16+$0xFFFFFFF0];
	p1 =	slt.u32 s15, $0xF40;
	[tilespmem:s13+$0xFFFFFFF0] =	vst v9  }
0xf9: {  	v9 =	vld [tilespmem:s16+$0x0];
	v5 =	vmul.f32 v7, v5;
	[tilespmem:s13+$0x0] =	vst v3  }
0xfa: {  	s13 =	sadd.s32 $0x40, s13;
	v11 =	vld [tilespmem:s16+$0xFFFFFFE0]  }
0xfb: {  	v12 =	vmov v4;
	v3 =	vld.idx.msk [tilespmem:v2+s29+$0x0], $0xffff;
	[tilespmem:s13+$0x10] =	vst v5  }
0xfc: {  	v13 =	vld [tilespmem:s14+$0xFFFFFFE0]  }
0xfd: {  	v14 =	vld [tilespmem:s14+$0xFFFFFFF0]  }
.Ltmp7:
0xfe: {  	v6 =	vld [tilespmem:s14+$0x0];
	v2 =	vmov v9;
	(pc) =	sbr.rel @p1 .LBB2_11-.Ltmp7, $4  }
0xff: {  	s14 =	sadd.s32 $0x40, s14;
	v5 =	vld.idx.msk [tilespmem:v10+s29+$0x0], $0xffff  }
0x100: {  	v7 =	vld [tilespmem:s14+$0x10]  }
0x101: {  	v4 =	vld.idx.msk [tilespmem:v8+s29+$0x0], $0xffff;
	v8 =	vmul.f32 v13, v1  }
0x102: {  	s16 =	sadd.s32 $0x40, s16;
	v1 =	vld.idx.msk [tilespmem:v11+s29+$0x0], $0xffff;
	v9 =	vmul.f32 v14, v12  }
0x103: {  	_ =	sdelay $0x3  }
0x104: {  	v2 =	vld.idx.msk [tilespmem:v2+s29+$0x0], $0xffff  }
0x105: {  	v10 =	vld [tilespmem:s14+$0xFFFFFFE0]  }
0x106: {  	v11 =	vld [tilespmem:s14+$0xFFFFFFF0]  }
0x107: {  	v12 =	vld [tilespmem:s14+$0x0]  }
0x108: {  	[tilespmem:s13+$0xFFFFFFE0] =	vst v8;
	v3 =	vmul.f32 v6, v3  }
0x109: {  	[tilespmem:s13+$0xFFFFFFF0] =	vst v9;
	v5 =	vmul.f32 v7, v5  }
0x10a: {  	s17 =	sadd.s32 $0x40, s13;
	[tilespmem:s13+$0x0] =	vst v3;
	v1 =	vmul.f32 v10, v1  }
0x10b: {  	[tilespmem:s17+$0x10] =	vst v5;
	v3 =	vmul.f32 v11, v4  }
0x10c: {  	[tilespmem:s17+$0xFFFFFFE0] =	vst v1;
	v1 =	vmul.f32 v12, v2  }
0x10d: {  	s14 =	simm.s32 $0xF70;
	[tilespmem:s17+$0xFFFFFFF0] =	vst v3  }
0x10e: {  	s15 =	simm.s32 $0x10F80;
	s16 =	simm.s32 $0xBF80;
	s13 =	simm.s32 $0x1F80;
	[tilespmem:s17+$0x0] =	vst v1  }
.LBB2_13:
0x10f: {  	v1 =	vld [tilespmem:s13+$0x0];
	_ =	sdelay $0x6  }
0x110: {  	v2 =	vld [tilespmem:s16+$0x0]  }
0x111: {  	v1 =	vld.idx.msk [tilespmem:v1+s29+$0x0], $0xffff  }
0x112: {  	s14 =	sadd.s32 $0x10, s14  }
0x113: {  	p1 =	slt.u32 s14, $0xF90  }
.Ltmp8:
0x114: {  	_ = 	snop;
	(pc) =	sbr.rel @p1 .LBB2_13-.Ltmp8, $3  }
0x115: {  	_ = 	snop  }
0x116: {  	v1 =	vmul.f32 v2, v1;
	_ =	sdelay $0x1  }
0x117: {  	s16 =	sadd.s32 $0x10, s16;
	s13 =	sadd.s32 $0x10, s13;
	[tilespmem:s15+$0x0] =	vst v1;
	s15 =	sadd.s32 $0x10, s15  }
0x118: {  	[spmem:s1] =	stream.indirect.scatter.add.f32 [tilespmem:s7], [sflag:$0x2], $0x1, s0, s6, $0xb8;
	[tilespmem:$0x16EE8] =	vst v63  }
0x119: {  	s13 =	simm.s32 $0x2020  }
0x11a: {  	v1 =	vld [tilespmem:s13+$0x10]  }
0x11b: {  	v2 =	vld [tilespmem:s13+$0xFFFFFFF0]  }
0x11c: {  	v3 =	vld [tilespmem:s13+$0xFFFFFFE0]  }
0x11d: {  	s17 =	simm.s32 $0xC020;
	v4 =	vld [tilespmem:s13+$0x0]  }
0x11e: {  	s14 =	simm.s32 $0x2060;
	v7 =	vld [tilespmem:s17+$0x10]  }
0x11f: {  	v5 =	vld [tilespmem:s14+$0x10]  }
0x120: {  	v10 =	vld [tilespmem:s14+$0xFFFFFFF0]  }
0x121: {  	v11 =	vld [tilespmem:s14+$0xFFFFFFE0]  }
0x122: {  	v12 =	vld [tilespmem:s17+$0xFFFFFFE0]  }
0x123: {  	v13 =	vld [tilespmem:s17+$0xFFFFFFF0]  }
0x124: {  	v6 =	vld [tilespmem:s17+$0x0]  }
0x125: {  	v1 =	vld.idx.msk [tilespmem:v1+s29+$0x0], $0xffff  }
0x126: {  	v9 =	vld.idx.msk [tilespmem:v2+s29+$0x0], $0xffff  }
0x127: {  	v8 =	vld.idx.msk [tilespmem:v3+s29+$0x0], $0xffff  }
0x128: {  	v2 =	vld [tilespmem:s14+$0x0]  }
0x129: {  	v3 =	vld.idx.msk [tilespmem:v4+s29+$0x0], $0xffff  }
0x12a: {  	v5 =	vld.idx.msk [tilespmem:v5+s29+$0x0], $0xffff;
	s14 =	simm.s32 $0xC060  }
0x12b: {  	v1 =	vmul.f32 v7, v1;
	v7 =	vld [tilespmem:s14+$0x10]  }
0x12c: {  	s13 =	simm.s32 $0x11020;
	v4 =	vld.idx.msk [tilespmem:v10+s29+$0x0], $0xffff;
	v8 =	vmul.f32 v12, v8  }
0x12d: {  	s15 =	simm.s32 $0x40;
	s16 =	simm.s32 $0x20A0;
	v9 =	vmul.f32 v13, v9;
	[tilespmem:s13+$0x10] =	vst v1;
	v1 =	vld.idx.msk [tilespmem:v11+s29+$0x0], $0xffff  }
.LBB2_15:
0x12e: {  	v10 =	vld [tilespmem:s16+$0x10];
	s15 =	sadd.s32 $0x40, s15;
	[tilespmem:s13+$0xFFFFFFE0] =	vst v8;
	v3 =	vmul.f32 v6, v3  }
0x12f: {  	v8 =	vld [tilespmem:s16+$0xFFFFFFF0];
	p1 =	slt.u32 s15, $0xF40;
	[tilespmem:s13+$0xFFFFFFF0] =	vst v9  }
0x130: {  	v9 =	vld [tilespmem:s16+$0x0];
	v5 =	vmul.f32 v7, v5;
	[tilespmem:s13+$0x0] =	vst v3  }
0x131: {  	s13 =	sadd.s32 $0x40, s13;
	v11 =	vld [tilespmem:s16+$0xFFFFFFE0]  }
0x132: {  	v12 =	vmov v4;
	v3 =	vld.idx.msk [tilespmem:v2+s29+$0x0], $0xffff;
	[tilespmem:s13+$0x10] =	vst v5  }
0x133: {  	v13 =	vld [tilespmem:s14+$0xFFFFFFE0]  }
0x134: {  	v14 =	vld [tilespmem:s14+$0xFFFFFFF0]  }
.Ltmp9:
0x135: {  	v6 =	vld [tilespmem:s14+$0x0];
	v2 =	vmov v9;
	(pc) =	sbr.rel @p1 .LBB2_15-.Ltmp9, $4  }
0x136: {  	s14 =	sadd.s32 $0x40, s14;
	v5 =	vld.idx.msk [tilespmem:v10+s29+$0x0], $0xffff  }
0x137: {  	v7 =	vld [tilespmem:s14+$0x10]  }
0x138: {  	v4 =	vld.idx.msk [tilespmem:v8+s29+$0x0], $0xffff;
	v8 =	vmul.f32 v13, v1  }
0x139: {  	s16 =	sadd.s32 $0x40, s16;
	v1 =	vld.idx.msk [tilespmem:v11+s29+$0x0], $0xffff;
	v9 =	vmul.f32 v14, v12  }
0x13a: {  	_ =	sdelay $0x3  }
0x13b: {  	v2 =	vld.idx.msk [tilespmem:v2+s29+$0x0], $0xffff  }
0x13c: {  	v10 =	vld [tilespmem:s14+$0xFFFFFFE0]  }
0x13d: {  	v11 =	vld [tilespmem:s14+$0xFFFFFFF0]  }
0x13e: {  	v12 =	vld [tilespmem:s14+$0x0]  }
0x13f: {  	[tilespmem:s13+$0xFFFFFFE0] =	vst v8;
	v3 =	vmul.f32 v6, v3  }
0x140: {  	[tilespmem:s13+$0xFFFFFFF0] =	vst v9;
	v5 =	vmul.f32 v7, v5  }
0x141: {  	s17 =	sadd.s32 $0x40, s13;
	[tilespmem:s13+$0x0] =	vst v3;
	v1 =	vmul.f32 v10, v1  }
0x142: {  	[tilespmem:s17+$0x10] =	vst v5;
	v3 =	vmul.f32 v11, v4  }
0x143: {  	[tilespmem:s17+$0xFFFFFFE0] =	vst v1;
	v1 =	vmul.f32 v12, v2  }
0x144: {  	s14 =	simm.s32 $0xF70;
	[tilespmem:s17+$0xFFFFFFF0] =	vst v3  }
0x145: {  	s15 =	simm.s32 $0x11F80;
	s16 =	simm.s32 $0xCF80;
	s13 =	simm.s32 $0x2F80;
	[tilespmem:s17+$0x0] =	vst v1  }
.LBB2_17:
0x146: {  	v1 =	vld [tilespmem:s13+$0x0];
	_ =	sdelay $0x6  }
0x147: {  	v2 =	vld [tilespmem:s16+$0x0]  }
0x148: {  	v1 =	vld.idx.msk [tilespmem:v1+s29+$0x0], $0xffff  }
0x149: {  	s14 =	sadd.s32 $0x10, s14  }
0x14a: {  	p1 =	slt.u32 s14, $0xF90  }
.Ltmp10:
0x14b: {  	_ = 	snop;
	(pc) =	sbr.rel @p1 .LBB2_17-.Ltmp10, $3  }
0x14c: {  	_ = 	snop  }
0x14d: {  	v1 =	vmul.f32 v2, v1;
	_ =	sdelay $0x1  }
0x14e: {  	s16 =	sadd.s32 $0x10, s16;
	s13 =	sadd.s32 $0x10, s13;
	[tilespmem:s15+$0x0] =	vst v1;
	s15 =	sadd.s32 $0x10, s15  }
0x14f: {  	[spmem:s1] =	stream.indirect.scatter.add.f32 [tilespmem:s8], [sflag:$0x2], $0x1, s31, s6, $0xb8;
	[tilespmem:$0x16EE8] =	vst v63  }
0x150: {  	s13 =	simm.s32 $0x3020  }
0x151: {  	v1 =	vld [tilespmem:s13+$0x10]  }
0x152: {  	v2 =	vld [tilespmem:s13+$0xFFFFFFF0]  }
0x153: {  	v3 =	vld [tilespmem:s13+$0xFFFFFFE0]  }
0x154: {  	s17 =	simm.s32 $0xD020;
	v4 =	vld [tilespmem:s13+$0x0]  }
0x155: {  	s14 =	simm.s32 $0x3060;
	v7 =	vld [tilespmem:s17+$0x10]  }
0x156: {  	v5 =	vld [tilespmem:s14+$0x10]  }
0x157: {  	v10 =	vld [tilespmem:s14+$0xFFFFFFF0]  }
0x158: {  	v11 =	vld [tilespmem:s14+$0xFFFFFFE0]  }
0x159: {  	v12 =	vld [tilespmem:s17+$0xFFFFFFE0]  }
0x15a: {  	v13 =	vld [tilespmem:s17+$0xFFFFFFF0]  }
0x15b: {  	v6 =	vld [tilespmem:s17+$0x0]  }
0x15c: {  	v1 =	vld.idx.msk [tilespmem:v1+s29+$0x0], $0xffff  }
0x15d: {  	v9 =	vld.idx.msk [tilespmem:v2+s29+$0x0], $0xffff  }
0x15e: {  	v8 =	vld.idx.msk [tilespmem:v3+s29+$0x0], $0xffff  }
0x15f: {  	v2 =	vld [tilespmem:s14+$0x0]  }
0x160: {  	v3 =	vld.idx.msk [tilespmem:v4+s29+$0x0], $0xffff  }
0x161: {  	v5 =	vld.idx.msk [tilespmem:v5+s29+$0x0], $0xffff;
	s14 =	simm.s32 $0xD060  }
0x162: {  	v1 =	vmul.f32 v7, v1;
	v7 =	vld [tilespmem:s14+$0x10]  }
0x163: {  	s13 =	simm.s32 $0x12020;
	v4 =	vld.idx.msk [tilespmem:v10+s29+$0x0], $0xffff;
	v8 =	vmul.f32 v12, v8  }
0x164: {  	s15 =	simm.s32 $0x40;
	s16 =	simm.s32 $0x30A0;
	v9 =	vmul.f32 v13, v9;
	[tilespmem:s13+$0x10] =	vst v1;
	v1 =	vld.idx.msk [tilespmem:v11+s29+$0x0], $0xffff  }
.LBB2_19:
0x165: {  	v10 =	vld [tilespmem:s16+$0x10];
	s15 =	sadd.s32 $0x40, s15;
	[tilespmem:s13+$0xFFFFFFE0] =	vst v8;
	v3 =	vmul.f32 v6, v3  }
0x166: {  	v8 =	vld [tilespmem:s16+$0xFFFFFFF0];
	p1 =	slt.u32 s15, $0xF40;
	[tilespmem:s13+$0xFFFFFFF0] =	vst v9  }
0x167: {  	v9 =	vld [tilespmem:s16+$0x0];
	v5 =	vmul.f32 v7, v5;
	[tilespmem:s13+$0x0] =	vst v3  }
0x168: {  	s13 =	sadd.s32 $0x40, s13;
	v11 =	vld [tilespmem:s16+$0xFFFFFFE0]  }
0x169: {  	v12 =	vmov v4;
	v3 =	vld.idx.msk [tilespmem:v2+s29+$0x0], $0xffff;
	[tilespmem:s13+$0x10] =	vst v5  }
0x16a: {  	v13 =	vld [tilespmem:s14+$0xFFFFFFE0]  }
0x16b: {  	v14 =	vld [tilespmem:s14+$0xFFFFFFF0]  }
.Ltmp11:
0x16c: {  	v6 =	vld [tilespmem:s14+$0x0];
	v2 =	vmov v9;
	(pc) =	sbr.rel @p1 .LBB2_19-.Ltmp11, $4  }
0x16d: {  	s14 =	sadd.s32 $0x40, s14;
	v5 =	vld.idx.msk [tilespmem:v10+s29+$0x0], $0xffff  }
0x16e: {  	v7 =	vld [tilespmem:s14+$0x10]  }
0x16f: {  	v4 =	vld.idx.msk [tilespmem:v8+s29+$0x0], $0xffff;
	v8 =	vmul.f32 v13, v1  }
0x170: {  	s16 =	sadd.s32 $0x40, s16;
	v1 =	vld.idx.msk [tilespmem:v11+s29+$0x0], $0xffff;
	v9 =	vmul.f32 v14, v12  }
0x171: {  	_ =	sdelay $0x3  }
0x172: {  	v2 =	vld.idx.msk [tilespmem:v2+s29+$0x0], $0xffff  }
0x173: {  	v10 =	vld [tilespmem:s14+$0xFFFFFFE0]  }
0x174: {  	v11 =	vld [tilespmem:s14+$0xFFFFFFF0]  }
0x175: {  	v12 =	vld [tilespmem:s14+$0x0]  }
0x176: {  	[tilespmem:s13+$0xFFFFFFE0] =	vst v8;
	v3 =	vmul.f32 v6, v3  }
0x177: {  	[tilespmem:s13+$0xFFFFFFF0] =	vst v9;
	v5 =	vmul.f32 v7, v5  }
0x178: {  	s17 =	sadd.s32 $0x40, s13;
	[tilespmem:s13+$0x0] =	vst v3;
	v1 =	vmul.f32 v10, v1  }
0x179: {  	[tilespmem:s17+$0x10] =	vst v5;
	v3 =	vmul.f32 v11, v4  }
0x17a: {  	[tilespmem:s17+$0xFFFFFFE0] =	vst v1;
	v1 =	vmul.f32 v12, v2  }
0x17b: {  	s14 =	simm.s32 $0xF70;
	[tilespmem:s17+$0xFFFFFFF0] =	vst v3  }
0x17c: {  	s15 =	simm.s32 $0x12F80;
	s16 =	simm.s32 $0xDF80;
	s13 =	simm.s32 $0x3F80;
	[tilespmem:s17+$0x0] =	vst v1  }
.LBB2_21:
0x17d: {  	v1 =	vld [tilespmem:s13+$0x0];
	_ =	sdelay $0x6  }
0x17e: {  	v2 =	vld [tilespmem:s16+$0x0]  }
0x17f: {  	v1 =	vld.idx.msk [tilespmem:v1+s29+$0x0], $0xffff  }
0x180: {  	s14 =	sadd.s32 $0x10, s14  }
0x181: {  	p1 =	slt.u32 s14, $0xF90  }
.Ltmp12:
0x182: {  	_ = 	snop;
	(pc) =	sbr.rel @p1 .LBB2_21-.Ltmp12, $3  }
0x183: {  	_ = 	snop  }
0x184: {  	v1 =	vmul.f32 v2, v1;
	_ =	sdelay $0x1  }
0x185: {  	s16 =	sadd.s32 $0x10, s16;
	s13 =	sadd.s32 $0x10, s13;
	[tilespmem:s15+$0x0] =	vst v1;
	s15 =	sadd.s32 $0x10, s15  }
0x186: {  	[spmem:s1] =	stream.indirect.scatter.add.f32 [tilespmem:s9], [sflag:$0x2], $0x1, s21, s6, $0xb8;
	[tilespmem:$0x16EE8] =	vst v63  }
0x187: {  	s13 =	simm.s32 $0x4020  }
0x188: {  	v1 =	vld [tilespmem:s13+$0x10]  }
0x189: {  	v2 =	vld [tilespmem:s13+$0xFFFFFFF0]  }
0x18a: {  	v3 =	vld [tilespmem:s13+$0xFFFFFFE0]  }
0x18b: {  	s17 =	simm.s32 $0xE020;
	v4 =	vld [tilespmem:s13+$0x0]  }
0x18c: {  	s14 =	simm.s32 $0x4060;
	v7 =	vld [tilespmem:s17+$0x10]  }
0x18d: {  	v5 =	vld [tilespmem:s14+$0x10]  }
0x18e: {  	v10 =	vld [tilespmem:s14+$0xFFFFFFF0]  }
0x18f: {  	v11 =	vld [tilespmem:s14+$0xFFFFFFE0]  }
0x190: {  	v12 =	vld [tilespmem:s17+$0xFFFFFFE0]  }
0x191: {  	v13 =	vld [tilespmem:s17+$0xFFFFFFF0]  }
0x192: {  	v6 =	vld [tilespmem:s17+$0x0]  }
0x193: {  	v1 =	vld.idx.msk [tilespmem:v1+s29+$0x0], $0xffff  }
0x194: {  	v9 =	vld.idx.msk [tilespmem:v2+s29+$0x0], $0xffff  }
0x195: {  	v8 =	vld.idx.msk [tilespmem:v3+s29+$0x0], $0xffff  }
0x196: {  	v2 =	vld [tilespmem:s14+$0x0]  }
0x197: {  	v3 =	vld.idx.msk [tilespmem:v4+s29+$0x0], $0xffff  }
0x198: {  	v5 =	vld.idx.msk [tilespmem:v5+s29+$0x0], $0xffff;
	s14 =	simm.s32 $0xE060  }
0x199: {  	v1 =	vmul.f32 v7, v1;
	v7 =	vld [tilespmem:s14+$0x10]  }
0x19a: {  	s13 =	simm.s32 $0x13020;
	v4 =	vld.idx.msk [tilespmem:v10+s29+$0x0], $0xffff;
	v8 =	vmul.f32 v12, v8  }
0x19b: {  	s15 =	simm.s32 $0x40;
	s16 =	simm.s32 $0x40A0;
	v9 =	vmul.f32 v13, v9;
	[tilespmem:s13+$0x10] =	vst v1;
	v1 =	vld.idx.msk [tilespmem:v11+s29+$0x0], $0xffff  }
.LBB2_23:
0x19c: {  	v10 =	vld [tilespmem:s16+$0x10];
	s15 =	sadd.s32 $0x40, s15;
	[tilespmem:s13+$0xFFFFFFE0] =	vst v8;
	v3 =	vmul.f32 v6, v3  }
0x19d: {  	v8 =	vld [tilespmem:s16+$0xFFFFFFF0];
	p1 =	slt.u32 s15, $0xF40;
	[tilespmem:s13+$0xFFFFFFF0] =	vst v9  }
0x19e: {  	v9 =	vld [tilespmem:s16+$0x0];
	v5 =	vmul.f32 v7, v5;
	[tilespmem:s13+$0x0] =	vst v3  }
0x19f: {  	s13 =	sadd.s32 $0x40, s13;
	v11 =	vld [tilespmem:s16+$0xFFFFFFE0]  }
0x1a0: {  	v12 =	vmov v4;
	v3 =	vld.idx.msk [tilespmem:v2+s29+$0x0], $0xffff;
	[tilespmem:s13+$0x10] =	vst v5  }
0x1a1: {  	v13 =	vld [tilespmem:s14+$0xFFFFFFE0]  }
0x1a2: {  	v14 =	vld [tilespmem:s14+$0xFFFFFFF0]  }
.Ltmp13:
0x1a3: {  	v6 =	vld [tilespmem:s14+$0x0];
	v2 =	vmov v9;
	(pc) =	sbr.rel @p1 .LBB2_23-.Ltmp13, $4  }
0x1a4: {  	s14 =	sadd.s32 $0x40, s14;
	v5 =	vld.idx.msk [tilespmem:v10+s29+$0x0], $0xffff  }
0x1a5: {  	v7 =	vld [tilespmem:s14+$0x10]  }
0x1a6: {  	v4 =	vld.idx.msk [tilespmem:v8+s29+$0x0], $0xffff;
	v8 =	vmul.f32 v13, v1  }
0x1a7: {  	s16 =	sadd.s32 $0x40, s16;
	v1 =	vld.idx.msk [tilespmem:v11+s29+$0x0], $0xffff;
	v9 =	vmul.f32 v14, v12  }
0x1a8: {  	_ =	sdelay $0x3  }
0x1a9: {  	v2 =	vld.idx.msk [tilespmem:v2+s29+$0x0], $0xffff  }
0x1aa: {  	v10 =	vld [tilespmem:s14+$0xFFFFFFE0]  }
0x1ab: {  	v11 =	vld [tilespmem:s14+$0xFFFFFFF0]  }
0x1ac: {  	v12 =	vld [tilespmem:s14+$0x0]  }
0x1ad: {  	[tilespmem:s13+$0xFFFFFFE0] =	vst v8;
	v3 =	vmul.f32 v6, v3  }
0x1ae: {  	[tilespmem:s13+$0xFFFFFFF0] =	vst v9;
	v5 =	vmul.f32 v7, v5  }
0x1af: {  	s17 =	sadd.s32 $0x40, s13;
	[tilespmem:s13+$0x0] =	vst v3;
	v1 =	vmul.f32 v10, v1  }
0x1b0: {  	[tilespmem:s17+$0x10] =	vst v5;
	v3 =	vmul.f32 v11, v4  }
0x1b1: {  	[tilespmem:s17+$0xFFFFFFE0] =	vst v1;
	v1 =	vmul.f32 v12, v2  }
0x1b2: {  	s14 =	simm.s32 $0xF70;
	[tilespmem:s17+$0xFFFFFFF0] =	vst v3  }
0x1b3: {  	s15 =	simm.s32 $0x13F80;
	s16 =	simm.s32 $0xEF80;
	s13 =	simm.s32 $0x4F80;
	[tilespmem:s17+$0x0] =	vst v1  }
.LBB2_25:
0x1b4: {  	v1 =	vld [tilespmem:s13+$0x0];
	_ =	sdelay $0x6  }
0x1b5: {  	v2 =	vld [tilespmem:s16+$0x0]  }
0x1b6: {  	v1 =	vld.idx.msk [tilespmem:v1+s29+$0x0], $0xffff  }
0x1b7: {  	s14 =	sadd.s32 $0x10, s14  }
0x1b8: {  	p1 =	slt.u32 s14, $0xF90  }
.Ltmp14:
0x1b9: {  	_ = 	snop;
	(pc) =	sbr.rel @p1 .LBB2_25-.Ltmp14, $3  }
0x1ba: {  	_ = 	snop  }
0x1bb: {  	v1 =	vmul.f32 v2, v1;
	_ =	sdelay $0x1  }
0x1bc: {  	s16 =	sadd.s32 $0x10, s16;
	s13 =	sadd.s32 $0x10, s13;
	[tilespmem:s15+$0x0] =	vst v1;
	s15 =	sadd.s32 $0x10, s15  }
0x1bd: {  	[spmem:s1] =	stream.indirect.scatter.add.f32 [tilespmem:s10], [sflag:$0x2], $0x1, s19, s6, $0xb8;
	[tilespmem:$0x16EE8] =	vst v63  }
0x1be: {  	_ =	swait.ge [sflag:s11], $0xFA0  }
0x1bf: {  	[sflag:s11] =	ssyncset.done $0x0  }
0x1c0: {  	[sflag:s11] =	ssyncadd.s32 $0xFFFFF060  }
0x1c1: {  	_ =	swait.ge [sflag:s11], $0xFA0  }
0x1c2: {  	[sflag:s11] =	ssyncset.done $0x0  }
0x1c3: {  	[sflag:s11] =	ssyncadd.s32 $0xFFFFF060  }
0x1c4: {  	_ =	swait.ge [sflag:s11], $0xFA0  }
0x1c5: {  	[sflag:s11] =	ssyncset.done $0x0  }
0x1c6: {  	[sflag:s11] =	ssyncadd.s32 $0xFFFFF060  }
0x1c7: {  	_ =	swait.ge [sflag:s11], $0xFA0  }
0x1c8: {  	[sflag:s11] =	ssyncset.done $0x0  }
0x1c9: {  	[sflag:s11] =	ssyncadd.s32 $0xFFFFF060  }
0x1ca: {  	_ =	swait.ge [sflag:s11], $0xFA0  }
0x1cb: {  	[sflag:s11] =	ssyncset.done $0x0  }
0x1cc: {  	[sflag:s11] =	ssyncadd.s32 $0xFFFFF060  }
.LBB2_27:
0x1cd: {  	s13 =	simm.s32 @p2 $0xFA0;
	s14 =	simm.s32 @p2 $0x5000;
	s15 =	simm.s32 @p2 $0xA000  }
0x1ce: {  	[spmem:s1] =	stream.indirect.scatter.add.f32 @p2 [tilespmem:s15], [sflag:$0x2], $0x1, s14, s13, $0xb8;
	[tilespmem:$0x16EE8] =	vst v63  }
0x1cf: {  	s14 =	simm.s32 @p2 $0x6000;
	s15 =	simm.s32 @p2 $0xB000  }
0x1d0: {  	[spmem:s1] =	stream.indirect.scatter.add.f32 @p2 [tilespmem:s15], [sflag:$0x2], $0x1, s14, s13, $0xb8;
	[tilespmem:$0x16EE8] =	vst v63  }
0x1d1: {  	s14 =	simm.s32 @p2 $0x7000;
	s15 =	simm.s32 @p2 $0xC000  }
0x1d2: {  	[spmem:s1] =	stream.indirect.scatter.add.f32 @p2 [tilespmem:s15], [sflag:$0x2], $0x1, s14, s13, $0xb8;
	[tilespmem:$0x16EE8] =	vst v63  }
0x1d3: {  	s14 =	simm.s32 @p2 $0x8000;
	s15 =	simm.s32 @p2 $0xD000  }
0x1d4: {  	[spmem:s1] =	stream.indirect.scatter.add.f32 @p2 [tilespmem:s15], [sflag:$0x2], $0x1, s14, s13, $0xb8;
	[tilespmem:$0x16EE8] =	vst v63  }
0x1d5: {  	s14 =	simm.s32 @p2 $0x9000;
	s15 =	simm.s32 @p2 $0xE000  }
0x1d6: {  	[spmem:s1] =	stream.indirect.scatter.add.f32 @p2 [tilespmem:s15], [sflag:$0x2], $0x1, s14, s13, $0xb8;
	[tilespmem:$0x16EE8] =	vst v63  }
0x1d7: {  	s13 =	simm.s32 @p2 $0x2  }
0x1d8: {  	_ =	swait.ge @p2 [sflag:s13], $0xFA0  }
0x1d9: {  	[sflag:s13] =	ssyncset.done @p2 $0x0  }
0x1da: {  	[sflag:s13] =	ssyncadd.s32 @p2 $0xFFFFF060  }
0x1db: {  	_ =	swait.ge @p2 [sflag:s13], $0xFA0  }
0x1dc: {  	[sflag:s13] =	ssyncset.done @p2 $0x0  }
0x1dd: {  	[sflag:s13] =	ssyncadd.s32 @p2 $0xFFFFF060  }
0x1de: {  	_ =	swait.ge @p2 [sflag:s13], $0xFA0  }
0x1df: {  	[sflag:s13] =	ssyncset.done @p2 $0x0  }
0x1e0: {  	[sflag:s13] =	ssyncadd.s32 @p2 $0xFFFFF060  }
0x1e1: {  	_ =	swait.ge @p2 [sflag:s13], $0xFA0  }
0x1e2: {  	[sflag:s13] =	ssyncset.done @p2 $0x0  }
0x1e3: {  	[sflag:s13] =	ssyncadd.s32 @p2 $0xFFFFF060  }
0x1e4: {  	_ =	swait.ge @p2 [sflag:s13], $0xFA0  }
0x1e5: {  	[sflag:s13] =	ssyncset.done @p2 $0x0  }
0x1e6: {  	[sflag:s13] =	ssyncadd.s32 @p2 $0xFFFFF060  }
0x1e7: {  	[bflag:$0x0] =	sbarrier.arrive $0xFFFF  }
0x1e8: {  	[tilespmem:s29], [sflag:$0x3] =	stream.linear.gather [spmem:s1], $0x2780, $0x38;
	[tilespmem:$0x16EE8] =	vst v63  }
0x1e9: {  	_ =	swait.ge [sflag:s4], $0x2780  }
0x1ea: {  	[sflag:s4] =	ssyncset.done $0x0  }
0x1eb: {  	s15 =	simm.s32 $0x20;
	[sflag:s4] =	ssyncadd.s32 $0xFFFFD880  }
0x1ec: {  	v1 =	vld [tilespmem:s15+$0x10]  }
0x1ed: {  	v2 =	vld [tilespmem:s15+$0xFFFFFFF0]  }
0x1ee: {  	v3 =	vld [tilespmem:s15+$0xFFFFFFE0]  }
0x1ef: {  	s16 =	simm.s32 $0xA020;
	v4 =	vld [tilespmem:s15+$0x0]  }
0x1f0: {  	s17 =	simm.s32 $0x60;
	v7 =	vld [tilespmem:s16+$0x10]  }
0x1f1: {  	v5 =	vld [tilespmem:s17+$0x10]  }
0x1f2: {  	v10 =	vld [tilespmem:s17+$0xFFFFFFF0]  }
0x1f3: {  	v11 =	vld [tilespmem:s17+$0xFFFFFFE0]  }
0x1f4: {  	v12 =	vld [tilespmem:s16+$0xFFFFFFE0]  }
0x1f5: {  	v13 =	vld [tilespmem:s16+$0xFFFFFFF0]  }
0x1f6: {  	v6 =	vld [tilespmem:s16+$0x0]  }
0x1f7: {  	v1 =	vld.idx.msk [tilespmem:v1+s29+$0x0], $0xffff  }
0x1f8: {  	v9 =	vld.idx.msk [tilespmem:v2+s29+$0x0], $0xffff  }
0x1f9: {  	v8 =	vld.idx.msk [tilespmem:v3+s29+$0x0], $0xffff  }
0x1fa: {  	v2 =	vld [tilespmem:s17+$0x0]  }
0x1fb: {  	v3 =	vld.idx.msk [tilespmem:v4+s29+$0x0], $0xffff  }
0x1fc: {  	s14 =	simm.s32 $0xA060;
	v5 =	vld.idx.msk [tilespmem:v5+s29+$0x0], $0xffff  }
0x1fd: {  	v1 =	vmul.f32 v7, v1;
	v7 =	vld [tilespmem:s14+$0x10]  }
0x1fe: {  	s13 =	simm.s32 $0xF020;
	v4 =	vld.idx.msk [tilespmem:v10+s29+$0x0], $0xffff;
	v8 =	vmul.f32 v12, v8  }
0x1ff: {  	s15 =	simm.s32 $0x40;
	s16 =	simm.s32 $0xA0;
	v9 =	vmul.f32 v13, v9;
	[tilespmem:s13+$0x10] =	vst v1;
	v1 =	vld.idx.msk [tilespmem:v11+s29+$0x0], $0xffff  }
.LBB2_28:
0x200: {  	v10 =	vld [tilespmem:s16+$0x10];
	s15 =	sadd.s32 $0x40, s15;
	[tilespmem:s13+$0xFFFFFFE0] =	vst v8;
	v3 =	vmul.f32 v6, v3  }
0x201: {  	v8 =	vld [tilespmem:s16+$0xFFFFFFF0];
	p1 =	slt.u32 s15, $0xF40;
	[tilespmem:s13+$0xFFFFFFF0] =	vst v9  }
0x202: {  	v9 =	vld [tilespmem:s16+$0x0];
	v5 =	vmul.f32 v7, v5;
	[tilespmem:s13+$0x0] =	vst v3  }
0x203: {  	s13 =	sadd.s32 $0x40, s13;
	v11 =	vld [tilespmem:s16+$0xFFFFFFE0]  }
0x204: {  	v12 =	vmov v4;
	v3 =	vld.idx.msk [tilespmem:v2+s29+$0x0], $0xffff;
	[tilespmem:s13+$0x10] =	vst v5  }
0x205: {  	v13 =	vld [tilespmem:s14+$0xFFFFFFE0]  }
0x206: {  	v14 =	vld [tilespmem:s14+$0xFFFFFFF0]  }
.Ltmp15:
0x207: {  	v6 =	vld [tilespmem:s14+$0x0];
	v2 =	vmov v9;
	(pc) =	sbr.rel @p1 .LBB2_28-.Ltmp15, $4  }
0x208: {  	s14 =	sadd.s32 $0x40, s14;
	v5 =	vld.idx.msk [tilespmem:v10+s29+$0x0], $0xffff  }
0x209: {  	v7 =	vld [tilespmem:s14+$0x10]  }
0x20a: {  	v4 =	vld.idx.msk [tilespmem:v8+s29+$0x0], $0xffff;
	v8 =	vmul.f32 v13, v1  }
0x20b: {  	s16 =	sadd.s32 $0x40, s16;
	v1 =	vld.idx.msk [tilespmem:v11+s29+$0x0], $0xffff;
	v9 =	vmul.f32 v14, v12  }
0x20c: {  	_ =	sdelay $0x3  }
0x20d: {  	v2 =	vld.idx.msk [tilespmem:v2+s29+$0x0], $0xffff  }
0x20e: {  	v10 =	vld [tilespmem:s14+$0xFFFFFFE0]  }
0x20f: {  	v11 =	vld [tilespmem:s14+$0xFFFFFFF0]  }
0x210: {  	v12 =	vld [tilespmem:s14+$0x0]  }
0x211: {  	[tilespmem:s13+$0xFFFFFFE0] =	vst v8;
	v3 =	vmul.f32 v6, v3  }
0x212: {  	[tilespmem:s13+$0xFFFFFFF0] =	vst v9;
	v5 =	vmul.f32 v7, v5  }
0x213: {  	s17 =	sadd.s32 $0x40, s13;
	[tilespmem:s13+$0x0] =	vst v3;
	v1 =	vmul.f32 v10, v1  }
0x214: {  	[tilespmem:s17+$0x10] =	vst v5;
	v3 =	vmul.f32 v11, v4  }
0x215: {  	[tilespmem:s17+$0xFFFFFFE0] =	vst v1;
	v1 =	vmul.f32 v12, v2  }
0x216: {  	s14 =	simm.s32 $0xF70;
	[tilespmem:s17+$0xFFFFFFF0] =	vst v3  }
0x217: {  	s15 =	simm.s32 $0xFF80;
	s16 =	simm.s32 $0xAF80;
	s13 =	simm.s32 $0xF80;
	[tilespmem:s17+$0x0] =	vst v1  }
.LBB2_30:
0x218: {  	v1 =	vld [tilespmem:s13+$0x0];
	_ =	sdelay $0x6  }
0x219: {  	v2 =	vld [tilespmem:s16+$0x0]  }
0x21a: {  	v1 =	vld.idx.msk [tilespmem:v1+s29+$0x0], $0xffff  }
0x21b: {  	s14 =	sadd.s32 $0x10, s14  }
0x21c: {  	p1 =	slt.u32 s14, $0xF90  }
.Ltmp16:
0x21d: {  	_ = 	snop;
	(pc) =	sbr.rel @p1 .LBB2_30-.Ltmp16, $3  }
0x21e: {  	_ = 	snop  }
0x21f: {  	v1 =	vmul.f32 v2, v1;
	_ =	sdelay $0x1  }
0x220: {  	s16 =	sadd.s32 $0x10, s16;
	s13 =	sadd.s32 $0x10, s13;
	[tilespmem:s15+$0x0] =	vst v1;
	s15 =	sadd.s32 $0x10, s15  }
0x221: {  	[spmem:s2] =	stream.indirect.scatter.add.f32 [tilespmem:s20], [sflag:$0x2], $0x1, s30, s6, $0xb8;
	[tilespmem:$0x16EE8] =	vst v63  }
0x222: {  	s13 =	simm.s32 $0x1020  }
0x223: {  	v1 =	vld [tilespmem:s13+$0x10]  }
0x224: {  	v2 =	vld [tilespmem:s13+$0xFFFFFFF0]  }
0x225: {  	v3 =	vld [tilespmem:s13+$0xFFFFFFE0]  }
0x226: {  	s17 =	simm.s32 $0xB020;
	v4 =	vld [tilespmem:s13+$0x0]  }
0x227: {  	s14 =	simm.s32 $0x1060;
	v7 =	vld [tilespmem:s17+$0x10]  }
0x228: {  	v5 =	vld [tilespmem:s14+$0x10]  }
0x229: {  	v10 =	vld [tilespmem:s14+$0xFFFFFFF0]  }
0x22a: {  	v11 =	vld [tilespmem:s14+$0xFFFFFFE0]  }
0x22b: {  	v12 =	vld [tilespmem:s17+$0xFFFFFFE0]  }
0x22c: {  	v13 =	vld [tilespmem:s17+$0xFFFFFFF0]  }
0x22d: {  	v6 =	vld [tilespmem:s17+$0x0]  }
0x22e: {  	v1 =	vld.idx.msk [tilespmem:v1+s29+$0x0], $0xffff  }
0x22f: {  	v9 =	vld.idx.msk [tilespmem:v2+s29+$0x0], $0xffff  }
0x230: {  	v8 =	vld.idx.msk [tilespmem:v3+s29+$0x0], $0xffff  }
0x231: {  	v2 =	vld [tilespmem:s14+$0x0]  }
0x232: {  	v3 =	vld.idx.msk [tilespmem:v4+s29+$0x0], $0xffff  }
0x233: {  	v5 =	vld.idx.msk [tilespmem:v5+s29+$0x0], $0xffff;
	s14 =	simm.s32 $0xB060  }
0x234: {  	v1 =	vmul.f32 v7, v1;
	v7 =	vld [tilespmem:s14+$0x10]  }
0x235: {  	s13 =	simm.s32 $0x10020;
	v4 =	vld.idx.msk [tilespmem:v10+s29+$0x0], $0xffff;
	v8 =	vmul.f32 v12, v8  }
0x236: {  	s15 =	simm.s32 $0x40;
	s16 =	simm.s32 $0x10A0;
	v9 =	vmul.f32 v13, v9;
	[tilespmem:s13+$0x10] =	vst v1;
	v1 =	vld.idx.msk [tilespmem:v11+s29+$0x0], $0xffff  }
.LBB2_32:
0x237: {  	v10 =	vld [tilespmem:s16+$0x10];
	s15 =	sadd.s32 $0x40, s15;
	[tilespmem:s13+$0xFFFFFFE0] =	vst v8;
	v3 =	vmul.f32 v6, v3  }
0x238: {  	v8 =	vld [tilespmem:s16+$0xFFFFFFF0];
	p1 =	slt.u32 s15, $0xF40;
	[tilespmem:s13+$0xFFFFFFF0] =	vst v9  }
0x239: {  	v9 =	vld [tilespmem:s16+$0x0];
	v5 =	vmul.f32 v7, v5;
	[tilespmem:s13+$0x0] =	vst v3  }
0x23a: {  	s13 =	sadd.s32 $0x40, s13;
	v11 =	vld [tilespmem:s16+$0xFFFFFFE0]  }
0x23b: {  	v12 =	vmov v4;
	v3 =	vld.idx.msk [tilespmem:v2+s29+$0x0], $0xffff;
	[tilespmem:s13+$0x10] =	vst v5  }
0x23c: {  	v13 =	vld [tilespmem:s14+$0xFFFFFFE0]  }
0x23d: {  	v14 =	vld [tilespmem:s14+$0xFFFFFFF0]  }
.Ltmp17:
0x23e: {  	v6 =	vld [tilespmem:s14+$0x0];
	v2 =	vmov v9;
	(pc) =	sbr.rel @p1 .LBB2_32-.Ltmp17, $4  }
0x23f: {  	s14 =	sadd.s32 $0x40, s14;
	v5 =	vld.idx.msk [tilespmem:v10+s29+$0x0], $0xffff  }
0x240: {  	v7 =	vld [tilespmem:s14+$0x10]  }
0x241: {  	v4 =	vld.idx.msk [tilespmem:v8+s29+$0x0], $0xffff;
	v8 =	vmul.f32 v13, v1  }
0x242: {  	s16 =	sadd.s32 $0x40, s16;
	v1 =	vld.idx.msk [tilespmem:v11+s29+$0x0], $0xffff;
	v9 =	vmul.f32 v14, v12  }
0x243: {  	_ =	sdelay $0x3  }
0x244: {  	v2 =	vld.idx.msk [tilespmem:v2+s29+$0x0], $0xffff  }
0x245: {  	v10 =	vld [tilespmem:s14+$0xFFFFFFE0]  }
0x246: {  	v11 =	vld [tilespmem:s14+$0xFFFFFFF0]  }
0x247: {  	v12 =	vld [tilespmem:s14+$0x0]  }
0x248: {  	[tilespmem:s13+$0xFFFFFFE0] =	vst v8;
	v3 =	vmul.f32 v6, v3  }
0x249: {  	[tilespmem:s13+$0xFFFFFFF0] =	vst v9;
	v5 =	vmul.f32 v7, v5  }
0x24a: {  	s17 =	sadd.s32 $0x40, s13;
	[tilespmem:s13+$0x0] =	vst v3;
	v1 =	vmul.f32 v10, v1  }
0x24b: {  	[tilespmem:s17+$0x10] =	vst v5;
	v3 =	vmul.f32 v11, v4  }
0x24c: {  	[tilespmem:s17+$0xFFFFFFE0] =	vst v1;
	v1 =	vmul.f32 v12, v2  }
0x24d: {  	s14 =	simm.s32 $0xF70;
	[tilespmem:s17+$0xFFFFFFF0] =	vst v3  }
0x24e: {  	s15 =	simm.s32 $0x10F80;
	s16 =	simm.s32 $0xBF80;
	s13 =	simm.s32 $0x1F80;
	[tilespmem:s17+$0x0] =	vst v1  }
.LBB2_34:
0x24f: {  	v1 =	vld [tilespmem:s13+$0x0];
	_ =	sdelay $0x6  }
0x250: {  	v2 =	vld [tilespmem:s16+$0x0]  }
0x251: {  	v1 =	vld.idx.msk [tilespmem:v1+s29+$0x0], $0xffff  }
0x252: {  	s14 =	sadd.s32 $0x10, s14  }
0x253: {  	p1 =	slt.u32 s14, $0xF90  }
.Ltmp18:
0x254: {  	_ = 	snop;
	(pc) =	sbr.rel @p1 .LBB2_34-.Ltmp18, $3  }
0x255: {  	_ = 	snop  }
0x256: {  	v1 =	vmul.f32 v2, v1;
	_ =	sdelay $0x1  }
0x257: {  	s16 =	sadd.s32 $0x10, s16;
	s13 =	sadd.s32 $0x10, s13;
	[tilespmem:s15+$0x0] =	vst v1;
	s15 =	sadd.s32 $0x10, s15  }
0x258: {  	[spmem:s2] =	stream.indirect.scatter.add.f32 [tilespmem:s7], [sflag:$0x2], $0x1, s0, s6, $0xb8;
	[tilespmem:$0x16EE8] =	vst v63  }
0x259: {  	s13 =	simm.s32 $0x2020  }
0x25a: {  	v1 =	vld [tilespmem:s13+$0x10]  }
0x25b: {  	v2 =	vld [tilespmem:s13+$0xFFFFFFF0]  }
0x25c: {  	v3 =	vld [tilespmem:s13+$0xFFFFFFE0]  }
0x25d: {  	s17 =	simm.s32 $0xC020;
	v4 =	vld [tilespmem:s13+$0x0]  }
0x25e: {  	s14 =	simm.s32 $0x2060;
	v7 =	vld [tilespmem:s17+$0x10]  }
0x25f: {  	v5 =	vld [tilespmem:s14+$0x10]  }
0x260: {  	v10 =	vld [tilespmem:s14+$0xFFFFFFF0]  }
0x261: {  	v11 =	vld [tilespmem:s14+$0xFFFFFFE0]  }
0x262: {  	v12 =	vld [tilespmem:s17+$0xFFFFFFE0]  }
0x263: {  	v13 =	vld [tilespmem:s17+$0xFFFFFFF0]  }
0x264: {  	v6 =	vld [tilespmem:s17+$0x0]  }
0x265: {  	v1 =	vld.idx.msk [tilespmem:v1+s29+$0x0], $0xffff  }
0x266: {  	v9 =	vld.idx.msk [tilespmem:v2+s29+$0x0], $0xffff  }
0x267: {  	v8 =	vld.idx.msk [tilespmem:v3+s29+$0x0], $0xffff  }
0x268: {  	v2 =	vld [tilespmem:s14+$0x0]  }
0x269: {  	v3 =	vld.idx.msk [tilespmem:v4+s29+$0x0], $0xffff  }
0x26a: {  	v5 =	vld.idx.msk [tilespmem:v5+s29+$0x0], $0xffff;
	s14 =	simm.s32 $0xC060  }
0x26b: {  	v1 =	vmul.f32 v7, v1;
	v7 =	vld [tilespmem:s14+$0x10]  }
0x26c: {  	s13 =	simm.s32 $0x11020;
	v4 =	vld.idx.msk [tilespmem:v10+s29+$0x0], $0xffff;
	v8 =	vmul.f32 v12, v8  }
0x26d: {  	s15 =	simm.s32 $0x40;
	s16 =	simm.s32 $0x20A0;
	v9 =	vmul.f32 v13, v9;
	[tilespmem:s13+$0x10] =	vst v1;
	v1 =	vld.idx.msk [tilespmem:v11+s29+$0x0], $0xffff  }
.LBB2_36:
0x26e: {  	v10 =	vld [tilespmem:s16+$0x10];
	s15 =	sadd.s32 $0x40, s15;
	[tilespmem:s13+$0xFFFFFFE0] =	vst v8;
	v3 =	vmul.f32 v6, v3  }
0x26f: {  	v8 =	vld [tilespmem:s16+$0xFFFFFFF0];
	p1 =	slt.u32 s15, $0xF40;
	[tilespmem:s13+$0xFFFFFFF0] =	vst v9  }
0x270: {  	v9 =	vld [tilespmem:s16+$0x0];
	v5 =	vmul.f32 v7, v5;
	[tilespmem:s13+$0x0] =	vst v3  }
0x271: {  	s13 =	sadd.s32 $0x40, s13;
	v11 =	vld [tilespmem:s16+$0xFFFFFFE0]  }
0x272: {  	v12 =	vmov v4;
	v3 =	vld.idx.msk [tilespmem:v2+s29+$0x0], $0xffff;
	[tilespmem:s13+$0x10] =	vst v5  }
0x273: {  	v13 =	vld [tilespmem:s14+$0xFFFFFFE0]  }
0x274: {  	v14 =	vld [tilespmem:s14+$0xFFFFFFF0]  }
.Ltmp19:
0x275: {  	v6 =	vld [tilespmem:s14+$0x0];
	v2 =	vmov v9;
	(pc) =	sbr.rel @p1 .LBB2_36-.Ltmp19, $4  }
0x276: {  	s14 =	sadd.s32 $0x40, s14;
	v5 =	vld.idx.msk [tilespmem:v10+s29+$0x0], $0xffff  }
0x277: {  	v7 =	vld [tilespmem:s14+$0x10]  }
0x278: {  	v4 =	vld.idx.msk [tilespmem:v8+s29+$0x0], $0xffff;
	v8 =	vmul.f32 v13, v1  }
0x279: {  	s16 =	sadd.s32 $0x40, s16;
	v1 =	vld.idx.msk [tilespmem:v11+s29+$0x0], $0xffff;
	v9 =	vmul.f32 v14, v12  }
0x27a: {  	_ =	sdelay $0x3  }
0x27b: {  	v2 =	vld.idx.msk [tilespmem:v2+s29+$0x0], $0xffff  }
0x27c: {  	v10 =	vld [tilespmem:s14+$0xFFFFFFE0]  }
0x27d: {  	v11 =	vld [tilespmem:s14+$0xFFFFFFF0]  }
0x27e: {  	v12 =	vld [tilespmem:s14+$0x0]  }
0x27f: {  	[tilespmem:s13+$0xFFFFFFE0] =	vst v8;
	v3 =	vmul.f32 v6, v3  }
0x280: {  	[tilespmem:s13+$0xFFFFFFF0] =	vst v9;
	v5 =	vmul.f32 v7, v5  }
0x281: {  	s17 =	sadd.s32 $0x40, s13;
	[tilespmem:s13+$0x0] =	vst v3;
	v1 =	vmul.f32 v10, v1  }
0x282: {  	[tilespmem:s17+$0x10] =	vst v5;
	v3 =	vmul.f32 v11, v4  }
0x283: {  	[tilespmem:s17+$0xFFFFFFE0] =	vst v1;
	v1 =	vmul.f32 v12, v2  }
0x284: {  	s14 =	simm.s32 $0xF70;
	[tilespmem:s17+$0xFFFFFFF0] =	vst v3  }
0x285: {  	s15 =	simm.s32 $0x11F80;
	s16 =	simm.s32 $0xCF80;
	s13 =	simm.s32 $0x2F80;
	[tilespmem:s17+$0x0] =	vst v1  }
.LBB2_38:
0x286: {  	v1 =	vld [tilespmem:s13+$0x0];
	_ =	sdelay $0x6  }
0x287: {  	v2 =	vld [tilespmem:s16+$0x0]  }
0x288: {  	v1 =	vld.idx.msk [tilespmem:v1+s29+$0x0], $0xffff  }
0x289: {  	s14 =	sadd.s32 $0x10, s14  }
0x28a: {  	p1 =	slt.u32 s14, $0xF90  }
.Ltmp20:
0x28b: {  	_ = 	snop;
	(pc) =	sbr.rel @p1 .LBB2_38-.Ltmp20, $3  }
0x28c: {  	_ = 	snop  }
0x28d: {  	v1 =	vmul.f32 v2, v1;
	_ =	sdelay $0x1  }
0x28e: {  	s16 =	sadd.s32 $0x10, s16;
	s13 =	sadd.s32 $0x10, s13;
	[tilespmem:s15+$0x0] =	vst v1;
	s15 =	sadd.s32 $0x10, s15  }
0x28f: {  	[spmem:s2] =	stream.indirect.scatter.add.f32 [tilespmem:s8], [sflag:$0x2], $0x1, s31, s6, $0xb8;
	[tilespmem:$0x16EE8] =	vst v63  }
0x290: {  	s13 =	simm.s32 $0x3020  }
0x291: {  	v1 =	vld [tilespmem:s13+$0x10]  }
0x292: {  	v2 =	vld [tilespmem:s13+$0xFFFFFFF0]  }
0x293: {  	v3 =	vld [tilespmem:s13+$0xFFFFFFE0]  }
0x294: {  	s17 =	simm.s32 $0xD020;
	v4 =	vld [tilespmem:s13+$0x0]  }
0x295: {  	s14 =	simm.s32 $0x3060;
	v7 =	vld [tilespmem:s17+$0x10]  }
0x296: {  	v5 =	vld [tilespmem:s14+$0x10]  }
0x297: {  	v10 =	vld [tilespmem:s14+$0xFFFFFFF0]  }
0x298: {  	v11 =	vld [tilespmem:s14+$0xFFFFFFE0]  }
0x299: {  	v12 =	vld [tilespmem:s17+$0xFFFFFFE0]  }
0x29a: {  	v13 =	vld [tilespmem:s17+$0xFFFFFFF0]  }
0x29b: {  	v6 =	vld [tilespmem:s17+$0x0]  }
0x29c: {  	v1 =	vld.idx.msk [tilespmem:v1+s29+$0x0], $0xffff  }
0x29d: {  	v9 =	vld.idx.msk [tilespmem:v2+s29+$0x0], $0xffff  }
0x29e: {  	v8 =	vld.idx.msk [tilespmem:v3+s29+$0x0], $0xffff  }
0x29f: {  	v2 =	vld [tilespmem:s14+$0x0]  }
0x2a0: {  	v3 =	vld.idx.msk [tilespmem:v4+s29+$0x0], $0xffff  }
0x2a1: {  	v5 =	vld.idx.msk [tilespmem:v5+s29+$0x0], $0xffff;
	s14 =	simm.s32 $0xD060  }
0x2a2: {  	v1 =	vmul.f32 v7, v1;
	v7 =	vld [tilespmem:s14+$0x10]  }
0x2a3: {  	s13 =	simm.s32 $0x12020;
	v4 =	vld.idx.msk [tilespmem:v10+s29+$0x0], $0xffff;
	v8 =	vmul.f32 v12, v8  }
0x2a4: {  	s15 =	simm.s32 $0x40;
	s16 =	simm.s32 $0x30A0;
	v9 =	vmul.f32 v13, v9;
	[tilespmem:s13+$0x10] =	vst v1;
	v1 =	vld.idx.msk [tilespmem:v11+s29+$0x0], $0xffff  }
.LBB2_40:
0x2a5: {  	v10 =	vld [tilespmem:s16+$0x10];
	s15 =	sadd.s32 $0x40, s15;
	[tilespmem:s13+$0xFFFFFFE0] =	vst v8;
	v3 =	vmul.f32 v6, v3  }
0x2a6: {  	v8 =	vld [tilespmem:s16+$0xFFFFFFF0];
	p1 =	slt.u32 s15, $0xF40;
	[tilespmem:s13+$0xFFFFFFF0] =	vst v9  }
0x2a7: {  	v9 =	vld [tilespmem:s16+$0x0];
	v5 =	vmul.f32 v7, v5;
	[tilespmem:s13+$0x0] =	vst v3  }
0x2a8: {  	s13 =	sadd.s32 $0x40, s13;
	v11 =	vld [tilespmem:s16+$0xFFFFFFE0]  }
0x2a9: {  	v12 =	vmov v4;
	v3 =	vld.idx.msk [tilespmem:v2+s29+$0x0], $0xffff;
	[tilespmem:s13+$0x10] =	vst v5  }
0x2aa: {  	v13 =	vld [tilespmem:s14+$0xFFFFFFE0]  }
0x2ab: {  	v14 =	vld [tilespmem:s14+$0xFFFFFFF0]  }
.Ltmp21:
0x2ac: {  	v6 =	vld [tilespmem:s14+$0x0];
	v2 =	vmov v9;
	(pc) =	sbr.rel @p1 .LBB2_40-.Ltmp21, $4  }
0x2ad: {  	s14 =	sadd.s32 $0x40, s14;
	v5 =	vld.idx.msk [tilespmem:v10+s29+$0x0], $0xffff  }
0x2ae: {  	v7 =	vld [tilespmem:s14+$0x10]  }
0x2af: {  	v4 =	vld.idx.msk [tilespmem:v8+s29+$0x0], $0xffff;
	v8 =	vmul.f32 v13, v1  }
0x2b0: {  	s16 =	sadd.s32 $0x40, s16;
	v1 =	vld.idx.msk [tilespmem:v11+s29+$0x0], $0xffff;
	v9 =	vmul.f32 v14, v12  }
0x2b1: {  	_ =	sdelay $0x3  }
0x2b2: {  	v2 =	vld.idx.msk [tilespmem:v2+s29+$0x0], $0xffff  }
0x2b3: {  	v10 =	vld [tilespmem:s14+$0xFFFFFFE0]  }
0x2b4: {  	v11 =	vld [tilespmem:s14+$0xFFFFFFF0]  }
0x2b5: {  	v12 =	vld [tilespmem:s14+$0x0]  }
0x2b6: {  	[tilespmem:s13+$0xFFFFFFE0] =	vst v8;
	v3 =	vmul.f32 v6, v3  }
0x2b7: {  	[tilespmem:s13+$0xFFFFFFF0] =	vst v9;
	v5 =	vmul.f32 v7, v5  }
0x2b8: {  	s17 =	sadd.s32 $0x40, s13;
	[tilespmem:s13+$0x0] =	vst v3;
	v1 =	vmul.f32 v10, v1  }
0x2b9: {  	[tilespmem:s17+$0x10] =	vst v5;
	v3 =	vmul.f32 v11, v4  }
0x2ba: {  	[tilespmem:s17+$0xFFFFFFE0] =	vst v1;
	v1 =	vmul.f32 v12, v2  }
0x2bb: {  	s14 =	simm.s32 $0xF70;
	[tilespmem:s17+$0xFFFFFFF0] =	vst v3  }
0x2bc: {  	s15 =	simm.s32 $0x12F80;
	s16 =	simm.s32 $0xDF80;
	s13 =	simm.s32 $0x3F80;
	[tilespmem:s17+$0x0] =	vst v1  }
.LBB2_42:
0x2bd: {  	v1 =	vld [tilespmem:s13+$0x0];
	_ =	sdelay $0x6  }
0x2be: {  	v2 =	vld [tilespmem:s16+$0x0]  }
0x2bf: {  	v1 =	vld.idx.msk [tilespmem:v1+s29+$0x0], $0xffff  }
0x2c0: {  	s14 =	sadd.s32 $0x10, s14  }
0x2c1: {  	p1 =	slt.u32 s14, $0xF90  }
.Ltmp22:
0x2c2: {  	_ = 	snop;
	(pc) =	sbr.rel @p1 .LBB2_42-.Ltmp22, $3  }
0x2c3: {  	_ = 	snop  }
0x2c4: {  	v1 =	vmul.f32 v2, v1;
	_ =	sdelay $0x1  }
0x2c5: {  	s16 =	sadd.s32 $0x10, s16;
	s13 =	sadd.s32 $0x10, s13;
	[tilespmem:s15+$0x0] =	vst v1;
	s15 =	sadd.s32 $0x10, s15  }
0x2c6: {  	[spmem:s2] =	stream.indirect.scatter.add.f32 [tilespmem:s9], [sflag:$0x2], $0x1, s21, s6, $0xb8;
	[tilespmem:$0x16EE8] =	vst v63  }
0x2c7: {  	s13 =	simm.s32 $0x4020  }
0x2c8: {  	v1 =	vld [tilespmem:s13+$0x10]  }
0x2c9: {  	v2 =	vld [tilespmem:s13+$0xFFFFFFF0]  }
0x2ca: {  	v3 =	vld [tilespmem:s13+$0xFFFFFFE0]  }
0x2cb: {  	s17 =	simm.s32 $0xE020;
	v4 =	vld [tilespmem:s13+$0x0]  }
0x2cc: {  	s14 =	simm.s32 $0x4060;
	v7 =	vld [tilespmem:s17+$0x10]  }
0x2cd: {  	v5 =	vld [tilespmem:s14+$0x10]  }
0x2ce: {  	v10 =	vld [tilespmem:s14+$0xFFFFFFF0]  }
0x2cf: {  	v11 =	vld [tilespmem:s14+$0xFFFFFFE0]  }
0x2d0: {  	v12 =	vld [tilespmem:s17+$0xFFFFFFE0]  }
0x2d1: {  	v13 =	vld [tilespmem:s17+$0xFFFFFFF0]  }
0x2d2: {  	v6 =	vld [tilespmem:s17+$0x0]  }
0x2d3: {  	v1 =	vld.idx.msk [tilespmem:v1+s29+$0x0], $0xffff  }
0x2d4: {  	v9 =	vld.idx.msk [tilespmem:v2+s29+$0x0], $0xffff  }
0x2d5: {  	v8 =	vld.idx.msk [tilespmem:v3+s29+$0x0], $0xffff  }
0x2d6: {  	v2 =	vld [tilespmem:s14+$0x0]  }
0x2d7: {  	v3 =	vld.idx.msk [tilespmem:v4+s29+$0x0], $0xffff  }
0x2d8: {  	v5 =	vld.idx.msk [tilespmem:v5+s29+$0x0], $0xffff;
	s14 =	simm.s32 $0xE060  }
0x2d9: {  	v1 =	vmul.f32 v7, v1;
	v7 =	vld [tilespmem:s14+$0x10]  }
0x2da: {  	s13 =	simm.s32 $0x13020;
	v4 =	vld.idx.msk [tilespmem:v10+s29+$0x0], $0xffff;
	v8 =	vmul.f32 v12, v8  }
0x2db: {  	s15 =	simm.s32 $0x40;
	s16 =	simm.s32 $0x40A0;
	v9 =	vmul.f32 v13, v9;
	[tilespmem:s13+$0x10] =	vst v1;
	v1 =	vld.idx.msk [tilespmem:v11+s29+$0x0], $0xffff  }
.LBB2_44:
0x2dc: {  	v10 =	vld [tilespmem:s16+$0x10];
	s15 =	sadd.s32 $0x40, s15;
	[tilespmem:s13+$0xFFFFFFE0] =	vst v8;
	v3 =	vmul.f32 v6, v3  }
0x2dd: {  	v8 =	vld [tilespmem:s16+$0xFFFFFFF0];
	p1 =	slt.u32 s15, $0xF40;
	[tilespmem:s13+$0xFFFFFFF0] =	vst v9  }
0x2de: {  	v9 =	vld [tilespmem:s16+$0x0];
	v5 =	vmul.f32 v7, v5;
	[tilespmem:s13+$0x0] =	vst v3  }
0x2df: {  	s13 =	sadd.s32 $0x40, s13;
	v11 =	vld [tilespmem:s16+$0xFFFFFFE0]  }
0x2e0: {  	v12 =	vmov v4;
	v3 =	vld.idx.msk [tilespmem:v2+s29+$0x0], $0xffff;
	[tilespmem:s13+$0x10] =	vst v5  }
0x2e1: {  	v13 =	vld [tilespmem:s14+$0xFFFFFFE0]  }
0x2e2: {  	v14 =	vld [tilespmem:s14+$0xFFFFFFF0]  }
.Ltmp23:
0x2e3: {  	v6 =	vld [tilespmem:s14+$0x0];
	v2 =	vmov v9;
	(pc) =	sbr.rel @p1 .LBB2_44-.Ltmp23, $4  }
0x2e4: {  	s14 =	sadd.s32 $0x40, s14;
	v5 =	vld.idx.msk [tilespmem:v10+s29+$0x0], $0xffff  }
0x2e5: {  	v7 =	vld [tilespmem:s14+$0x10]  }
0x2e6: {  	v4 =	vld.idx.msk [tilespmem:v8+s29+$0x0], $0xffff;
	v8 =	vmul.f32 v13, v1  }
0x2e7: {  	s16 =	sadd.s32 $0x40, s16;
	v1 =	vld.idx.msk [tilespmem:v11+s29+$0x0], $0xffff;
	v9 =	vmul.f32 v14, v12  }
0x2e8: {  	_ =	sdelay $0x3  }
0x2e9: {  	v2 =	vld.idx.msk [tilespmem:v2+s29+$0x0], $0xffff  }
0x2ea: {  	v10 =	vld [tilespmem:s14+$0xFFFFFFE0]  }
0x2eb: {  	v11 =	vld [tilespmem:s14+$0xFFFFFFF0]  }
0x2ec: {  	v12 =	vld [tilespmem:s14+$0x0]  }
0x2ed: {  	[tilespmem:s13+$0xFFFFFFE0] =	vst v8;
	v3 =	vmul.f32 v6, v3  }
0x2ee: {  	[tilespmem:s13+$0xFFFFFFF0] =	vst v9;
	v5 =	vmul.f32 v7, v5  }
0x2ef: {  	s17 =	sadd.s32 $0x40, s13;
	[tilespmem:s13+$0x0] =	vst v3;
	v1 =	vmul.f32 v10, v1  }
0x2f0: {  	[tilespmem:s17+$0x10] =	vst v5;
	v3 =	vmul.f32 v11, v4  }
0x2f1: {  	[tilespmem:s17+$0xFFFFFFE0] =	vst v1;
	v1 =	vmul.f32 v12, v2  }
0x2f2: {  	s14 =	simm.s32 $0xF70;
	[tilespmem:s17+$0xFFFFFFF0] =	vst v3  }
0x2f3: {  	s15 =	simm.s32 $0x13F80;
	s16 =	simm.s32 $0xEF80;
	s13 =	simm.s32 $0x4F80;
	[tilespmem:s17+$0x0] =	vst v1  }
.LBB2_46:
0x2f4: {  	v1 =	vld [tilespmem:s13+$0x0];
	_ =	sdelay $0x6  }
0x2f5: {  	v2 =	vld [tilespmem:s16+$0x0]  }
0x2f6: {  	v1 =	vld.idx.msk [tilespmem:v1+s29+$0x0], $0xffff  }
0x2f7: {  	s14 =	sadd.s32 $0x10, s14  }
0x2f8: {  	p1 =	slt.u32 s14, $0xF90  }
.Ltmp24:
0x2f9: {  	_ = 	snop;
	(pc) =	sbr.rel @p1 .LBB2_46-.Ltmp24, $3  }
0x2fa: {  	_ = 	snop  }
0x2fb: {  	v1 =	vmul.f32 v2, v1;
	_ =	sdelay $0x1  }
0x2fc: {  	s16 =	sadd.s32 $0x10, s16;
	s13 =	sadd.s32 $0x10, s13;
	[tilespmem:s15+$0x0] =	vst v1;
	s15 =	sadd.s32 $0x10, s15  }
0x2fd: {  	[spmem:s2] =	stream.indirect.scatter.add.f32 [tilespmem:s10], [sflag:$0x2], $0x1, s19, s6, $0xb8;
	[tilespmem:$0x16EE8] =	vst v63  }
0x2fe: {  	_ =	swait.ge [sflag:s11], $0xFA0  }
0x2ff: {  	[sflag:s11] =	ssyncset.done $0x0  }
0x300: {  	[sflag:s11] =	ssyncadd.s32 $0xFFFFF060  }
0x301: {  	_ =	swait.ge [sflag:s11], $0xFA0  }
0x302: {  	[sflag:s11] =	ssyncset.done $0x0  }
0x303: {  	[sflag:s11] =	ssyncadd.s32 $0xFFFFF060  }
0x304: {  	_ =	swait.ge [sflag:s11], $0xFA0  }
0x305: {  	[sflag:s11] =	ssyncset.done $0x0  }
0x306: {  	[sflag:s11] =	ssyncadd.s32 $0xFFFFF060  }
0x307: {  	_ =	swait.ge [sflag:s11], $0xFA0  }
0x308: {  	[sflag:s11] =	ssyncset.done $0x0  }
0x309: {  	[sflag:s11] =	ssyncadd.s32 $0xFFFFF060  }
.Ltmp25:
0x30a: {  	_ =	swait.ge [sflag:s11], $0xFA0;
	(pc) =	sbr.rel @p3 .LBB2_69-.Ltmp25, $3  }
0x30b: {  	[sflag:s11] =	ssyncset.done $0x0  }
0x30c: {  	[sflag:s11] =	ssyncadd.s32 $0xFFFFF060  }
0x30d: {  	[bflag:$0x0] =	sbarrier.arrive $0xFFFF;
	_ =	sdelay $0x1  }
0x30e: {  	[tilespmem:s29], [sflag:$0x3] =	stream.linear.gather [spmem:s2], $0x2780, $0x38;
	[tilespmem:$0x16EE8] =	vst v63  }
0x30f: {  	_ =	swait.ge [sflag:s4], $0x2780  }
0x310: {  	[sflag:s4] =	ssyncset.done $0x0  }
0x311: {  	s13 =	simm.s32 $0x20;
	[sflag:s4] =	ssyncadd.s32 $0xFFFFD880  }
0x312: {  	v1 =	vld [tilespmem:s13+$0x10]  }
0x313: {  	v2 =	vld [tilespmem:s13+$0xFFFFFFF0]  }
0x314: {  	v3 =	vld [tilespmem:s13+$0xFFFFFFE0]  }
0x315: {  	s17 =	simm.s32 $0xA020;
	v4 =	vld [tilespmem:s13+$0x0]  }
0x316: {  	s14 =	simm.s32 $0x60;
	v7 =	vld [tilespmem:s17+$0x10]  }
0x317: {  	v5 =	vld [tilespmem:s14+$0x10]  }
0x318: {  	v10 =	vld [tilespmem:s14+$0xFFFFFFF0]  }
0x319: {  	v11 =	vld [tilespmem:s14+$0xFFFFFFE0]  }
0x31a: {  	v12 =	vld [tilespmem:s17+$0xFFFFFFE0]  }
0x31b: {  	v13 =	vld [tilespmem:s17+$0xFFFFFFF0]  }
0x31c: {  	v6 =	vld [tilespmem:s17+$0x0]  }
0x31d: {  	v1 =	vld.idx.msk [tilespmem:v1+s29+$0x0], $0xffff  }
0x31e: {  	v9 =	vld.idx.msk [tilespmem:v2+s29+$0x0], $0xffff  }
0x31f: {  	v8 =	vld.idx.msk [tilespmem:v3+s29+$0x0], $0xffff  }
0x320: {  	v2 =	vld [tilespmem:s14+$0x0]  }
0x321: {  	v3 =	vld.idx.msk [tilespmem:v4+s29+$0x0], $0xffff  }
0x322: {  	v5 =	vld.idx.msk [tilespmem:v5+s29+$0x0], $0xffff;
	s14 =	simm.s32 $0xA060  }
0x323: {  	v1 =	vmul.f32 v7, v1;
	v7 =	vld [tilespmem:s14+$0x10]  }
0x324: {  	s13 =	simm.s32 $0xF020;
	v4 =	vld.idx.msk [tilespmem:v10+s29+$0x0], $0xffff;
	v8 =	vmul.f32 v12, v8  }
0x325: {  	s15 =	simm.s32 $0x40;
	s16 =	simm.s32 $0xA0;
	v9 =	vmul.f32 v13, v9;
	[tilespmem:s13+$0x10] =	vst v1;
	v1 =	vld.idx.msk [tilespmem:v11+s29+$0x0], $0xffff  }
.LBB2_49:
0x326: {  	v10 =	vld [tilespmem:s16+$0x10];
	s15 =	sadd.s32 $0x40, s15;
	[tilespmem:s13+$0xFFFFFFE0] =	vst v8;
	v3 =	vmul.f32 v6, v3  }
0x327: {  	v8 =	vld [tilespmem:s16+$0xFFFFFFF0];
	p1 =	slt.u32 s15, $0xF40;
	[tilespmem:s13+$0xFFFFFFF0] =	vst v9  }
0x328: {  	v9 =	vld [tilespmem:s16+$0x0];
	v5 =	vmul.f32 v7, v5;
	[tilespmem:s13+$0x0] =	vst v3  }
0x329: {  	s13 =	sadd.s32 $0x40, s13;
	v11 =	vld [tilespmem:s16+$0xFFFFFFE0]  }
0x32a: {  	v12 =	vmov v4;
	v3 =	vld.idx.msk [tilespmem:v2+s29+$0x0], $0xffff;
	[tilespmem:s13+$0x10] =	vst v5  }
0x32b: {  	v13 =	vld [tilespmem:s14+$0xFFFFFFE0]  }
0x32c: {  	v14 =	vld [tilespmem:s14+$0xFFFFFFF0]  }
.Ltmp26:
0x32d: {  	v6 =	vld [tilespmem:s14+$0x0];
	v2 =	vmov v9;
	(pc) =	sbr.rel @p1 .LBB2_49-.Ltmp26, $4  }
0x32e: {  	s14 =	sadd.s32 $0x40, s14;
	v5 =	vld.idx.msk [tilespmem:v10+s29+$0x0], $0xffff  }
0x32f: {  	v7 =	vld [tilespmem:s14+$0x10]  }
0x330: {  	v4 =	vld.idx.msk [tilespmem:v8+s29+$0x0], $0xffff;
	v8 =	vmul.f32 v13, v1  }
0x331: {  	s16 =	sadd.s32 $0x40, s16;
	v1 =	vld.idx.msk [tilespmem:v11+s29+$0x0], $0xffff;
	v9 =	vmul.f32 v14, v12  }
0x332: {  	_ =	sdelay $0x3  }
0x333: {  	v2 =	vld.idx.msk [tilespmem:v2+s29+$0x0], $0xffff  }
0x334: {  	v10 =	vld [tilespmem:s14+$0xFFFFFFE0]  }
0x335: {  	v11 =	vld [tilespmem:s14+$0xFFFFFFF0]  }
0x336: {  	v12 =	vld [tilespmem:s14+$0x0]  }
0x337: {  	[tilespmem:s13+$0xFFFFFFE0] =	vst v8;
	v3 =	vmul.f32 v6, v3  }
0x338: {  	[tilespmem:s13+$0xFFFFFFF0] =	vst v9;
	v5 =	vmul.f32 v7, v5  }
0x339: {  	s17 =	sadd.s32 $0x40, s13;
	[tilespmem:s13+$0x0] =	vst v3;
	v1 =	vmul.f32 v10, v1  }
0x33a: {  	[tilespmem:s17+$0x10] =	vst v5;
	v3 =	vmul.f32 v11, v4  }
0x33b: {  	[tilespmem:s17+$0xFFFFFFE0] =	vst v1;
	v1 =	vmul.f32 v12, v2  }
0x33c: {  	s14 =	simm.s32 $0xF70;
	[tilespmem:s17+$0xFFFFFFF0] =	vst v3  }
0x33d: {  	s15 =	simm.s32 $0xFF80;
	s16 =	simm.s32 $0xAF80;
	s13 =	simm.s32 $0xF80;
	[tilespmem:s17+$0x0] =	vst v1  }
.LBB2_51:
0x33e: {  	v1 =	vld [tilespmem:s13+$0x0];
	_ =	sdelay $0x6  }
0x33f: {  	v2 =	vld [tilespmem:s16+$0x0]  }
0x340: {  	v1 =	vld.idx.msk [tilespmem:v1+s29+$0x0], $0xffff  }
0x341: {  	s14 =	sadd.s32 $0x10, s14  }
0x342: {  	p1 =	slt.u32 s14, $0xF90  }
.Ltmp27:
0x343: {  	_ = 	snop;
	(pc) =	sbr.rel @p1 .LBB2_51-.Ltmp27, $3  }
0x344: {  	_ = 	snop  }
0x345: {  	v1 =	vmul.f32 v2, v1;
	_ =	sdelay $0x1  }
0x346: {  	s16 =	sadd.s32 $0x10, s16;
	s13 =	sadd.s32 $0x10, s13;
	[tilespmem:s15+$0x0] =	vst v1;
	s15 =	sadd.s32 $0x10, s15  }
0x347: {  	[spmem:s3] =	stream.indirect.scatter.add.f32 [tilespmem:s20], [sflag:$0x2], $0x1, s30, s6, $0xb8;
	[tilespmem:$0x16EE8] =	vst v63  }
0x348: {  	s13 =	simm.s32 $0x1020  }
0x349: {  	v1 =	vld [tilespmem:s13+$0x10]  }
0x34a: {  	v2 =	vld [tilespmem:s13+$0xFFFFFFF0]  }
0x34b: {  	v3 =	vld [tilespmem:s13+$0xFFFFFFE0]  }
0x34c: {  	s17 =	simm.s32 $0xB020;
	v4 =	vld [tilespmem:s13+$0x0]  }
0x34d: {  	s14 =	simm.s32 $0x1060;
	v7 =	vld [tilespmem:s17+$0x10]  }
0x34e: {  	v5 =	vld [tilespmem:s14+$0x10]  }
0x34f: {  	v10 =	vld [tilespmem:s14+$0xFFFFFFF0]  }
0x350: {  	v11 =	vld [tilespmem:s14+$0xFFFFFFE0]  }
0x351: {  	v12 =	vld [tilespmem:s17+$0xFFFFFFE0]  }
0x352: {  	v13 =	vld [tilespmem:s17+$0xFFFFFFF0]  }
0x353: {  	v6 =	vld [tilespmem:s17+$0x0]  }
0x354: {  	v1 =	vld.idx.msk [tilespmem:v1+s29+$0x0], $0xffff  }
0x355: {  	v9 =	vld.idx.msk [tilespmem:v2+s29+$0x0], $0xffff  }
0x356: {  	v8 =	vld.idx.msk [tilespmem:v3+s29+$0x0], $0xffff  }
0x357: {  	v2 =	vld [tilespmem:s14+$0x0]  }
0x358: {  	v3 =	vld.idx.msk [tilespmem:v4+s29+$0x0], $0xffff  }
0x359: {  	v5 =	vld.idx.msk [tilespmem:v5+s29+$0x0], $0xffff;
	s14 =	simm.s32 $0xB060  }
0x35a: {  	v1 =	vmul.f32 v7, v1;
	v7 =	vld [tilespmem:s14+$0x10]  }
0x35b: {  	s13 =	simm.s32 $0x10020;
	v4 =	vld.idx.msk [tilespmem:v10+s29+$0x0], $0xffff;
	v8 =	vmul.f32 v12, v8  }
0x35c: {  	s15 =	simm.s32 $0x40;
	s16 =	simm.s32 $0x10A0;
	v9 =	vmul.f32 v13, v9;
	[tilespmem:s13+$0x10] =	vst v1;
	v1 =	vld.idx.msk [tilespmem:v11+s29+$0x0], $0xffff  }
.LBB2_53:
0x35d: {  	v10 =	vld [tilespmem:s16+$0x10];
	s15 =	sadd.s32 $0x40, s15;
	[tilespmem:s13+$0xFFFFFFE0] =	vst v8;
	v3 =	vmul.f32 v6, v3  }
0x35e: {  	v8 =	vld [tilespmem:s16+$0xFFFFFFF0];
	p1 =	slt.u32 s15, $0xF40;
	[tilespmem:s13+$0xFFFFFFF0] =	vst v9  }
0x35f: {  	v9 =	vld [tilespmem:s16+$0x0];
	v5 =	vmul.f32 v7, v5;
	[tilespmem:s13+$0x0] =	vst v3  }
0x360: {  	s13 =	sadd.s32 $0x40, s13;
	v11 =	vld [tilespmem:s16+$0xFFFFFFE0]  }
0x361: {  	v12 =	vmov v4;
	v3 =	vld.idx.msk [tilespmem:v2+s29+$0x0], $0xffff;
	[tilespmem:s13+$0x10] =	vst v5  }
0x362: {  	v13 =	vld [tilespmem:s14+$0xFFFFFFE0]  }
0x363: {  	v14 =	vld [tilespmem:s14+$0xFFFFFFF0]  }
.Ltmp28:
0x364: {  	v6 =	vld [tilespmem:s14+$0x0];
	v2 =	vmov v9;
	(pc) =	sbr.rel @p1 .LBB2_53-.Ltmp28, $4  }
0x365: {  	s14 =	sadd.s32 $0x40, s14;
	v5 =	vld.idx.msk [tilespmem:v10+s29+$0x0], $0xffff  }
0x366: {  	v7 =	vld [tilespmem:s14+$0x10]  }
0x367: {  	v4 =	vld.idx.msk [tilespmem:v8+s29+$0x0], $0xffff;
	v8 =	vmul.f32 v13, v1  }
0x368: {  	s16 =	sadd.s32 $0x40, s16;
	v1 =	vld.idx.msk [tilespmem:v11+s29+$0x0], $0xffff;
	v9 =	vmul.f32 v14, v12  }
0x369: {  	_ =	sdelay $0x3  }
0x36a: {  	v2 =	vld.idx.msk [tilespmem:v2+s29+$0x0], $0xffff  }
0x36b: {  	v10 =	vld [tilespmem:s14+$0xFFFFFFE0]  }
0x36c: {  	v11 =	vld [tilespmem:s14+$0xFFFFFFF0]  }
0x36d: {  	v12 =	vld [tilespmem:s14+$0x0]  }
0x36e: {  	[tilespmem:s13+$0xFFFFFFE0] =	vst v8;
	v3 =	vmul.f32 v6, v3  }
0x36f: {  	[tilespmem:s13+$0xFFFFFFF0] =	vst v9;
	v5 =	vmul.f32 v7, v5  }
0x370: {  	s17 =	sadd.s32 $0x40, s13;
	[tilespmem:s13+$0x0] =	vst v3;
	v1 =	vmul.f32 v10, v1  }
0x371: {  	[tilespmem:s17+$0x10] =	vst v5;
	v3 =	vmul.f32 v11, v4  }
0x372: {  	[tilespmem:s17+$0xFFFFFFE0] =	vst v1;
	v1 =	vmul.f32 v12, v2  }
0x373: {  	s14 =	simm.s32 $0xF70;
	[tilespmem:s17+$0xFFFFFFF0] =	vst v3  }
0x374: {  	s15 =	simm.s32 $0x10F80;
	s16 =	simm.s32 $0xBF80;
	s13 =	simm.s32 $0x1F80;
	[tilespmem:s17+$0x0] =	vst v1  }
.LBB2_55:
0x375: {  	v1 =	vld [tilespmem:s13+$0x0];
	_ =	sdelay $0x6  }
0x376: {  	v2 =	vld [tilespmem:s16+$0x0]  }
0x377: {  	v1 =	vld.idx.msk [tilespmem:v1+s29+$0x0], $0xffff  }
0x378: {  	s14 =	sadd.s32 $0x10, s14  }
0x379: {  	p1 =	slt.u32 s14, $0xF90  }
.Ltmp29:
0x37a: {  	_ = 	snop;
	(pc) =	sbr.rel @p1 .LBB2_55-.Ltmp29, $3  }
0x37b: {  	_ = 	snop  }
0x37c: {  	v1 =	vmul.f32 v2, v1;
	_ =	sdelay $0x1  }
0x37d: {  	s16 =	sadd.s32 $0x10, s16;
	s13 =	sadd.s32 $0x10, s13;
	[tilespmem:s15+$0x0] =	vst v1;
	s15 =	sadd.s32 $0x10, s15  }
0x37e: {  	[spmem:s3] =	stream.indirect.scatter.add.f32 [tilespmem:s7], [sflag:$0x2], $0x1, s0, s6, $0xb8;
	[tilespmem:$0x16EE8] =	vst v63  }
0x37f: {  	s13 =	simm.s32 $0x2020  }
0x380: {  	v1 =	vld [tilespmem:s13+$0x10]  }
0x381: {  	v2 =	vld [tilespmem:s13+$0xFFFFFFF0]  }
0x382: {  	v3 =	vld [tilespmem:s13+$0xFFFFFFE0]  }
0x383: {  	s17 =	simm.s32 $0xC020;
	v4 =	vld [tilespmem:s13+$0x0]  }
0x384: {  	s14 =	simm.s32 $0x2060;
	v7 =	vld [tilespmem:s17+$0x10]  }
0x385: {  	v5 =	vld [tilespmem:s14+$0x10]  }
0x386: {  	v10 =	vld [tilespmem:s14+$0xFFFFFFF0]  }
0x387: {  	v11 =	vld [tilespmem:s14+$0xFFFFFFE0]  }
0x388: {  	v12 =	vld [tilespmem:s17+$0xFFFFFFE0]  }
0x389: {  	v13 =	vld [tilespmem:s17+$0xFFFFFFF0]  }
0x38a: {  	v6 =	vld [tilespmem:s17+$0x0]  }
0x38b: {  	v1 =	vld.idx.msk [tilespmem:v1+s29+$0x0], $0xffff  }
0x38c: {  	v9 =	vld.idx.msk [tilespmem:v2+s29+$0x0], $0xffff  }
0x38d: {  	v8 =	vld.idx.msk [tilespmem:v3+s29+$0x0], $0xffff  }
0x38e: {  	v2 =	vld [tilespmem:s14+$0x0]  }
0x38f: {  	v3 =	vld.idx.msk [tilespmem:v4+s29+$0x0], $0xffff  }
0x390: {  	v5 =	vld.idx.msk [tilespmem:v5+s29+$0x0], $0xffff;
	s14 =	simm.s32 $0xC060  }
0x391: {  	v1 =	vmul.f32 v7, v1;
	v7 =	vld [tilespmem:s14+$0x10]  }
0x392: {  	s13 =	simm.s32 $0x11020;
	v4 =	vld.idx.msk [tilespmem:v10+s29+$0x0], $0xffff;
	v8 =	vmul.f32 v12, v8  }
0x393: {  	s15 =	simm.s32 $0x40;
	s16 =	simm.s32 $0x20A0;
	v9 =	vmul.f32 v13, v9;
	[tilespmem:s13+$0x10] =	vst v1;
	v1 =	vld.idx.msk [tilespmem:v11+s29+$0x0], $0xffff  }
.LBB2_57:
0x394: {  	v10 =	vld [tilespmem:s16+$0x10];
	s15 =	sadd.s32 $0x40, s15;
	[tilespmem:s13+$0xFFFFFFE0] =	vst v8;
	v3 =	vmul.f32 v6, v3  }
0x395: {  	v8 =	vld [tilespmem:s16+$0xFFFFFFF0];
	p1 =	slt.u32 s15, $0xF40;
	[tilespmem:s13+$0xFFFFFFF0] =	vst v9  }
0x396: {  	v9 =	vld [tilespmem:s16+$0x0];
	v5 =	vmul.f32 v7, v5;
	[tilespmem:s13+$0x0] =	vst v3  }
0x397: {  	s13 =	sadd.s32 $0x40, s13;
	v11 =	vld [tilespmem:s16+$0xFFFFFFE0]  }
0x398: {  	v12 =	vmov v4;
	v3 =	vld.idx.msk [tilespmem:v2+s29+$0x0], $0xffff;
	[tilespmem:s13+$0x10] =	vst v5  }
0x399: {  	v13 =	vld [tilespmem:s14+$0xFFFFFFE0]  }
0x39a: {  	v14 =	vld [tilespmem:s14+$0xFFFFFFF0]  }
.Ltmp30:
0x39b: {  	v6 =	vld [tilespmem:s14+$0x0];
	v2 =	vmov v9;
	(pc) =	sbr.rel @p1 .LBB2_57-.Ltmp30, $4  }
0x39c: {  	s14 =	sadd.s32 $0x40, s14;
	v5 =	vld.idx.msk [tilespmem:v10+s29+$0x0], $0xffff  }
0x39d: {  	v7 =	vld [tilespmem:s14+$0x10]  }
0x39e: {  	v4 =	vld.idx.msk [tilespmem:v8+s29+$0x0], $0xffff;
	v8 =	vmul.f32 v13, v1  }
0x39f: {  	s16 =	sadd.s32 $0x40, s16;
	v1 =	vld.idx.msk [tilespmem:v11+s29+$0x0], $0xffff;
	v9 =	vmul.f32 v14, v12  }
0x3a0: {  	_ =	sdelay $0x3  }
0x3a1: {  	v2 =	vld.idx.msk [tilespmem:v2+s29+$0x0], $0xffff  }
0x3a2: {  	v10 =	vld [tilespmem:s14+$0xFFFFFFE0]  }
0x3a3: {  	v11 =	vld [tilespmem:s14+$0xFFFFFFF0]  }
0x3a4: {  	v12 =	vld [tilespmem:s14+$0x0]  }
0x3a5: {  	[tilespmem:s13+$0xFFFFFFE0] =	vst v8;
	v3 =	vmul.f32 v6, v3  }
0x3a6: {  	[tilespmem:s13+$0xFFFFFFF0] =	vst v9;
	v5 =	vmul.f32 v7, v5  }
0x3a7: {  	s17 =	sadd.s32 $0x40, s13;
	[tilespmem:s13+$0x0] =	vst v3;
	v1 =	vmul.f32 v10, v1  }
0x3a8: {  	[tilespmem:s17+$0x10] =	vst v5;
	v3 =	vmul.f32 v11, v4  }
0x3a9: {  	[tilespmem:s17+$0xFFFFFFE0] =	vst v1;
	v1 =	vmul.f32 v12, v2  }
0x3aa: {  	s14 =	simm.s32 $0xF70;
	[tilespmem:s17+$0xFFFFFFF0] =	vst v3  }
0x3ab: {  	s15 =	simm.s32 $0x11F80;
	s16 =	simm.s32 $0xCF80;
	s13 =	simm.s32 $0x2F80;
	[tilespmem:s17+$0x0] =	vst v1  }
.LBB2_59:
0x3ac: {  	v1 =	vld [tilespmem:s13+$0x0];
	_ =	sdelay $0x6  }
0x3ad: {  	v2 =	vld [tilespmem:s16+$0x0]  }
0x3ae: {  	v1 =	vld.idx.msk [tilespmem:v1+s29+$0x0], $0xffff  }
0x3af: {  	s14 =	sadd.s32 $0x10, s14  }
0x3b0: {  	p1 =	slt.u32 s14, $0xF90  }
.Ltmp31:
0x3b1: {  	_ = 	snop;
	(pc) =	sbr.rel @p1 .LBB2_59-.Ltmp31, $3  }
0x3b2: {  	_ = 	snop  }
0x3b3: {  	v1 =	vmul.f32 v2, v1;
	_ =	sdelay $0x1  }
0x3b4: {  	s16 =	sadd.s32 $0x10, s16;
	s13 =	sadd.s32 $0x10, s13;
	[tilespmem:s15+$0x0] =	vst v1;
	s15 =	sadd.s32 $0x10, s15  }
0x3b5: {  	[spmem:s3] =	stream.indirect.scatter.add.f32 [tilespmem:s8], [sflag:$0x2], $0x1, s31, s6, $0xb8;
	[tilespmem:$0x16EE8] =	vst v63  }
0x3b6: {  	s13 =	simm.s32 $0x3020  }
0x3b7: {  	v1 =	vld [tilespmem:s13+$0x10]  }
0x3b8: {  	v2 =	vld [tilespmem:s13+$0xFFFFFFF0]  }
0x3b9: {  	v3 =	vld [tilespmem:s13+$0xFFFFFFE0]  }
0x3ba: {  	s17 =	simm.s32 $0xD020;
	v4 =	vld [tilespmem:s13+$0x0]  }
0x3bb: {  	s14 =	simm.s32 $0x3060;
	v7 =	vld [tilespmem:s17+$0x10]  }
0x3bc: {  	v5 =	vld [tilespmem:s14+$0x10]  }
0x3bd: {  	v10 =	vld [tilespmem:s14+$0xFFFFFFF0]  }
0x3be: {  	v11 =	vld [tilespmem:s14+$0xFFFFFFE0]  }
0x3bf: {  	v12 =	vld [tilespmem:s17+$0xFFFFFFE0]  }
0x3c0: {  	v13 =	vld [tilespmem:s17+$0xFFFFFFF0]  }
0x3c1: {  	v6 =	vld [tilespmem:s17+$0x0]  }
0x3c2: {  	v1 =	vld.idx.msk [tilespmem:v1+s29+$0x0], $0xffff  }
0x3c3: {  	v9 =	vld.idx.msk [tilespmem:v2+s29+$0x0], $0xffff  }
0x3c4: {  	v8 =	vld.idx.msk [tilespmem:v3+s29+$0x0], $0xffff  }
0x3c5: {  	v2 =	vld [tilespmem:s14+$0x0]  }
0x3c6: {  	v3 =	vld.idx.msk [tilespmem:v4+s29+$0x0], $0xffff  }
0x3c7: {  	v5 =	vld.idx.msk [tilespmem:v5+s29+$0x0], $0xffff;
	s14 =	simm.s32 $0xD060  }
0x3c8: {  	v1 =	vmul.f32 v7, v1;
	v7 =	vld [tilespmem:s14+$0x10]  }
0x3c9: {  	s13 =	simm.s32 $0x12020;
	v4 =	vld.idx.msk [tilespmem:v10+s29+$0x0], $0xffff;
	v8 =	vmul.f32 v12, v8  }
0x3ca: {  	s15 =	simm.s32 $0x40;
	s16 =	simm.s32 $0x30A0;
	v9 =	vmul.f32 v13, v9;
	[tilespmem:s13+$0x10] =	vst v1;
	v1 =	vld.idx.msk [tilespmem:v11+s29+$0x0], $0xffff  }
.LBB2_61:
0x3cb: {  	v10 =	vld [tilespmem:s16+$0x10];
	s15 =	sadd.s32 $0x40, s15;
	[tilespmem:s13+$0xFFFFFFE0] =	vst v8;
	v3 =	vmul.f32 v6, v3  }
0x3cc: {  	v8 =	vld [tilespmem:s16+$0xFFFFFFF0];
	p1 =	slt.u32 s15, $0xF40;
	[tilespmem:s13+$0xFFFFFFF0] =	vst v9  }
0x3cd: {  	v9 =	vld [tilespmem:s16+$0x0];
	v5 =	vmul.f32 v7, v5;
	[tilespmem:s13+$0x0] =	vst v3  }
0x3ce: {  	s13 =	sadd.s32 $0x40, s13;
	v11 =	vld [tilespmem:s16+$0xFFFFFFE0]  }
0x3cf: {  	v12 =	vmov v4;
	v3 =	vld.idx.msk [tilespmem:v2+s29+$0x0], $0xffff;
	[tilespmem:s13+$0x10] =	vst v5  }
0x3d0: {  	v13 =	vld [tilespmem:s14+$0xFFFFFFE0]  }
0x3d1: {  	v14 =	vld [tilespmem:s14+$0xFFFFFFF0]  }
.Ltmp32:
0x3d2: {  	v6 =	vld [tilespmem:s14+$0x0];
	v2 =	vmov v9;
	(pc) =	sbr.rel @p1 .LBB2_61-.Ltmp32, $4  }
0x3d3: {  	s14 =	sadd.s32 $0x40, s14;
	v5 =	vld.idx.msk [tilespmem:v10+s29+$0x0], $0xffff  }
0x3d4: {  	v7 =	vld [tilespmem:s14+$0x10]  }
0x3d5: {  	v4 =	vld.idx.msk [tilespmem:v8+s29+$0x0], $0xffff;
	v8 =	vmul.f32 v13, v1  }
0x3d6: {  	s16 =	sadd.s32 $0x40, s16;
	v1 =	vld.idx.msk [tilespmem:v11+s29+$0x0], $0xffff;
	v9 =	vmul.f32 v14, v12  }
0x3d7: {  	_ =	sdelay $0x3  }
0x3d8: {  	v2 =	vld.idx.msk [tilespmem:v2+s29+$0x0], $0xffff  }
0x3d9: {  	v10 =	vld [tilespmem:s14+$0xFFFFFFE0]  }
0x3da: {  	v11 =	vld [tilespmem:s14+$0xFFFFFFF0]  }
0x3db: {  	v12 =	vld [tilespmem:s14+$0x0]  }
0x3dc: {  	[tilespmem:s13+$0xFFFFFFE0] =	vst v8;
	v3 =	vmul.f32 v6, v3  }
0x3dd: {  	[tilespmem:s13+$0xFFFFFFF0] =	vst v9;
	v5 =	vmul.f32 v7, v5  }
0x3de: {  	s17 =	sadd.s32 $0x40, s13;
	[tilespmem:s13+$0x0] =	vst v3;
	v1 =	vmul.f32 v10, v1  }
0x3df: {  	[tilespmem:s17+$0x10] =	vst v5;
	v3 =	vmul.f32 v11, v4  }
0x3e0: {  	[tilespmem:s17+$0xFFFFFFE0] =	vst v1;
	v1 =	vmul.f32 v12, v2  }
0x3e1: {  	s14 =	simm.s32 $0xF70;
	[tilespmem:s17+$0xFFFFFFF0] =	vst v3  }
0x3e2: {  	s15 =	simm.s32 $0x12F80;
	s16 =	simm.s32 $0xDF80;
	s13 =	simm.s32 $0x3F80;
	[tilespmem:s17+$0x0] =	vst v1  }
.LBB2_63:
0x3e3: {  	v1 =	vld [tilespmem:s13+$0x0];
	_ =	sdelay $0x6  }
0x3e4: {  	v2 =	vld [tilespmem:s16+$0x0]  }
0x3e5: {  	v1 =	vld.idx.msk [tilespmem:v1+s29+$0x0], $0xffff  }
0x3e6: {  	s14 =	sadd.s32 $0x10, s14  }
0x3e7: {  	p1 =	slt.u32 s14, $0xF90  }
.Ltmp33:
0x3e8: {  	_ = 	snop;
	(pc) =	sbr.rel @p1 .LBB2_63-.Ltmp33, $3  }
0x3e9: {  	_ = 	snop  }
0x3ea: {  	v1 =	vmul.f32 v2, v1;
	_ =	sdelay $0x1  }
0x3eb: {  	s16 =	sadd.s32 $0x10, s16;
	s13 =	sadd.s32 $0x10, s13;
	[tilespmem:s15+$0x0] =	vst v1;
	s15 =	sadd.s32 $0x10, s15  }
0x3ec: {  	[spmem:s3] =	stream.indirect.scatter.add.f32 [tilespmem:s9], [sflag:$0x2], $0x1, s21, s6, $0xb8;
	[tilespmem:$0x16EE8] =	vst v63  }
0x3ed: {  	s13 =	simm.s32 $0x4020  }
0x3ee: {  	v1 =	vld [tilespmem:s13+$0x10]  }
0x3ef: {  	v2 =	vld [tilespmem:s13+$0xFFFFFFF0]  }
0x3f0: {  	v3 =	vld [tilespmem:s13+$0xFFFFFFE0]  }
0x3f1: {  	s17 =	simm.s32 $0xE020;
	v4 =	vld [tilespmem:s13+$0x0]  }
0x3f2: {  	s14 =	simm.s32 $0x4060;
	v7 =	vld [tilespmem:s17+$0x10]  }
0x3f3: {  	v5 =	vld [tilespmem:s14+$0x10]  }
0x3f4: {  	v10 =	vld [tilespmem:s14+$0xFFFFFFF0]  }
0x3f5: {  	v11 =	vld [tilespmem:s14+$0xFFFFFFE0]  }
0x3f6: {  	v12 =	vld [tilespmem:s17+$0xFFFFFFE0]  }
0x3f7: {  	v13 =	vld [tilespmem:s17+$0xFFFFFFF0]  }
0x3f8: {  	v6 =	vld [tilespmem:s17+$0x0]  }
0x3f9: {  	v1 =	vld.idx.msk [tilespmem:v1+s29+$0x0], $0xffff  }
0x3fa: {  	v9 =	vld.idx.msk [tilespmem:v2+s29+$0x0], $0xffff  }
0x3fb: {  	v8 =	vld.idx.msk [tilespmem:v3+s29+$0x0], $0xffff  }
0x3fc: {  	v2 =	vld [tilespmem:s14+$0x0]  }
0x3fd: {  	v3 =	vld.idx.msk [tilespmem:v4+s29+$0x0], $0xffff  }
0x3fe: {  	v5 =	vld.idx.msk [tilespmem:v5+s29+$0x0], $0xffff;
	s14 =	simm.s32 $0xE060  }
0x3ff: {  	v1 =	vmul.f32 v7, v1;
	v7 =	vld [tilespmem:s14+$0x10]  }
0x400: {  	s13 =	simm.s32 $0x13020;
	v4 =	vld.idx.msk [tilespmem:v10+s29+$0x0], $0xffff;
	v8 =	vmul.f32 v12, v8  }
0x401: {  	s15 =	simm.s32 $0x40;
	s16 =	simm.s32 $0x40A0;
	v9 =	vmul.f32 v13, v9;
	[tilespmem:s13+$0x10] =	vst v1;
	v1 =	vld.idx.msk [tilespmem:v11+s29+$0x0], $0xffff  }
.LBB2_65:
0x402: {  	v10 =	vld [tilespmem:s16+$0x10];
	s15 =	sadd.s32 $0x40, s15;
	[tilespmem:s13+$0xFFFFFFE0] =	vst v8;
	v3 =	vmul.f32 v6, v3  }
0x403: {  	v8 =	vld [tilespmem:s16+$0xFFFFFFF0];
	p1 =	slt.u32 s15, $0xF40;
	[tilespmem:s13+$0xFFFFFFF0] =	vst v9  }
0x404: {  	v9 =	vld [tilespmem:s16+$0x0];
	v5 =	vmul.f32 v7, v5;
	[tilespmem:s13+$0x0] =	vst v3  }
0x405: {  	s13 =	sadd.s32 $0x40, s13;
	v11 =	vld [tilespmem:s16+$0xFFFFFFE0]  }
0x406: {  	v12 =	vmov v4;
	v3 =	vld.idx.msk [tilespmem:v2+s29+$0x0], $0xffff;
	[tilespmem:s13+$0x10] =	vst v5  }
0x407: {  	v13 =	vld [tilespmem:s14+$0xFFFFFFE0]  }
0x408: {  	v14 =	vld [tilespmem:s14+$0xFFFFFFF0]  }
.Ltmp34:
0x409: {  	v6 =	vld [tilespmem:s14+$0x0];
	v2 =	vmov v9;
	(pc) =	sbr.rel @p1 .LBB2_65-.Ltmp34, $4  }
0x40a: {  	s14 =	sadd.s32 $0x40, s14;
	v5 =	vld.idx.msk [tilespmem:v10+s29+$0x0], $0xffff  }
0x40b: {  	v7 =	vld [tilespmem:s14+$0x10]  }
0x40c: {  	v4 =	vld.idx.msk [tilespmem:v8+s29+$0x0], $0xffff;
	v8 =	vmul.f32 v13, v1  }
0x40d: {  	s16 =	sadd.s32 $0x40, s16;
	v1 =	vld.idx.msk [tilespmem:v11+s29+$0x0], $0xffff;
	v9 =	vmul.f32 v14, v12  }
0x40e: {  	_ =	sdelay $0x3  }
0x40f: {  	v2 =	vld.idx.msk [tilespmem:v2+s29+$0x0], $0xffff  }
0x410: {  	v10 =	vld [tilespmem:s14+$0xFFFFFFE0]  }
0x411: {  	v11 =	vld [tilespmem:s14+$0xFFFFFFF0]  }
0x412: {  	v12 =	vld [tilespmem:s14+$0x0]  }
0x413: {  	[tilespmem:s13+$0xFFFFFFE0] =	vst v8;
	v3 =	vmul.f32 v6, v3  }
0x414: {  	[tilespmem:s13+$0xFFFFFFF0] =	vst v9;
	v5 =	vmul.f32 v7, v5  }
0x415: {  	s17 =	sadd.s32 $0x40, s13;
	[tilespmem:s13+$0x0] =	vst v3;
	v1 =	vmul.f32 v10, v1  }
0x416: {  	[tilespmem:s17+$0x10] =	vst v5;
	v3 =	vmul.f32 v11, v4  }
0x417: {  	[tilespmem:s17+$0xFFFFFFE0] =	vst v1;
	v1 =	vmul.f32 v12, v2  }
0x418: {  	s14 =	simm.s32 $0xF70;
	[tilespmem:s17+$0xFFFFFFF0] =	vst v3  }
0x419: {  	s15 =	simm.s32 $0x13F80;
	s16 =	simm.s32 $0xEF80;
	s13 =	simm.s32 $0x4F80;
	[tilespmem:s17+$0x0] =	vst v1  }
.LBB2_67:
0x41a: {  	v1 =	vld [tilespmem:s13+$0x0];
	_ =	sdelay $0x6  }
0x41b: {  	v2 =	vld [tilespmem:s16+$0x0]  }
0x41c: {  	v1 =	vld.idx.msk [tilespmem:v1+s29+$0x0], $0xffff  }
0x41d: {  	s14 =	sadd.s32 $0x10, s14  }
0x41e: {  	p1 =	slt.u32 s14, $0xF90  }
.Ltmp35:
0x41f: {  	_ = 	snop;
	(pc) =	sbr.rel @p1 .LBB2_67-.Ltmp35, $3  }
0x420: {  	_ = 	snop  }
0x421: {  	v1 =	vmul.f32 v2, v1;
	_ =	sdelay $0x1  }
0x422: {  	s16 =	sadd.s32 $0x10, s16;
	s13 =	sadd.s32 $0x10, s13;
	[tilespmem:s15+$0x0] =	vst v1;
	s15 =	sadd.s32 $0x10, s15  }
0x423: {  	[spmem:s3] =	stream.indirect.scatter.add.f32 [tilespmem:s10], [sflag:$0x2], $0x1, s19, s6, $0xb8;
	[tilespmem:$0x16EE8] =	vst v63  }
0x424: {  	_ =	swait.ge [sflag:s11], $0xFA0  }
0x425: {  	[sflag:s11] =	ssyncset.done $0x0  }
0x426: {  	[sflag:s11] =	ssyncadd.s32 $0xFFFFF060  }
0x427: {  	_ =	swait.ge [sflag:s11], $0xFA0  }
0x428: {  	[sflag:s11] =	ssyncset.done $0x0  }
0x429: {  	[sflag:s11] =	ssyncadd.s32 $0xFFFFF060  }
0x42a: {  	_ =	swait.ge [sflag:s11], $0xFA0  }
0x42b: {  	[sflag:s11] =	ssyncset.done $0x0  }
0x42c: {  	[sflag:s11] =	ssyncadd.s32 $0xFFFFF060  }
0x42d: {  	_ =	swait.ge [sflag:s11], $0xFA0  }
.Ltmp36:
0x42e: {  	[sflag:s11] =	ssyncset.done $0x0;
	(pc) =	sbr.rel .LBB2_69-.Ltmp36, $4  }
0x42f: {  	[sflag:s11] =	ssyncadd.s32 $0xFFFFF060  }
0x430: {  	_ =	swait.ge [sflag:s11], $0xFA0  }
0x431: {  	[sflag:s11] =	ssyncset.done $0x0  }
0x432: {  	[sflag:s11] =	ssyncadd.s32 $0xFFFFF060  }
.LBB2_70:
0x433: {  	_ =	sfence.sel $0x180000  }
0x434: {  	[bflag:$0x0] =	sbarrier.arrive $0xFFFF  }
0x435: {  	_ =	strace $0x90000047  }
0x436: {  	s0 =	stileid.u32;
	[bflag:$0x2] =	sbarrier.arrive $0xFFFF  }
0x437: {  	p0 =	sne.s32 s0, $0x0;
	s0 =	rddreg [dreg:$0x6]  }
0x438: {  	s0 =	sadd.s32 @!p0 $0x100000, s0  }
0x439: {  	[sflag:s0] =	ssyncadd.tile.s32 @!p0 $0x1;
	_ =	shalt  }
.Lfunc_end2:
_tile_overlayer_lowered:
.L_overlay_start_2:
0x43a: {  	(tag) =	ssettag $0x2  }
0x43b: {  	s0 =	rddreg [dreg:$0x0];
	s2 =	stileid.u32  }
0x43c: {  	s1 =	rddreg [dreg:$0x1];
	p0 =	sne.s32 s2, $0x0  }
0x43d: {  	s3 =	rddreg [dreg:$0x2];
	[bflag:$0x3] =	sbarrier.arrive $0xFFFF;
	s2 =	simm.s32 @!p0 $0x1C03  }
0x43e: {  	[timem:s3], [sflag:s2] =	dma.local @!p0 [hbm:s0], s1  }
0x43f: {  	s0 =	simm.s32 @!p0 $0x3  }
0x440: {  	_ =	swait.ge @!p0 [sflag:s0], s1  }
0x441: {  	s1 =	ssub.s32 @!p0 $0x0, s1;
	[sflag:s0] =	ssyncset.done @!p0 $0x0  }
0x442: {  	[sflag:s0] =	ssyncadd.s32 @!p0 s1  }
0x443: {  	[bflag:$0x3] =	sbarrier.arrive $0xFFFF  }
0x444: {  	_ =	shalt  }

</sc_bundles>
